<compile_context>
chip_gen: v7x
topology: tpu7x:2x2x1
jax: 0.10.2.dev20260603
libtpu: 0.0.44.dev20260713+nightly
codegen_flags: <defaults>
</compile_context>

<pallas_src>
import functools

import jax
import jax.numpy as jnp
import numpy as np
from jax import lax
from jax.experimental import pallas as pl
from jax.experimental.pallas import tpu as pltpu
from jax.experimental.pallas import tpu_sc as plsc

P_BLK = 512
T_BLK = 128
_GRID_N = 64
_NV = _GRID_N * _GRID_N
_NF = 2 * (_GRID_N - 1) * (_GRID_N - 1)
_FPAD = 8192


def _grid_incidence():
    faces = []
    n = _GRID_N
    for i in range(n - 1):
        for j in range(n - 1):
            v0 = i * n + j
            faces.append([v0, v0 + 1, v0 + n])
            faces.append([v0 + 1, v0 + n + 1, v0 + n])
    faces = np.asarray(faces, dtype=np.int32)
    deg = np.zeros(n * n, np.int32)
    inc = -np.ones((6, n * n), np.int32)
    for fi, f in enumerate(faces):
        for v in f:
            inc[deg[v], v] = fi
            deg[v] += 1
    return inc


def _sc_rsqrt(x):
    i = plsc.bitcast(x, jnp.int32)
    i = jnp.int32(0x5F3759DF) - (i >> 1)
    y = plsc.bitcast(i, jnp.float32)
    for _ in range(3):
        y = y * (1.5 - 0.5 * x * y * y)
    return y


def _sc_sqrt(x):
    xc = jnp.maximum(x, 1e-30)
    return xc * _sc_rsqrt(xc)


def _nearest_body(pts_ref, tri_ref, out_ref, *, t_pad):
    px = pts_ref[0, 0:1, :]
    py = pts_ref[0, 1:2, :]
    pz = pts_ref[0, 2:3, :]

    t_iota = jax.lax.broadcasted_iota(jnp.int32, (T_BLK, P_BLK), 0)
    eps = 1e-12

    def body(t, carry):
        best_sq, best_idx = carry
        base = t * T_BLK

        def s(k):
            return tri_ref[0, pl.ds(base, T_BLK), k:k + 1]

        abx, aby, abz = s(0), s(1), s(2)
        acx, acy, acz = s(3), s(4), s(5)
        ax, ay, az = s(6), s(7), s(8)
        abab, abac, acac = s(9), s(10), s(11)
        inv_abab, inv_acac, inv_bcbc = s(12), s(13), s(14)

        apx = px - ax
        apy = py - ay
        apz = pz - az
        d1 = abx * apx + aby * apy + abz * apz
        d2 = acx * apx + acy * apy + acz * apz
        d3 = d1 - abab
        d4 = d2 - abac
        d5 = d1 - abac
        d6 = d2 - acac
        vc = d1 * d4 - d3 * d2
        vb = d5 * d2 - d1 * d6
        va = d3 * d6 - d5 * d4

        cond_a = (d1 <= 0.0) & (d2 <= 0.0)
        cond_b = (d3 >= 0.0) & (d4 <= d3)
        cond_c = (d6 >= 0.0) & (d5 <= d6)
        cond_ab = (vc <= 0.0) & (d1 >= 0.0) & (d3 <= 0.0)
        cond_ac = (vb <= 0.0) & (d2 >= 0.0) & (d6 <= 0.0)
        u1 = d4 - d3
        u2 = d5 - d6
        cond_bc = (va <= 0.0) & (u1 >= 0.0) & (u2 >= 0.0)

        t_ab = d1 * inv_abab
        t_ac = d2 * inv_acac
        t_bc = u1 * inv_bcbc
        r = 1.0 / jnp.maximum(va + vb + vc, eps)
        zero = jnp.zeros_like(d1)
        one = jnp.ones_like(d1)
        sb = vb * r
        wb = vc * r
        sb = jnp.where(cond_bc, 1.0 - t_bc, sb)
        wb = jnp.where(cond_bc, t_bc, wb)
        sb = jnp.where(cond_ac, zero, sb)
        wb = jnp.where(cond_ac, t_ac, wb)
        sb = jnp.where(cond_ab, t_ab, sb)
        wb = jnp.where(cond_ab, zero, wb)
        sb = jnp.where(cond_c, zero, sb)
        wb = jnp.where(cond_c, one, wb)
        sb = jnp.where(cond_b, one, sb)
        wb = jnp.where(cond_b, zero, wb)
        sb = jnp.where(cond_a, zero, sb)
        wb = jnp.where(cond_a, zero, wb)

        dx = apx - sb * abx - wb * acx
        dy = apy - sb * aby - wb * acy
        dz = apz - sb * abz - wb * acz
        sq = dx * dx + dy * dy + dz * dz

        idx = t_iota + base
        lt = sq < best_sq
        return jnp.where(lt, sq, best_sq), jnp.where(lt, idx, best_idx)

    init = (jnp.full((T_BLK, P_BLK), jnp.inf, jnp.float32),
            jnp.full((T_BLK, P_BLK), jnp.int32(2 ** 30), jnp.int32))
    best_sq, best_idx = jax.lax.fori_loop(0, t_pad // T_BLK, body, init)

    m = jnp.min(best_sq, axis=0, keepdims=True)
    cand = jnp.where(best_sq == m, best_idx, jnp.int32(2 ** 30))
    out_ref[0, 0] = jnp.min(cand, axis=0, keepdims=True)


def _pack_tris(bv, faces, t_pad):
    a = bv[faces[:, 0]]
    b = bv[faces[:, 1]]
    c = bv[faces[:, 2]]
    ab = b - a
    ac = c - a
    abab = jnp.sum(ab * ab, -1)
    abac = jnp.sum(ab * ac, -1)
    acac = jnp.sum(ac * ac, -1)
    bcbc = abab - 2.0 * abac + acac
    eps = 1e-12
    cols = [
        ab[:, 0], ab[:, 1], ab[:, 2],
        ac[:, 0], ac[:, 1], ac[:, 2],
        a[:, 0], a[:, 1], a[:, 2],
        abab, abac, acac,
        1.0 / jnp.maximum(abab, eps), 1.0 / jnp.maximum(acac, eps),
        1.0 / jnp.maximum(bcbc, eps),
        jnp.zeros_like(abab),
    ]
    tri = jnp.stack(cols, axis=-1)
    f = faces.shape[0]
    pad = jnp.zeros((t_pad - f, 16), jnp.float32)
    pad = pad.at[:, 6:9].set(1e4)
    return jnp.concatenate([tri, pad], axis=0)


def _nearest_pallas(g_pts, tri_packed, t_pad):
    n = g_pts.shape[2]
    npb = n // P_BLK
    grid = (2, npb)
    out = pl.pallas_call(
        functools.partial(_nearest_body, t_pad=t_pad),
        grid=grid,
        in_specs=[
            pl.BlockSpec((1, 3, P_BLK), lambda b, p: (b, 0, p)),
            pl.BlockSpec((1, t_pad, 16), lambda b, p: (b, 0, 0)),
        ],
        out_specs=pl.BlockSpec((1, 1, 1, P_BLK), lambda b, p: (b, p, 0, 0)),
        out_shape=jax.ShapeDtypeStruct((2, npb, 1, P_BLK), jnp.int32),
    )(g_pts, tri_packed)
    return out.reshape(2, n)


def _sc_finalize(g_pts, bv_pts, faces_t, inc, ntri):
    mesh = plsc.VectorSubcoreMesh(core_axis_name="c", subcore_axis_name="s")
    NT = 16
    PF = _FPAD // NT
    PV = _NV // NT
    eps = 1e-12

    @functools.partial(
        pl.kernel, mesh=mesh,
        compiler_params=pltpu.CompilerParams(needs_layout_passes=False),
        out_type=jax.ShapeDtypeStruct((32,), jnp.float32),
        scratch_types=[
            pltpu.VMEM((_NV,), jnp.float32),
            pltpu.VMEM((_NV,), jnp.float32),
            pltpu.VMEM((_NV,), jnp.float32),
            pltpu.VMEM((_FPAD,), jnp.int32),
            pltpu.VMEM((_FPAD,), jnp.int32),
            pltpu.VMEM((_FPAD,), jnp.int32),
            pltpu.VMEM((PF,), jnp.float32),
            pltpu.VMEM((PF,), jnp.float32),
            pltpu.VMEM((PF,), jnp.float32),
            pltpu.VMEM((_FPAD,), jnp.float32),
            pltpu.VMEM((_FPAD,), jnp.float32),
            pltpu.VMEM((_FPAD,), jnp.float32),
            pltpu.VMEM((6 * PV,), jnp.int32),
            pltpu.VMEM((3 * PV,), jnp.float32),
            pltpu.VMEM((_NV,), jnp.float32),
            pltpu.VMEM((_NV,), jnp.float32),
            pltpu.VMEM((_NV,), jnp.float32),
            pltpu.VMEM((3 * PV,), jnp.float32),
            pltpu.VMEM((PV,), jnp.int32),
            pltpu.VMEM((16,), jnp.float32),
            pltpu.VMEM((256,), jnp.float32),
            pltpu.VMEM((16,), jnp.float32),
            pltpu.VMEM_SHARED((3 * _FPAD,), jnp.float32),
            pltpu.VMEM_SHARED((3 * _NV,), jnp.float32),
            pltpu.VMEM_SHARED((256,), jnp.float32),
        ],
    )
    def k(g_hbm, bv_hbm, faces_hbm, inc_hbm, ntri_hbm, out_hbm,
          bvx_v, bvy_v, bvz_v, f0_v, f1_v, f2_v,
          fncx_v, fncy_v, fncz_v, fnx_v, fny_v, fnz_v,
          inc_v, vnc_v, vnx_v, vny_v, vnz_v, gc_v, nt_v,
          acc_v, pt_v, ov_v, fn_sh, vn_sh, ps_sh):
        s = lax.axis_index("s")
        c = lax.axis_index("c")
        fbase = s * PF
        vbase = s * PV

        bvv = (bvx_v, bvy_v, bvz_v)
        fv_ = (f0_v, f1_v, f2_v)
        fncv = (fncx_v, fncy_v, fncz_v)
        fnv = (fnx_v, fny_v, fnz_v)
        vnv = (vnx_v, vny_v, vnz_v)
        for kk in range(3):
            pltpu.sync_copy(bv_hbm.at[pl.ds(c * 3 * _NV + kk * _NV, _NV)], bvv[kk])
            pltpu.sync_copy(faces_hbm.at[pl.ds(kk * _FPAD, _FPAD)], fv_[kk])
            pltpu.sync_copy(g_hbm.at[pl.ds(c * 3 * _NV + kk * _NV + vbase, PV)],
                            gc_v.at[pl.ds(kk * PV, PV)])
        for kk in range(6):
            pltpu.sync_copy(inc_hbm.at[pl.ds(kk * _NV + vbase, PV)],
                            inc_v.at[pl.ds(kk * PV, PV)])
        pltpu.sync_copy(ntri_hbm.at[pl.ds(c * _NV + vbase, PV)], nt_v)

        def gat(ref, idx):
            return plsc.load_gather(ref, [idx])

        def fa(j, _):
            sl = pl.ds(fbase + j * 16, 16)
            i0 = f0_v[sl]
            i1 = f1_v[sl]
            i2 = f2_v[sl]
            ax, ay, az = gat(bvx_v, i0), gat(bvy_v, i0), gat(bvz_v, i0)
            bx, by, bz = gat(bvx_v, i1), gat(bvy_v, i1), gat(bvz_v, i1)
            cx, cy, cz = gat(bvx_v, i2), gat(bvy_v, i2), gat(bvz_v, i2)
            abx, aby, abz = bx - ax, by - ay, bz - az
            acx, acy, acz = cx - ax, cy - ay, cz - az
            nx = aby * acz - abz * acy
            ny = abz * acx - abx * acz
            nz = abx * acy - aby * acx
            inv = 1.0 / (_sc_sqrt(nx * nx + ny * ny + nz * nz) + 1e-10)
            lsl = pl.ds(j * 16, 16)
            fncx_v[lsl] = nx * inv
            fncy_v[lsl] = ny * inv
            fncz_v[lsl] = nz * inv
            return 0

        lax.fori_loop(0, PF // 16, fa, 0)
        for kk in range(3):
            pltpu.sync_copy(fncv[kk], fn_sh.at[pl.ds(kk * _FPAD + fbase, PF)])
        plsc.subcore_barrier()
        for kk in range(3):
            pltpu.sync_copy(fn_sh.at[pl.ds(kk * _FPAD, _FPAD)], fnv[kk])

        def fvv(j, _):
            lsl = pl.ds(j * 16, 16)
            accx = jnp.zeros((16,), jnp.float32)
            accy = jnp.zeros((16,), jnp.float32)
            accz = jnp.zeros((16,), jnp.float32)
            for d in range(6):
                fidx = inc_v[pl.ds(d * PV + j * 16, 16)]
                m = fidx >= 0
                fi = jnp.maximum(fidx, 0)
                accx = accx + jnp.where(m, gat(fnx_v, fi), 0.0)
                accy = accy + jnp.where(m, gat(fny_v, fi), 0.0)
                accz = accz + jnp.where(m, gat(fnz_v, fi), 0.0)
            inv = 1.0 / (_sc_sqrt(accx * accx + accy * accy + accz * accz) + 1e-10)
            vnc_v[pl.ds(0 * PV + j * 16, 16)] = accx * inv
            vnc_v[pl.ds(1 * PV + j * 16, 16)] = accy * inv
            vnc_v[pl.ds(2 * PV + j * 16, 16)] = accz * inv
            return 0

        lax.fori_loop(0, PV // 16, fvv, 0)
        for kk in range(3):
            pltpu.sync_copy(vnc_v.at[pl.ds(kk * PV, PV)],
                            vn_sh.at[pl.ds(kk * _NV + vbase, PV)])
        plsc.subcore_barrier()
        for kk in range(3):
            pltpu.sync_copy(vn_sh.at[pl.ds(kk * _NV, _NV)], vnv[kk])

        def fp(j, acc):
            lsl = pl.ds(j * 16, 16)
            it = nt_v[lsl]
            v0 = gat(f0_v, it)
            v1 = gat(f1_v, it)
            v2 = gat(f2_v, it)
            ax, ay, az = gat(bvx_v, v0), gat(bvy_v, v0), gat(bvz_v, v0)
            bx, by, bz = gat(bvx_v, v1), gat(bvy_v, v1), gat(bvz_v, v1)
            cx, cy, cz = gat(bvx_v, v2), gat(bvy_v, v2), gat(bvz_v, v2)
            gx = gc_v[pl.ds(0 * PV + j * 16, 16)]
            gy = gc_v[pl.ds(1 * PV + j * 16, 16)]
            gz = gc_v[pl.ds(2 * PV + j * 16, 16)]

            abx, aby, abz = bx - ax, by - ay, bz - az
            acx, acy, acz = cx - ax, cy - ay, cz - az
            apx, apy, apz = gx - ax, gy - ay, gz - az
            d1 = abx * apx + aby * apy + abz * apz
            d2 = acx * apx + acy * apy + acz * apz
            bpx, bpy, bpz = gx - bx, gy - by, gz - bz
            d3 = abx * bpx + aby * bpy + abz * bpz
            d4 = acx * bpx + acy * bpy + acz * bpz
            cpx, cpy, cpz = gx - cx, gy - cy, gz - cz
            d5 = abx * cpx + aby * cpy + abz * cpz
            d6 = acx * cpx + acy * cpy + acz * cpz
            vcb = d1 * d4 - d3 * d2
            vbb = d5 * d2 - d1 * d6
            vab = d3 * d6 - d5 * d4
            cond_a = (d1 <= 0.0) & (d2 <= 0.0)
            cond_b = (d3 >= 0.0) & (d4 <= d3)
            cond_c = (d6 >= 0.0) & (d5 <= d6)
            cond_ab = (vcb <= 0.0) & (d1 >= 0.0) & (d3 <= 0.0)
            cond_ac = (vbb <= 0.0) & (d2 >= 0.0) & (d6 <= 0.0)
            cond_bc = (vab <= 0.0) & ((d4 - d3) >= 0.0) & ((d5 - d6) >= 0.0)
            t_ab = d1 / jnp.maximum(d1 - d3, eps)
            t_ac = d2 / jnp.maximum(d2 - d6, eps)
            t_bc = (d4 - d3) / jnp.maximum((d4 - d3) + (d5 - d6), eps)
            denom = jnp.maximum(vab + vbb + vcb, eps)
            vv = vbb / denom
            ww = vcb / denom
            ptx = ax + vv * abx + ww * acx
            pty = ay + vv * aby + ww * acy
            ptz = az + vv * abz + ww * acz
            part = jnp.zeros((16,), jnp.int32)

            def ovr(cond, qx, qy, qz, code, px_, py_, pz_, pp_):
                return (jnp.where(cond, qx, px_), jnp.where(cond, qy, py_),
                        jnp.where(cond, qz, pz_),
                        jnp.where(cond, jnp.int32(code), pp_))

            ptx, pty, ptz, part = ovr(cond_bc, bx + t_bc * (cx - bx),
                                      by + t_bc * (cy - by), bz + t_bc * (cz - bz),
                                      2, ptx, pty, ptz, part)
            ptx, pty, ptz, part = ovr(cond_ac, ax + t_ac * acx, ay + t_ac * acy,
                                      az + t_ac * acz, 3, ptx, pty, ptz, part)
            ptx, pty, ptz, part = ovr(cond_ab, ax + t_ab * abx, ay + t_ab * aby,
                                      az + t_ab * abz, 1, ptx, pty, ptz, part)
            ptx, pty, ptz, part = ovr(cond_c, cx, cy, cz, 6, ptx, pty, ptz, part)
            ptx, pty, ptz, part = ovr(cond_b, bx, by, bz, 5, ptx, pty, ptz, part)
            ptx, pty, ptz, part = ovr(cond_a, ax, ay, az, 4, ptx, pty, ptz, part)

            fnx = gat(fnx_v, it)
            fny = gat(fny_v, it)
            fnz = gat(fnz_v, it)
            v0x, v0y, v0z = gat(vnx_v, v0), gat(vny_v, v0), gat(vnz_v, v0)
            v1x, v1y, v1z = gat(vnx_v, v1), gat(vny_v, v1), gat(vnz_v, v1)
            v2x, v2y, v2z = gat(vnx_v, v2), gat(vny_v, v2), gat(vnz_v, v2)

            def pick(e, x0, x1, x2):
                return jnp.where(e == 0, x0, jnp.where(e == 1, x1, x2))

            tri_m = part == 0
            vert_m = part > 3
            edge_m = (part >= 1) & (part <= 3)
            vidx = jnp.clip(part - 4, 0, 2)
            e1 = jnp.clip(part - 1, 0, 2)
            e2 = jnp.mod(part, 3)
            nx = jnp.where(tri_m, fnx, 0.0)
            ny = jnp.where(tri_m, fny, 0.0)
            nz = jnp.where(tri_m, fnz, 0.0)
            nx = jnp.where(vert_m, pick(vidx, v0x, v1x, v2x), nx)
            ny = jnp.where(vert_m, pick(vidx, v0y, v1y, v2y), ny)
            nz = jnp.where(vert_m, pick(vidx, v0z, v1z, v2z), nz)
            esx = pick(e1, v0x, v1x, v2x) + pick(e2, v0x, v1x, v2x)
            esy = pick(e1, v0y, v1y, v2y) + pick(e2, v0y, v1y, v2y)
            esz = pick(e1, v0z, v1z, v2z) + pick(e2, v0z, v1z, v2z)
            nx = jnp.where(edge_m, esx, nx)
            ny = jnp.where(edge_m, esy, ny)
            nz = jnp.where(edge_m, esz, nz)
            inv = 1.0 / (_sc_sqrt(nx * nx + ny * ny + nz * nz) + 1e-10)
            nx, ny, nz = nx * inv, ny * inv, nz * inv
            dist = jnp.maximum(
                -((gx - ptx) * nx + (gy - pty) * ny + (gz - ptz) * nz), 0.0)
            return acc + dist

        acc = lax.fori_loop(0, PV // 16, fp, jnp.zeros((16,), jnp.float32))
        acc_v[...] = acc
        pltpu.sync_copy(acc_v, ps_sh.at[pl.ds(s * 16, 16)])
        plsc.subcore_barrier()

        @pl.when(s == 0)
        def _():
            pltpu.sync_copy(ps_sh, pt_v)
            tot = jnp.zeros((16,), jnp.float32)
            for i in range(16):
                tot = tot + pt_v[pl.ds(i * 16, 16)]
            total = jnp.sum(tot, axis=0)
            ov_v[...] = jnp.zeros((16,), jnp.float32) + total
            pltpu.sync_copy(ov_v, out_hbm.at[pl.ds(c * 16, 16)])

    return k(g_pts.reshape(-1), bv_pts.reshape(-1), faces_t.reshape(-1),
             inc.reshape(-1), ntri.reshape(-1)).reshape(2, 16)


def kernel(batch_garment_verts, batch_body_verts, body_faces):
    faces = body_faces.astype(jnp.int32)
    f = faces.shape[0]
    t_pad = ((f + T_BLK - 1) // T_BLK) * T_BLK

    g = batch_garment_verts
    g_pts = jnp.swapaxes(g, 1, 2)

    tri_packed = jnp.stack(
        [_pack_tris(batch_body_verts[i], faces, t_pad) for i in range(2)], axis=0)

    ntri = _nearest_pallas(g_pts, tri_packed, t_pad)

    bv_pts = jnp.swapaxes(batch_body_verts, 1, 2)
    faces_t = jnp.concatenate(
        [faces.T, jnp.zeros((3, _FPAD - f), jnp.int32)], axis=1)
    inc = jnp.asarray(_grid_incidence())
    out16 = _sc_finalize(g_pts, bv_pts, faces_t, inc, ntri)
    return out16[:, 0]

# --- scband reference (transcript-rebuilt; emitter-appended) ---
"""Pipeline reference for scband-soft-collision-loss-23167053595265 (READ-ONLY COPY).

The authoritative reference and input builder live on the scoring server;
editing this copy changes nothing except your own understanding.
"""

import jax, jax.numpy as jnp
import numpy as np

GRID_N = 64
CHUNK = 128


def _make_grid_faces(n):
    faces = []
    for i in range(n - 1):
        for j in range(n - 1):
            v0 = i * n + j
            faces.append([v0, v0 + 1, v0 + n])
            faces.append([v0 + 1, v0 + n + 1, v0 + n])
    return np.asarray(faces, dtype=np.int64)


def setup_inputs(seed: int = 0):
    key = jax.random.key(seed)
    k1, k2 = jax.random.split(key)
    batch_garment_verts = jax.random.uniform(k1, (2, 4096, 3), dtype=jnp.float32)
    batch_body_verts = jax.random.uniform(k2, (2, 4096, 3), dtype=jnp.float32)
    body_faces = jnp.asarray(_make_grid_faces(GRID_N))
    return {"batch_garment_verts": batch_garment_verts,
            "batch_body_verts": batch_body_verts,
            "body_faces": body_faces}


def _closest_point_tri(p, a, b, c):
    # p: [n,1,3]; a,b,c: [1,F,3]. Ericson closest-point-on-triangle with region codes
    # matching the AABB-tree convention: 0=face interior, 1..3=edges, 4..6=vertices.
    ab = b - a
    ac = c - a
    ap = p - a
    d1 = jnp.sum(ab * ap, -1)
    d2 = jnp.sum(ac * ap, -1)
    bp = p - b
    d3 = jnp.sum(ab * bp, -1)
    d4 = jnp.sum(ac * bp, -1)
    cp = p - c
    d5 = jnp.sum(ab * cp, -1)
    d6 = jnp.sum(ac * cp, -1)
    vc = d1 * d4 - d3 * d2
    vb = d5 * d2 - d1 * d6
    va = d3 * d6 - d5 * d4
    eps = 1e-12
    cond_a = (d1 <= 0) & (d2 <= 0)
    cond_b = (d3 >= 0) & (d4 <= d3)
    cond_c = (d6 >= 0) & (d5 <= d6)
    cond_ab = (vc <= 0) & (d1 >= 0) & (d3 <= 0)
    cond_ac = (vb <= 0) & (d2 >= 0) & (d6 <= 0)
    cond_bc = (va <= 0) & ((d4 - d3) >= 0) & ((d5 - d6) >= 0)
    t_ab = d1 / jnp.maximum(d1 - d3, eps)
    pt_ab = a + t_ab[..., None] * ab
    t_ac = d2 / jnp.maximum(d2 - d6, eps)
    pt_ac = a + t_ac[..., None] * ac
    t_bc = (d4 - d3) / jnp.maximum((d4 - d3) + (d5 - d6), eps)
    pt_bc = b + t_bc[..., None] * (c - b)
    denom = jnp.maximum(va + vb + vc, eps)
    v = (vb / denom)[..., None]
    w = (vc / denom)[..., None]
    pt = a + v * ab + w * ac
    part = jnp.zeros(pt.shape[:-1], dtype=jnp.int32)
    # apply in reverse priority so higher-priority regions override
    pt = jnp.where(cond_bc[..., None], pt_bc, pt)
    part = jnp.where(cond_bc, 2, part)
    pt = jnp.where(cond_ac[..., None], pt_ac, pt)
    part = jnp.where(cond_ac, 3, part)
    pt = jnp.where(cond_ab[..., None], pt_ab, pt)
    part = jnp.where(cond_ab, 1, part)
    pt = jnp.where(cond_c[..., None], jnp.broadcast_to(c, pt.shape), pt)
    part = jnp.where(cond_c, 6, part)
    pt = jnp.where(cond_b[..., None], jnp.broadcast_to(b, pt.shape), pt)
    part = jnp.where(cond_b, 5, part)
    pt = jnp.where(cond_a[..., None], jnp.broadcast_to(a, pt.shape), pt)
    part = jnp.where(cond_a, 4, part)
    sq = jnp.sum((p - pt) ** 2, -1)
    return pt, part, sq


def _nearest(verts, ta, tb, tc):
    n = verts.shape[0]

    def body(pc):
        pt, part, sq = _closest_point_tri(pc[:, None, :], ta[None], tb[None], tc[None])
        idx = jnp.argmin(sq, axis=1)
        rows = jnp.arange(pc.shape[0])
        return pt[rows, idx], part[rows, idx], idx

    chunks = verts.reshape(n // CHUNK, CHUNK, 3)
    pts, parts, idxs = jax.lax.map(body, chunks)
    return pts.reshape(n, 3), parts.reshape(n), idxs.reshape(n)


def _mesh_normals(v, f):
    a = v[f[:, 0]]
    b = v[f[:, 1]]
    c = v[f[:, 2]]
    fn_un = jnp.cross(b - a, c - a)
    fn = fn_un / (jnp.linalg.norm(fn_un, axis=-1, keepdims=True) + 1e-10)
    vn = jnp.zeros_like(v)
    vn = vn.at[f[:, 0]].add(fn).at[f[:, 1]].add(fn).at[f[:, 2]].add(fn)
    vn = vn / (jnp.linalg.norm(vn, axis=-1, keepdims=True) + 1e-10)
    return fn, vn


def _single_collision_loss(g_verts, b_verts, faces):
    # nearest-point / normal computation is detached in the torch original (numpy on .detach())
    g_det = jax.lax.stop_gradient(g_verts)
    b_det = jax.lax.stop_gradient(b_verts)
    fn, vn = _mesh_normals(b_det, faces)
    ta = b_det[faces[:, 0]]
    tb = b_det[faces[:, 1]]
    tc = b_det[faces[:, 2]]
    npt, npart, ntri = _nearest(g_det, ta, tb, tc)
    tri_mask = npart == 0
    vert_mask = npart > 3
    edge_mask = (npart >= 1) & (npart <= 3)
    nn = jnp.zeros_like(npt)
    nn = jnp.where(tri_mask[:, None], fn[ntri], nn)
    vidx = jnp.clip(npart - 4, 0, 2)
    nn = jnp.where(vert_mask[:, None], vn[faces[ntri, vidx]], nn)
    e1 = jnp.clip(npart - 1, 0, 2)
    e2 = jnp.mod(npart, 3)
    esum = vn[faces[ntri, e1]] + vn[faces[ntri, e2]]
    nn = jnp.where(edge_mask[:, None], esum, nn)
    nn = nn / (jnp.linalg.norm(nn, axis=-1, keepdims=True) + 1e-10)
    dist = jax.nn.relu(jnp.sum(-(g_verts - npt) * nn, axis=1))
    return dist.sum()


def reference(batch_garment_verts, batch_body_verts, body_faces):
    losses = []
    for i in range(batch_garment_verts.shape[0]):
        losses.append(_single_collision_loss(batch_garment_verts[i], batch_body_verts[i], body_faces))
    return jnp.stack(losses)

if __name__ == "__main__":
    import jax
    _d = setup_inputs()
    print(jax.jit(kernel)(*tuple(_d.values())))

</pallas_src>

<mosaic_0001>
#map = affine_map<(d0, d1) -> (0)>
module attributes {stable_mosaic.version = 14 : i64} {
  func.func @k(%arg0: i32, %arg1: i32, %arg2: memref<24576xf32, #tpu.memory_space<hbm>>, %arg3: memref<24576xf32, #tpu.memory_space<hbm>>, %arg4: memref<24576xi32, #tpu.memory_space<hbm>>, %arg5: memref<24576xi32, #tpu.memory_space<hbm>>, %arg6: memref<8192xi32, #tpu.memory_space<hbm>>, %arg7: memref<32xf32, #tpu.memory_space<hbm>>, %arg8: memref<4096xf32, #tpu.memory_space<vmem>>, %arg9: memref<4096xf32, #tpu.memory_space<vmem>>, %arg10: memref<4096xf32, #tpu.memory_space<vmem>>, %arg11: memref<8192xi32, #tpu.memory_space<vmem>>, %arg12: memref<8192xi32, #tpu.memory_space<vmem>>, %arg13: memref<8192xi32, #tpu.memory_space<vmem>>, %arg14: memref<512xf32, #tpu.memory_space<vmem>>, %arg15: memref<512xf32, #tpu.memory_space<vmem>>, %arg16: memref<512xf32, #tpu.memory_space<vmem>>, %arg17: memref<8192xf32, #tpu.memory_space<vmem>>, %arg18: memref<8192xf32, #tpu.memory_space<vmem>>, %arg19: memref<8192xf32, #tpu.memory_space<vmem>>, %arg20: memref<1536xi32, #tpu.memory_space<vmem>>, %arg21: memref<768xf32, #tpu.memory_space<vmem>>, %arg22: memref<4096xf32, #tpu.memory_space<vmem>>, %arg23: memref<4096xf32, #tpu.memory_space<vmem>>, %arg24: memref<4096xf32, #tpu.memory_space<vmem>>, %arg25: memref<768xf32, #tpu.memory_space<vmem>>, %arg26: memref<256xi32, #tpu.memory_space<vmem>>, %arg27: memref<16xf32, #tpu.memory_space<vmem>>, %arg28: memref<256xf32, #tpu.memory_space<vmem>>, %arg29: memref<16xf32, #tpu.memory_space<vmem>>, %arg30: memref<24576xf32, #tpu.memory_space<vmem_shared>>, %arg31: memref<12288xf32, #tpu.memory_space<vmem_shared>>, %arg32: memref<256xf32, #tpu.memory_space<vmem_shared>>) attributes {dimension_semantics = [#tpu.dimension_semantics<core_parallel>, #tpu.dimension_semantics<subcore_parallel>], iteration_bounds = array<i64: 2, 16>, scalar_prefetch = 0 : i64, scratch_operands = 25 : i64, tpu.core_type = #tpu.core_type<sc_vector_subcore>, window_params = [{transform_indices = #map}, {transform_indices = #map}, {transform_indices = #map}, {transform_indices = #map}, {transform_indices = #map}, {transform_indices = #map}]} {
    %mul3A = arith.constant 512 : i32
    %mul3A_0 = arith.muli %arg1, %mul3A : i32
    %mul3A_1 = arith.constant 256 : i32
    %mul3A_2 = arith.muli %arg1, %mul3A_1 : i32
    %mul3A_3 = arith.constant 3 : i32
    %mul3A_4 = arith.muli %arg0, %mul3A_3 : i32
    %mul3A_5 = arith.constant 4096 : i32
    %mul3A_6 = arith.muli %mul3A_4, %mul3A_5 : i32
    %add3A = arith.constant 0 : i32
    %add3A_7 = arith.addi %mul3A_6, %add3A : i32
    "tpu.region"() ({
      %run_scoped3A = tpu.sem_alloc : memref<!tpu.dma_semaphore, #tpu.memory_space<semaphore_mem>>
      %dma_start3A = tpu.memref_slice %arg3[%add3A_7] : memref<24576xf32, #tpu.memory_space<hbm>> -> memref<4096xf32, #tpu.memory_space<hbm>>
      %dma_start3A_95 = tpu.memref_slice %arg3[%add3A_7] : memref<24576xf32, #tpu.memory_space<hbm>> -> memref<4096xf32, #tpu.memory_space<hbm>>
      tpu.enqueue_dma source(%dma_start3A_95 : memref<4096xf32, #tpu.memory_space<hbm>>) target(%arg8 : memref<4096xf32, #tpu.memory_space<vmem>>) target_semaphore(%run_scoped3A : memref<!tpu.dma_semaphore, #tpu.memory_space<semaphore_mem>>)
      %dma_wait3A = tpu.memref_slice %arg3[%add3A_7] : memref<24576xf32, #tpu.memory_space<hbm>> -> memref<4096xf32, #tpu.memory_space<hbm>>
      %dma_wait3A_96 = tpu.memref_slice %arg3[%add3A_7] : memref<24576xf32, #tpu.memory_space<hbm>> -> memref<4096xf32, #tpu.memory_space<hbm>>
      tpu.wait_dma2 semaphore(%run_scoped3A : memref<!tpu.dma_semaphore, #tpu.memory_space<semaphore_mem>>) src(%dma_wait3A_96 : memref<4096xf32, #tpu.memory_space<hbm>>) dst(%arg8 : memref<4096xf32, #tpu.memory_space<vmem>>)
      tpu.yield
    }) : () -> ()
    "tpu.region"() ({
      %run_scoped3A = tpu.sem_alloc : memref<!tpu.dma_semaphore, #tpu.memory_space<semaphore_mem>>
      %dma_start3A = arith.constant 0 : i32
      %dma_start3A_95 = tpu.memref_slice %arg4[%dma_start3A] : memref<24576xi32, #tpu.memory_space<hbm>> -> memref<8192xi32, #tpu.memory_space<hbm>>
      %dma_start3A_96 = arith.constant 0 : i32
      %dma_start3A_97 = tpu.memref_slice %arg4[%dma_start3A_96] : memref<24576xi32, #tpu.memory_space<hbm>> -> memref<8192xi32, #tpu.memory_space<hbm>>
      tpu.enqueue_dma source(%dma_start3A_97 : memref<8192xi32, #tpu.memory_space<hbm>>) target(%arg11 : memref<8192xi32, #tpu.memory_space<vmem>>) target_semaphore(%run_scoped3A : memref<!tpu.dma_semaphore, #tpu.memory_space<semaphore_mem>>)
      %dma_wait3A = arith.constant 0 : i32
      %dma_wait3A_98 = tpu.memref_slice %arg4[%dma_wait3A] : memref<24576xi32, #tpu.memory_space<hbm>> -> memref<8192xi32, #tpu.memory_space<hbm>>
      %dma_wait3A_99 = arith.constant 0 : i32
      %dma_wait3A_100 = tpu.memref_slice %arg4[%dma_wait3A_99] : memref<24576xi32, #tpu.memory_space<hbm>> -> memref<8192xi32, #tpu.memory_space<hbm>>
      tpu.wait_dma2 semaphore(%run_scoped3A : memref<!tpu.dma_semaphore, #tpu.memory_space<semaphore_mem>>) src(%dma_wait3A_100 : memref<8192xi32, #tpu.memory_space<hbm>>) dst(%arg11 : memref<8192xi32, #tpu.memory_space<vmem>>)
      tpu.yield
    }) : () -> ()
    %mul3A_8 = arith.constant 3 : i32
    %mul3A_9 = arith.muli %arg0, %mul3A_8 : i32
    %mul3A_10 = arith.constant 4096 : i32
    %mul3A_11 = arith.muli %mul3A_9, %mul3A_10 : i32
    %add3A_12 = arith.constant 0 : i32
    %add3A_13 = arith.addi %mul3A_11, %add3A_12 : i32
    %add3A_14 = arith.addi %add3A_13, %mul3A_2 : i32
    "tpu.region"() ({
      %run_scoped3A = tpu.sem_alloc : memref<!tpu.dma_semaphore, #tpu.memory_space<semaphore_mem>>
      %dma_start3A = arith.constant 0 : i32
      %dma_start3A_95 = tpu.memref_slice %arg25[%dma_start3A] : memref<768xf32, #tpu.memory_space<vmem>> -> memref<256xf32, #tpu.memory_space<vmem>>
      %dma_start3A_96 = tpu.memref_slice %arg2[%add3A_14] : memref<24576xf32, #tpu.memory_space<hbm>> -> memref<256xf32, #tpu.memory_space<hbm>>
      %dma_start3A_97 = arith.constant 0 : i32
      %dma_start3A_98 = tpu.memref_slice %arg25[%dma_start3A_97] : memref<768xf32, #tpu.memory_space<vmem>> -> memref<256xf32, #tpu.memory_space<vmem>>
      %dma_start3A_99 = tpu.memref_slice %arg2[%add3A_14] : memref<24576xf32, #tpu.memory_space<hbm>> -> memref<256xf32, #tpu.memory_space<hbm>>
      tpu.enqueue_dma source(%dma_start3A_99 : memref<256xf32, #tpu.memory_space<hbm>>) target(%dma_start3A_98 : memref<256xf32, #tpu.memory_space<vmem>>) target_semaphore(%run_scoped3A : memref<!tpu.dma_semaphore, #tpu.memory_space<semaphore_mem>>)
      %dma_wait3A = arith.constant 0 : i32
      %dma_wait3A_100 = tpu.memref_slice %arg25[%dma_wait3A] : memref<768xf32, #tpu.memory_space<vmem>> -> memref<256xf32, #tpu.memory_space<vmem>>
      %dma_wait3A_101 = tpu.memref_slice %arg2[%add3A_14] : memref<24576xf32, #tpu.memory_space<hbm>> -> memref<256xf32, #tpu.memory_space<hbm>>
      %dma_wait3A_102 = arith.constant 0 : i32
      %dma_wait3A_103 = tpu.memref_slice %arg25[%dma_wait3A_102] : memref<768xf32, #tpu.memory_space<vmem>> -> memref<256xf32, #tpu.memory_space<vmem>>
      %dma_wait3A_104 = tpu.memref_slice %arg2[%add3A_14] : memref<24576xf32, #tpu.memory_space<hbm>> -> memref<256xf32, #tpu.memory_space<hbm>>
      tpu.wait_dma2 semaphore(%run_scoped3A : memref<!tpu.dma_semaphore, #tpu.memory_space<semaphore_mem>>) src(%dma_wait3A_104 : memref<256xf32, #tpu.memory_space<hbm>>) dst(%dma_wait3A_103 : memref<256xf32, #tpu.memory_space<vmem>>)
      tpu.yield
    }) : () -> ()
    %mul3A_15 = arith.constant 3 : i32
    %mul3A_16 = arith.muli %arg0, %mul3A_15 : i32
    %mul3A_17 = arith.constant 4096 : i32
    %mul3A_18 = arith.muli %mul3A_16, %mul3A_17 : i32
    %add3A_19 = arith.constant 4096 : i32
    %add3A_20 = arith.addi %mul3A_18, %add3A_19 : i32
    "tpu.region"() ({
      %run_scoped3A = tpu.sem_alloc : memref<!tpu.dma_semaphore, #tpu.memory_space<semaphore_mem>>
      %dma_start3A = tpu.memref_slice %arg3[%add3A_20] : memref<24576xf32, #tpu.memory_space<hbm>> -> memref<4096xf32, #tpu.memory_space<hbm>>
      %dma_start3A_95 = tpu.memref_slice %arg3[%add3A_20] : memref<24576xf32, #tpu.memory_space<hbm>> -> memref<4096xf32, #tpu.memory_space<hbm>>
      tpu.enqueue_dma source(%dma_start3A_95 : memref<4096xf32, #tpu.memory_space<hbm>>) target(%arg9 : memref<4096xf32, #tpu.memory_space<vmem>>) target_semaphore(%run_scoped3A : memref<!tpu.dma_semaphore, #tpu.memory_space<semaphore_mem>>)
      %dma_wait3A = tpu.memref_slice %arg3[%add3A_20] : memref<24576xf32, #tpu.memory_space<hbm>> -> memref<4096xf32, #tpu.memory_space<hbm>>
      %dma_wait3A_96 = tpu.memref_slice %arg3[%add3A_20] : memref<24576xf32, #tpu.memory_space<hbm>> -> memref<4096xf32, #tpu.memory_space<hbm>>
      tpu.wait_dma2 semaphore(%run_scoped3A : memref<!tpu.dma_semaphore, #tpu.memory_space<semaphore_mem>>) src(%dma_wait3A_96 : memref<4096xf32, #tpu.memory_space<hbm>>) dst(%arg9 : memref<4096xf32, #tpu.memory_space<vmem>>)
      tpu.yield
    }) : () -> ()
    "tpu.region"() ({
      %run_scoped3A = tpu.sem_alloc : memref<!tpu.dma_semaphore, #tpu.memory_space<semaphore_mem>>
      %dma_start3A = arith.constant 8192 : i32
      %dma_start3A_95 = tpu.memref_slice %arg4[%dma_start3A] : memref<24576xi32, #tpu.memory_space<hbm>> -> memref<8192xi32, #tpu.memory_space<hbm>>
      %dma_start3A_96 = arith.constant 8192 : i32
      %dma_start3A_97 = tpu.memref_slice %arg4[%dma_start3A_96] : memref<24576xi32, #tpu.memory_space<hbm>> -> memref<8192xi32, #tpu.memory_space<hbm>>
      tpu.enqueue_dma source(%dma_start3A_97 : memref<8192xi32, #tpu.memory_space<hbm>>) target(%arg12 : memref<8192xi32, #tpu.memory_space<vmem>>) target_semaphore(%run_scoped3A : memref<!tpu.dma_semaphore, #tpu.memory_space<semaphore_mem>>)
      %dma_wait3A = arith.constant 8192 : i32
      %dma_wait3A_98 = tpu.memref_slice %arg4[%dma_wait3A] : memref<24576xi32, #tpu.memory_space<hbm>> -> memref<8192xi32, #tpu.memory_space<hbm>>
      %dma_wait3A_99 = arith.constant 8192 : i32
      %dma_wait3A_100 = tpu.memref_slice %arg4[%dma_wait3A_99] : memref<24576xi32, #tpu.memory_space<hbm>> -> memref<8192xi32, #tpu.memory_space<hbm>>
      tpu.wait_dma2 semaphore(%run_scoped3A : memref<!tpu.dma_semaphore, #tpu.memory_space<semaphore_mem>>) src(%dma_wait3A_100 : memref<8192xi32, #tpu.memory_space<hbm>>) dst(%arg12 : memref<8192xi32, #tpu.memory_space<vmem>>)
      tpu.yield
    }) : () -> ()
    %mul3A_21 = arith.constant 3 : i32
    %mul3A_22 = arith.muli %arg0, %mul3A_21 : i32
    %mul3A_23 = arith.constant 4096 : i32
    %mul3A_24 = arith.muli %mul3A_22, %mul3A_23 : i32
    %add3A_25 = arith.constant 4096 : i32
    %add3A_26 = arith.addi %mul3A_24, %add3A_25 : i32
    %add3A_27 = arith.addi %add3A_26, %mul3A_2 : i32
    "tpu.region"() ({
      %run_scoped3A = tpu.sem_alloc : memref<!tpu.dma_semaphore, #tpu.memory_space<semaphore_mem>>
      %dma_start3A = arith.constant 256 : i32
      %dma_start3A_95 = tpu.memref_slice %arg25[%dma_start3A] : memref<768xf32, #tpu.memory_space<vmem>> -> memref<256xf32, #tpu.memory_space<vmem>>
      %dma_start3A_96 = tpu.memref_slice %arg2[%add3A_27] : memref<24576xf32, #tpu.memory_space<hbm>> -> memref<256xf32, #tpu.memory_space<hbm>>
      %dma_start3A_97 = arith.constant 256 : i32
      %dma_start3A_98 = tpu.memref_slice %arg25[%dma_start3A_97] : memref<768xf32, #tpu.memory_space<vmem>> -> memref<256xf32, #tpu.memory_space<vmem>>
      %dma_start3A_99 = tpu.memref_slice %arg2[%add3A_27] : memref<24576xf32, #tpu.memory_space<hbm>> -> memref<256xf32, #tpu.memory_space<hbm>>
      tpu.enqueue_dma source(%dma_start3A_99 : memref<256xf32, #tpu.memory_space<hbm>>) target(%dma_start3A_98 : memref<256xf32, #tpu.memory_space<vmem>>) target_semaphore(%run_scoped3A : memref<!tpu.dma_semaphore, #tpu.memory_space<semaphore_mem>>)
      %dma_wait3A = arith.constant 256 : i32
      %dma_wait3A_100 = tpu.memref_slice %arg25[%dma_wait3A] : memref<768xf32, #tpu.memory_space<vmem>> -> memref<256xf32, #tpu.memory_space<vmem>>
      %dma_wait3A_101 = tpu.memref_slice %arg2[%add3A_27] : memref<24576xf32, #tpu.memory_space<hbm>> -> memref<256xf32, #tpu.memory_space<hbm>>
      %dma_wait3A_102 = arith.constant 256 : i32
      %dma_wait3A_103 = tpu.memref_slice %arg25[%dma_wait3A_102] : memref<768xf32, #tpu.memory_space<vmem>> -> memref<256xf32, #tpu.memory_space<vmem>>
      %dma_wait3A_104 = tpu.memref_slice %arg2[%add3A_27] : memref<24576xf32, #tpu.memory_space<hbm>> -> memref<256xf32, #tpu.memory_space<hbm>>
      tpu.wait_dma2 semaphore(%run_scoped3A : memref<!tpu.dma_semaphore, #tpu.memory_space<semaphore_mem>>) src(%dma_wait3A_104 : memref<256xf32, #tpu.memory_space<hbm>>) dst(%dma_wait3A_103 : memref<256xf32, #tpu.memory_space<vmem>>)
      tpu.yield
    }) : () -> ()
    %mul3A_28 = arith.constant 3 : i32
    %mul3A_29 = arith.muli %arg0, %mul3A_28 : i32
    %mul3A_30 = arith.constant 4096 : i32
    %mul3A_31 = arith.muli %mul3A_29, %mul3A_30 : i32
    %add3A_32 = arith.constant 8192 : i32
    %add3A_33 = arith.addi %mul3A_31, %add3A_32 : i32
    "tpu.region"() ({
      %run_scoped3A = tpu.sem_alloc : memref<!tpu.dma_semaphore, #tpu.memory_space<semaphore_mem>>
      %dma_start3A = tpu.memref_slice %arg3[%add3A_33] : memref<24576xf32, #tpu.memory_space<hbm>> -> memref<4096xf32, #tpu.memory_space<hbm>>
      %dma_start3A_95 = tpu.memref_slice %arg3[%add3A_33] : memref<24576xf32, #tpu.memory_space<hbm>> -> memref<4096xf32, #tpu.memory_space<hbm>>
      tpu.enqueue_dma source(%dma_start3A_95 : memref<4096xf32, #tpu.memory_space<hbm>>) target(%arg10 : memref<4096xf32, #tpu.memory_space<vmem>>) target_semaphore(%run_scoped3A : memref<!tpu.dma_semaphore, #tpu.memory_space<semaphore_mem>>)
      %dma_wait3A = tpu.memref_slice %arg3[%add3A_33] : memref<24576xf32, #tpu.memory_space<hbm>> -> memref<4096xf32, #tpu.memory_space<hbm>>
      %dma_wait3A_96 = tpu.memref_slice %arg3[%add3A_33] : memref<24576xf32, #tpu.memory_space<hbm>> -> memref<4096xf32, #tpu.memory_space<hbm>>
      tpu.wait_dma2 semaphore(%run_scoped3A : memref<!tpu.dma_semaphore, #tpu.memory_space<semaphore_mem>>) src(%dma_wait3A_96 : memref<4096xf32, #tpu.memory_space<hbm>>) dst(%arg10 : memref<4096xf32, #tpu.memory_space<vmem>>)
      tpu.yield
    }) : () -> ()
    "tpu.region"() ({
      %run_scoped3A = tpu.sem_alloc : memref<!tpu.dma_semaphore, #tpu.memory_space<semaphore_mem>>
      %dma_start3A = arith.constant 16384 : i32
      %dma_start3A_95 = tpu.memref_slice %arg4[%dma_start3A] : memref<24576xi32, #tpu.memory_space<hbm>> -> memref<8192xi32, #tpu.memory_space<hbm>>
      %dma_start3A_96 = arith.constant 16384 : i32
      %dma_start3A_97 = tpu.memref_slice %arg4[%dma_start3A_96] : memref<24576xi32, #tpu.memory_space<hbm>> -> memref<8192xi32, #tpu.memory_space<hbm>>
      tpu.enqueue_dma source(%dma_start3A_97 : memref<8192xi32, #tpu.memory_space<hbm>>) target(%arg13 : memref<8192xi32, #tpu.memory_space<vmem>>) target_semaphore(%run_scoped3A : memref<!tpu.dma_semaphore, #tpu.memory_space<semaphore_mem>>)
      %dma_wait3A = arith.constant 16384 : i32
      %dma_wait3A_98 = tpu.memref_slice %arg4[%dma_wait3A] : memref<24576xi32, #tpu.memory_space<hbm>> -> memref<8192xi32, #tpu.memory_space<hbm>>
      %dma_wait3A_99 = arith.constant 16384 : i32
      %dma_wait3A_100 = tpu.memref_slice %arg4[%dma_wait3A_99] : memref<24576xi32, #tpu.memory_space<hbm>> -> memref<8192xi32, #tpu.memory_space<hbm>>
      tpu.wait_dma2 semaphore(%run_scoped3A : memref<!tpu.dma_semaphore, #tpu.memory_space<semaphore_mem>>) src(%dma_wait3A_100 : memref<8192xi32, #tpu.memory_space<hbm>>) dst(%arg13 : memref<8192xi32, #tpu.memory_space<vmem>>)
      tpu.yield
    }) : () -> ()
    %mul3A_34 = arith.constant 3 : i32
    %mul3A_35 = arith.muli %arg0, %mul3A_34 : i32
    %mul3A_36 = arith.constant 4096 : i32
    %mul3A_37 = arith.muli %mul3A_35, %mul3A_36 : i32
    %add3A_38 = arith.constant 8192 : i32
    %add3A_39 = arith.addi %mul3A_37, %add3A_38 : i32
    %add3A_40 = arith.addi %add3A_39, %mul3A_2 : i32
    "tpu.region"() ({
      %run_scoped3A = tpu.sem_alloc : memref<!tpu.dma_semaphore, #tpu.memory_space<semaphore_mem>>
      %dma_start3A = arith.constant 512 : i32
      %dma_start3A_95 = tpu.memref_slice %arg25[%dma_start3A] : memref<768xf32, #tpu.memory_space<vmem>> -> memref<256xf32, #tpu.memory_space<vmem>>
      %dma_start3A_96 = tpu.memref_slice %arg2[%add3A_40] : memref<24576xf32, #tpu.memory_space<hbm>> -> memref<256xf32, #tpu.memory_space<hbm>>
      %dma_start3A_97 = arith.constant 512 : i32
      %dma_start3A_98 = tpu.memref_slice %arg25[%dma_start3A_97] : memref<768xf32, #tpu.memory_space<vmem>> -> memref<256xf32, #tpu.memory_space<vmem>>
      %dma_start3A_99 = tpu.memref_slice %arg2[%add3A_40] : memref<24576xf32, #tpu.memory_space<hbm>> -> memref<256xf32, #tpu.memory_space<hbm>>
      tpu.enqueue_dma source(%dma_start3A_99 : memref<256xf32, #tpu.memory_space<hbm>>) target(%dma_start3A_98 : memref<256xf32, #tpu.memory_space<vmem>>) target_semaphore(%run_scoped3A : memref<!tpu.dma_semaphore, #tpu.memory_space<semaphore_mem>>)
      %dma_wait3A = arith.constant 512 : i32
      %dma_wait3A_100 = tpu.memref_slice %arg25[%dma_wait3A] : memref<768xf32, #tpu.memory_space<vmem>> -> memref<256xf32, #tpu.memory_space<vmem>>
      %dma_wait3A_101 = tpu.memref_slice %arg2[%add3A_40] : memref<24576xf32, #tpu.memory_space<hbm>> -> memref<256xf32, #tpu.memory_space<hbm>>
      %dma_wait3A_102 = arith.constant 512 : i32
      %dma_wait3A_103 = tpu.memref_slice %arg25[%dma_wait3A_102] : memref<768xf32, #tpu.memory_space<vmem>> -> memref<256xf32, #tpu.memory_space<vmem>>
      %dma_wait3A_104 = tpu.memref_slice %arg2[%add3A_40] : memref<24576xf32, #tpu.memory_space<hbm>> -> memref<256xf32, #tpu.memory_space<hbm>>
      tpu.wait_dma2 semaphore(%run_scoped3A : memref<!tpu.dma_semaphore, #tpu.memory_space<semaphore_mem>>) src(%dma_wait3A_104 : memref<256xf32, #tpu.memory_space<hbm>>) dst(%dma_wait3A_103 : memref<256xf32, #tpu.memory_space<vmem>>)
      tpu.yield
    }) : () -> ()
    %add3A_41 = arith.constant 0 : i32
    %add3A_42 = arith.addi %add3A_41, %mul3A_2 : i32
    "tpu.region"() ({
      %run_scoped3A = tpu.sem_alloc : memref<!tpu.dma_semaphore, #tpu.memory_space<semaphore_mem>>
      %dma_start3A = arith.constant 0 : i32
      %dma_start3A_95 = tpu.memref_slice %arg20[%dma_start3A] : memref<1536xi32, #tpu.memory_space<vmem>> -> memref<256xi32, #tpu.memory_space<vmem>>
      %dma_start3A_96 = tpu.memref_slice %arg5[%add3A_42] : memref<24576xi32, #tpu.memory_space<hbm>> -> memref<256xi32, #tpu.memory_space<hbm>>
      %dma_start3A_97 = arith.constant 0 : i32
      %dma_start3A_98 = tpu.memref_slice %arg20[%dma_start3A_97] : memref<1536xi32, #tpu.memory_space<vmem>> -> memref<256xi32, #tpu.memory_space<vmem>>
      %dma_start3A_99 = tpu.memref_slice %arg5[%add3A_42] : memref<24576xi32, #tpu.memory_space<hbm>> -> memref<256xi32, #tpu.memory_space<hbm>>
      tpu.enqueue_dma source(%dma_start3A_99 : memref<256xi32, #tpu.memory_space<hbm>>) target(%dma_start3A_98 : memref<256xi32, #tpu.memory_space<vmem>>) target_semaphore(%run_scoped3A : memref<!tpu.dma_semaphore, #tpu.memory_space<semaphore_mem>>)
      %dma_wait3A = arith.constant 0 : i32
      %dma_wait3A_100 = tpu.memref_slice %arg20[%dma_wait3A] : memref<1536xi32, #tpu.memory_space<vmem>> -> memref<256xi32, #tpu.memory_space<vmem>>
      %dma_wait3A_101 = tpu.memref_slice %arg5[%add3A_42] : memref<24576xi32, #tpu.memory_space<hbm>> -> memref<256xi32, #tpu.memory_space<hbm>>
      %dma_wait3A_102 = arith.constant 0 : i32
      %dma_wait3A_103 = tpu.memref_slice %arg20[%dma_wait3A_102] : memref<1536xi32, #tpu.memory_space<vmem>> -> memref<256xi32, #tpu.memory_space<vmem>>
      %dma_wait3A_104 = tpu.memref_slice %arg5[%add3A_42] : memref<24576xi32, #tpu.memory_space<hbm>> -> memref<256xi32, #tpu.memory_space<hbm>>
      tpu.wait_dma2 semaphore(%run_scoped3A : memref<!tpu.dma_semaphore, #tpu.memory_space<semaphore_mem>>) src(%dma_wait3A_104 : memref<256xi32, #tpu.memory_space<hbm>>) dst(%dma_wait3A_103 : memref<256xi32, #tpu.memory_space<vmem>>)
      tpu.yield
    }) : () -> ()
    %add3A_43 = arith.constant 4096 : i32
    %add3A_44 = arith.addi %add3A_43, %mul3A_2 : i32
    "tpu.region"() ({
      %run_scoped3A = tpu.sem_alloc : memref<!tpu.dma_semaphore, #tpu.memory_space<semaphore_mem>>
      %dma_start3A = arith.constant 256 : i32
      %dma_start3A_95 = tpu.memref_slice %arg20[%dma_start3A] : memref<1536xi32, #tpu.memory_space<vmem>> -> memref<256xi32, #tpu.memory_space<vmem>>
      %dma_start3A_96 = tpu.memref_slice %arg5[%add3A_44] : memref<24576xi32, #tpu.memory_space<hbm>> -> memref<256xi32, #tpu.memory_space<hbm>>
      %dma_start3A_97 = arith.constant 256 : i32
      %dma_start3A_98 = tpu.memref_slice %arg20[%dma_start3A_97] : memref<1536xi32, #tpu.memory_space<vmem>> -> memref<256xi32, #tpu.memory_space<vmem>>
      %dma_start3A_99 = tpu.memref_slice %arg5[%add3A_44] : memref<24576xi32, #tpu.memory_space<hbm>> -> memref<256xi32, #tpu.memory_space<hbm>>
      tpu.enqueue_dma source(%dma_start3A_99 : memref<256xi32, #tpu.memory_space<hbm>>) target(%dma_start3A_98 : memref<256xi32, #tpu.memory_space<vmem>>) target_semaphore(%run_scoped3A : memref<!tpu.dma_semaphore, #tpu.memory_space<semaphore_mem>>)
      %dma_wait3A = arith.constant 256 : i32
      %dma_wait3A_100 = tpu.memref_slice %arg20[%dma_wait3A] : memref<1536xi32, #tpu.memory_space<vmem>> -> memref<256xi32, #tpu.memory_space<vmem>>
      %dma_wait3A_101 = tpu.memref_slice %arg5[%add3A_44] : memref<24576xi32, #tpu.memory_space<hbm>> -> memref<256xi32, #tpu.memory_space<hbm>>
      %dma_wait3A_102 = arith.constant 256 : i32
      %dma_wait3A_103 = tpu.memref_slice %arg20[%dma_wait3A_102] : memref<1536xi32, #tpu.memory_space<vmem>> -> memref<256xi32, #tpu.memory_space<vmem>>
      %dma_wait3A_104 = tpu.memref_slice %arg5[%add3A_44] : memref<24576xi32, #tpu.memory_space<hbm>> -> memref<256xi32, #tpu.memory_space<hbm>>
      tpu.wait_dma2 semaphore(%run_scoped3A : memref<!tpu.dma_semaphore, #tpu.memory_space<semaphore_mem>>) src(%dma_wait3A_104 : memref<256xi32, #tpu.memory_space<hbm>>) dst(%dma_wait3A_103 : memref<256xi32, #tpu.memory_space<vmem>>)
      tpu.yield
    }) : () -> ()
    %add3A_45 = arith.constant 8192 : i32
    %add3A_46 = arith.addi %add3A_45, %mul3A_2 : i32
    "tpu.region"() ({
      %run_scoped3A = tpu.sem_alloc : memref<!tpu.dma_semaphore, #tpu.memory_space<semaphore_mem>>
      %dma_start3A = arith.constant 512 : i32
      %dma_start3A_95 = tpu.memref_slice %arg20[%dma_start3A] : memref<1536xi32, #tpu.memory_space<vmem>> -> memref<256xi32, #tpu.memory_space<vmem>>
      %dma_start3A_96 = tpu.memref_slice %arg5[%add3A_46] : memref<24576xi32, #tpu.memory_space<hbm>> -> memref<256xi32, #tpu.memory_space<hbm>>
      %dma_start3A_97 = arith.constant 512 : i32
      %dma_start3A_98 = tpu.memref_slice %arg20[%dma_start3A_97] : memref<1536xi32, #tpu.memory_space<vmem>> -> memref<256xi32, #tpu.memory_space<vmem>>
      %dma_start3A_99 = tpu.memref_slice %arg5[%add3A_46] : memref<24576xi32, #tpu.memory_space<hbm>> -> memref<256xi32, #tpu.memory_space<hbm>>
      tpu.enqueue_dma source(%dma_start3A_99 : memref<256xi32, #tpu.memory_space<hbm>>) target(%dma_start3A_98 : memref<256xi32, #tpu.memory_space<vmem>>) target_semaphore(%run_scoped3A : memref<!tpu.dma_semaphore, #tpu.memory_space<semaphore_mem>>)
      %dma_wait3A = arith.constant 512 : i32
      %dma_wait3A_100 = tpu.memref_slice %arg20[%dma_wait3A] : memref<1536xi32, #tpu.memory_space<vmem>> -> memref<256xi32, #tpu.memory_space<vmem>>
      %dma_wait3A_101 = tpu.memref_slice %arg5[%add3A_46] : memref<24576xi32, #tpu.memory_space<hbm>> -> memref<256xi32, #tpu.memory_space<hbm>>
      %dma_wait3A_102 = arith.constant 512 : i32
      %dma_wait3A_103 = tpu.memref_slice %arg20[%dma_wait3A_102] : memref<1536xi32, #tpu.memory_space<vmem>> -> memref<256xi32, #tpu.memory_space<vmem>>
      %dma_wait3A_104 = tpu.memref_slice %arg5[%add3A_46] : memref<24576xi32, #tpu.memory_space<hbm>> -> memref<256xi32, #tpu.memory_space<hbm>>
      tpu.wait_dma2 semaphore(%run_scoped3A : memref<!tpu.dma_semaphore, #tpu.memory_space<semaphore_mem>>) src(%dma_wait3A_104 : memref<256xi32, #tpu.memory_space<hbm>>) dst(%dma_wait3A_103 : memref<256xi32, #tpu.memory_space<vmem>>)
      tpu.yield
    }) : () -> ()
    %add3A_47 = arith.constant 12288 : i32
    %add3A_48 = arith.addi %add3A_47, %mul3A_2 : i32
    "tpu.region"() ({
      %run_scoped3A = tpu.sem_alloc : memref<!tpu.dma_semaphore, #tpu.memory_space<semaphore_mem>>
      %dma_start3A = arith.constant 768 : i32
      %dma_start3A_95 = tpu.memref_slice %arg20[%dma_start3A] : memref<1536xi32, #tpu.memory_space<vmem>> -> memref<256xi32, #tpu.memory_space<vmem>>
      %dma_start3A_96 = tpu.memref_slice %arg5[%add3A_48] : memref<24576xi32, #tpu.memory_space<hbm>> -> memref<256xi32, #tpu.memory_space<hbm>>
      %dma_start3A_97 = arith.constant 768 : i32
      %dma_start3A_98 = tpu.memref_slice %arg20[%dma_start3A_97] : memref<1536xi32, #tpu.memory_space<vmem>> -> memref<256xi32, #tpu.memory_space<vmem>>
      %dma_start3A_99 = tpu.memref_slice %arg5[%add3A_48] : memref<24576xi32, #tpu.memory_space<hbm>> -> memref<256xi32, #tpu.memory_space<hbm>>
      tpu.enqueue_dma source(%dma_start3A_99 : memref<256xi32, #tpu.memory_space<hbm>>) target(%dma_start3A_98 : memref<256xi32, #tpu.memory_space<vmem>>) target_semaphore(%run_scoped3A : memref<!tpu.dma_semaphore, #tpu.memory_space<semaphore_mem>>)
      %dma_wait3A = arith.constant 768 : i32
      %dma_wait3A_100 = tpu.memref_slice %arg20[%dma_wait3A] : memref<1536xi32, #tpu.memory_space<vmem>> -> memref<256xi32, #tpu.memory_space<vmem>>
      %dma_wait3A_101 = tpu.memref_slice %arg5[%add3A_48] : memref<24576xi32, #tpu.memory_space<hbm>> -> memref<256xi32, #tpu.memory_space<hbm>>
      %dma_wait3A_102 = arith.constant 768 : i32
      %dma_wait3A_103 = tpu.memref_slice %arg20[%dma_wait3A_102] : memref<1536xi32, #tpu.memory_space<vmem>> -> memref<256xi32, #tpu.memory_space<vmem>>
      %dma_wait3A_104 = tpu.memref_slice %arg5[%add3A_48] : memref<24576xi32, #tpu.memory_space<hbm>> -> memref<256xi32, #tpu.memory_space<hbm>>
      tpu.wait_dma2 semaphore(%run_scoped3A : memref<!tpu.dma_semaphore, #tpu.memory_space<semaphore_mem>>) src(%dma_wait3A_104 : memref<256xi32, #tpu.memory_space<hbm>>) dst(%dma_wait3A_103 : memref<256xi32, #tpu.memory_space<vmem>>)
      tpu.yield
    }) : () -> ()
    %add3A_49 = arith.constant 16384 : i32
    %add3A_50 = arith.addi %add3A_49, %mul3A_2 : i32
    "tpu.region"() ({
      %run_scoped3A = tpu.sem_alloc : memref<!tpu.dma_semaphore, #tpu.memory_space<semaphore_mem>>
      %dma_start3A = arith.constant 1024 : i32
      %dma_start3A_95 = tpu.memref_slice %arg20[%dma_start3A] : memref<1536xi32, #tpu.memory_space<vmem>> -> memref<256xi32, #tpu.memory_space<vmem>>
      %dma_start3A_96 = tpu.memref_slice %arg5[%add3A_50] : memref<24576xi32, #tpu.memory_space<hbm>> -> memref<256xi32, #tpu.memory_space<hbm>>
      %dma_start3A_97 = arith.constant 1024 : i32
      %dma_start3A_98 = tpu.memref_slice %arg20[%dma_start3A_97] : memref<1536xi32, #tpu.memory_space<vmem>> -> memref<256xi32, #tpu.memory_space<vmem>>
      %dma_start3A_99 = tpu.memref_slice %arg5[%add3A_50] : memref<24576xi32, #tpu.memory_space<hbm>> -> memref<256xi32, #tpu.memory_space<hbm>>
      tpu.enqueue_dma source(%dma_start3A_99 : memref<256xi32, #tpu.memory_space<hbm>>) target(%dma_start3A_98 : memref<256xi32, #tpu.memory_space<vmem>>) target_semaphore(%run_scoped3A : memref<!tpu.dma_semaphore, #tpu.memory_space<semaphore_mem>>)
      %dma_wait3A = arith.constant 1024 : i32
      %dma_wait3A_100 = tpu.memref_slice %arg20[%dma_wait3A] : memref<1536xi32, #tpu.memory_space<vmem>> -> memref<256xi32, #tpu.memory_space<vmem>>
      %dma_wait3A_101 = tpu.memref_slice %arg5[%add3A_50] : memref<24576xi32, #tpu.memory_space<hbm>> -> memref<256xi32, #tpu.memory_space<hbm>>
      %dma_wait3A_102 = arith.constant 1024 : i32
      %dma_wait3A_103 = tpu.memref_slice %arg20[%dma_wait3A_102] : memref<1536xi32, #tpu.memory_space<vmem>> -> memref<256xi32, #tpu.memory_space<vmem>>
      %dma_wait3A_104 = tpu.memref_slice %arg5[%add3A_50] : memref<24576xi32, #tpu.memory_space<hbm>> -> memref<256xi32, #tpu.memory_space<hbm>>
      tpu.wait_dma2 semaphore(%run_scoped3A : memref<!tpu.dma_semaphore, #tpu.memory_space<semaphore_mem>>) src(%dma_wait3A_104 : memref<256xi32, #tpu.memory_space<hbm>>) dst(%dma_wait3A_103 : memref<256xi32, #tpu.memory_space<vmem>>)
      tpu.yield
    }) : () -> ()
    %add3A_51 = arith.constant 20480 : i32
    %add3A_52 = arith.addi %add3A_51, %mul3A_2 : i32
    "tpu.region"() ({
      %run_scoped3A = tpu.sem_alloc : memref<!tpu.dma_semaphore, #tpu.memory_space<semaphore_mem>>
      %dma_start3A = arith.constant 1280 : i32
      %dma_start3A_95 = tpu.memref_slice %arg20[%dma_start3A] : memref<1536xi32, #tpu.memory_space<vmem>> -> memref<256xi32, #tpu.memory_space<vmem>>
      %dma_start3A_96 = tpu.memref_slice %arg5[%add3A_52] : memref<24576xi32, #tpu.memory_space<hbm>> -> memref<256xi32, #tpu.memory_space<hbm>>
      %dma_start3A_97 = arith.constant 1280 : i32
      %dma_start3A_98 = tpu.memref_slice %arg20[%dma_start3A_97] : memref<1536xi32, #tpu.memory_space<vmem>> -> memref<256xi32, #tpu.memory_space<vmem>>
      %dma_start3A_99 = tpu.memref_slice %arg5[%add3A_52] : memref<24576xi32, #tpu.memory_space<hbm>> -> memref<256xi32, #tpu.memory_space<hbm>>
      tpu.enqueue_dma source(%dma_start3A_99 : memref<256xi32, #tpu.memory_space<hbm>>) target(%dma_start3A_98 : memref<256xi32, #tpu.memory_space<vmem>>) target_semaphore(%run_scoped3A : memref<!tpu.dma_semaphore, #tpu.memory_space<semaphore_mem>>)
      %dma_wait3A = arith.constant 1280 : i32
      %dma_wait3A_100 = tpu.memref_slice %arg20[%dma_wait3A] : memref<1536xi32, #tpu.memory_space<vmem>> -> memref<256xi32, #tpu.memory_space<vmem>>
      %dma_wait3A_101 = tpu.memref_slice %arg5[%add3A_52] : memref<24576xi32, #tpu.memory_space<hbm>> -> memref<256xi32, #tpu.memory_space<hbm>>
      %dma_wait3A_102 = arith.constant 1280 : i32
      %dma_wait3A_103 = tpu.memref_slice %arg20[%dma_wait3A_102] : memref<1536xi32, #tpu.memory_space<vmem>> -> memref<256xi32, #tpu.memory_space<vmem>>
      %dma_wait3A_104 = tpu.memref_slice %arg5[%add3A_52] : memref<24576xi32, #tpu.memory_space<hbm>> -> memref<256xi32, #tpu.memory_space<hbm>>
      tpu.wait_dma2 semaphore(%run_scoped3A : memref<!tpu.dma_semaphore, #tpu.memory_space<semaphore_mem>>) src(%dma_wait3A_104 : memref<256xi32, #tpu.memory_space<hbm>>) dst(%dma_wait3A_103 : memref<256xi32, #tpu.memory_space<vmem>>)
      tpu.yield
    }) : () -> ()
    %mul3A_53 = arith.constant 4096 : i32
    %mul3A_54 = arith.muli %arg0, %mul3A_53 : i32
    %add3A_55 = arith.addi %mul3A_54, %mul3A_2 : i32
    "tpu.region"() ({
      %run_scoped3A = tpu.sem_alloc : memref<!tpu.dma_semaphore, #tpu.memory_space<semaphore_mem>>
      %dma_start3A = tpu.memref_slice %arg6[%add3A_55] : memref<8192xi32, #tpu.memory_space<hbm>> -> memref<256xi32, #tpu.memory_space<hbm>>
      %dma_start3A_95 = tpu.memref_slice %arg6[%add3A_55] : memref<8192xi32, #tpu.memory_space<hbm>> -> memref<256xi32, #tpu.memory_space<hbm>>
      tpu.enqueue_dma source(%dma_start3A_95 : memref<256xi32, #tpu.memory_space<hbm>>) target(%arg26 : memref<256xi32, #tpu.memory_space<vmem>>) target_semaphore(%run_scoped3A : memref<!tpu.dma_semaphore, #tpu.memory_space<semaphore_mem>>)
      %dma_wait3A = tpu.memref_slice %arg6[%add3A_55] : memref<8192xi32, #tpu.memory_space<hbm>> -> memref<256xi32, #tpu.memory_space<hbm>>
      %dma_wait3A_96 = tpu.memref_slice %arg6[%add3A_55] : memref<8192xi32, #tpu.memory_space<hbm>> -> memref<256xi32, #tpu.memory_space<hbm>>
      tpu.wait_dma2 semaphore(%run_scoped3A : memref<!tpu.dma_semaphore, #tpu.memory_space<semaphore_mem>>) src(%dma_wait3A_96 : memref<256xi32, #tpu.memory_space<hbm>>) dst(%arg26 : memref<256xi32, #tpu.memory_space<vmem>>)
      tpu.yield
    }) : () -> ()
    %scan3A = arith.constant 0 : i32
    %scan3A_56 = arith.constant 0 : i32
    %scan3A_57 = arith.constant 32 : i32
    %scan3A_58 = arith.addi %scan3A_56, %scan3A_57 : i32
    %scan3A_59 = arith.constant 1 : i32
    %scan3A_60 = scf.for %scan3A_95 = %scan3A_56 to %scan3A_58 step %scan3A_59 iter_args(%scan3A_96 = %scan3A) -> (i32)  : i32 {
      %mul3A_97 = arith.constant 16 : i32
      %mul3A_98 = arith.muli %scan3A_95, %mul3A_97 : i32
      %add3A_99 = arith.addi %mul3A_0, %mul3A_98 : i32
      %get3A = arith.index_cast %add3A_99 : i32 to index
      %get3A_100 = tpu.vector_load %arg11[%get3A] {strides = array<i32>} : memref<8192xi32, #tpu.memory_space<vmem>>, vector<16xi32>,
      %get3A_101 = arith.index_cast %add3A_99 : i32 to index
      %get3A_102 = tpu.vector_load %arg12[%get3A_101] {strides = array<i32>} : memref<8192xi32, #tpu.memory_space<vmem>>, vector<16xi32>,
      %get3A_103 = arith.index_cast %add3A_99 : i32 to index
      %get3A_104 = tpu.vector_load %arg13[%get3A_103] {strides = array<i32>} : memref<8192xi32, #tpu.memory_space<vmem>>, vector<16xi32>,
      %gather3A = tpu.vector_load_idx %arg8[%get3A_100] : memref<4096xf32, #tpu.memory_space<vmem>>[vector<16xi32>], vector<16xf32>,
      %gather3A_105 = tpu.vector_load_idx %arg9[%get3A_100] : memref<4096xf32, #tpu.memory_space<vmem>>[vector<16xi32>], vector<16xf32>,
      %gather3A_106 = tpu.vector_load_idx %arg10[%get3A_100] : memref<4096xf32, #tpu.memory_space<vmem>>[vector<16xi32>], vector<16xf32>,
      %gather3A_107 = tpu.vector_load_idx %arg8[%get3A_102] : memref<4096xf32, #tpu.memory_space<vmem>>[vector<16xi32>], vector<16xf32>,
      %gather3A_108 = tpu.vector_load_idx %arg9[%get3A_102] : memref<4096xf32, #tpu.memory_space<vmem>>[vector<16xi32>], vector<16xf32>,
      %gather3A_109 = tpu.vector_load_idx %arg10[%get3A_102] : memref<4096xf32, #tpu.memory_space<vmem>>[vector<16xi32>], vector<16xf32>,
      %gather3A_110 = tpu.vector_load_idx %arg8[%get3A_104] : memref<4096xf32, #tpu.memory_space<vmem>>[vector<16xi32>], vector<16xf32>,
      %gather3A_111 = tpu.vector_load_idx %arg9[%get3A_104] : memref<4096xf32, #tpu.memory_space<vmem>>[vector<16xi32>], vector<16xf32>,
      %gather3A_112 = tpu.vector_load_idx %arg10[%get3A_104] : memref<4096xf32, #tpu.memory_space<vmem>>[vector<16xi32>], vector<16xf32>,
      %sub3A = arith.subf %gather3A_107, %gather3A : vector<16xf32>
      %sub3A_113 = arith.subf %gather3A_108, %gather3A_105 : vector<16xf32>
      %sub3A_114 = arith.subf %gather3A_109, %gather3A_106 : vector<16xf32>
      %sub3A_115 = arith.subf %gather3A_110, %gather3A : vector<16xf32>
      %sub3A_116 = arith.subf %gather3A_111, %gather3A_105 : vector<16xf32>
      %sub3A_117 = arith.subf %gather3A_112, %gather3A_106 : vector<16xf32>
      %mul3A_118 = arith.mulf %sub3A_113, %sub3A_117 : vector<16xf32>
      %mul3A_119 = arith.mulf %sub3A_114, %sub3A_116 : vector<16xf32>
      %sub3A_120 = arith.subf %mul3A_118, %mul3A_119 : vector<16xf32>
      %mul3A_121 = arith.mulf %sub3A_114, %sub3A_115 : vector<16xf32>
      %mul3A_122 = arith.mulf %sub3A, %sub3A_117 : vector<16xf32>
      %sub3A_123 = arith.subf %mul3A_121, %mul3A_122 : vector<16xf32>
      %mul3A_124 = arith.mulf %sub3A, %sub3A_116 : vector<16xf32>
      %mul3A_125 = arith.mulf %sub3A_113, %sub3A_115 : vector<16xf32>
      %sub3A_126 = arith.subf %mul3A_124, %mul3A_125 : vector<16xf32>
      %mul3A_127 = arith.mulf %sub3A_120, %sub3A_120 : vector<16xf32>
      %mul3A_128 = arith.mulf %sub3A_123, %sub3A_123 : vector<16xf32>
      %add3A_129 = arith.addf %mul3A_127, %mul3A_128 : vector<16xf32>
      %mul3A_130 = arith.mulf %sub3A_126, %sub3A_126 : vector<16xf32>
      %add3A_131 = arith.addf %add3A_129, %mul3A_130 : vector<16xf32>
      %max3A = arith.constant 1.000000e-30 : f32
      %max3A_132 = vector.broadcast %max3A : f32 to vector<16xf32>
      %max3A_133 = arith.maximumf %add3A_131, %max3A_132 : vector<16xf32>
      %bitcast3A = vector.bitcast %max3A_133 : vector<16xf32> to vector<16xi32>
      %shift_right_arithmetic3A = arith.constant 1 : i32
      %shift_right_arithmetic3A_134 = vector.broadcast %shift_right_arithmetic3A : i32 to vector<16xi32>
      %shift_right_arithmetic3A_135 = arith.shrsi %bitcast3A, %shift_right_arithmetic3A_134 : vector<16xi32>
      %sub3A_136 = arith.constant 1597463007 : i32
      %sub3A_137 = vector.broadcast %sub3A_136 : i32 to vector<16xi32>
      %sub3A_138 = arith.subi %sub3A_137, %shift_right_arithmetic3A_135 : vector<16xi32>
      %bitcast3A_139 = vector.bitcast %sub3A_138 : vector<16xi32> to vector<16xf32>
      %mul3A_140 = arith.constant 5.000000e-01 : f32
      %mul3A_141 = vector.broadcast %mul3A_140 : f32 to vector<16xf32>
      %mul3A_142 = arith.mulf %mul3A_141, %max3A_133 : vector<16xf32>
      %mul3A_143 = arith.mulf %mul3A_142, %bitcast3A_139 : vector<16xf32>
      %mul3A_144 = arith.mulf %mul3A_143, %bitcast3A_139 : vector<16xf32>
      %sub3A_145 = arith.constant 1.500000e+00 : f32
      %sub3A_146 = vector.broadcast %sub3A_145 : f32 to vector<16xf32>
      %sub3A_147 = arith.subf %sub3A_146, %mul3A_144 : vector<16xf32>
      %mul3A_148 = arith.mulf %bitcast3A_139, %sub3A_147 : vector<16xf32>
      %mul3A_149 = arith.constant 5.000000e-01 : f32
      %mul3A_150 = vector.broadcast %mul3A_149 : f32 to vector<16xf32>
      %mul3A_151 = arith.mulf %mul3A_150, %max3A_133 : vector<16xf32>
      %mul3A_152 = arith.mulf %mul3A_151, %mul3A_148 : vector<16xf32>
      %mul3A_153 = arith.mulf %mul3A_152, %mul3A_148 : vector<16xf32>
      %sub3A_154 = arith.constant 1.500000e+00 : f32
      %sub3A_155 = vector.broadcast %sub3A_154 : f32 to vector<16xf32>
      %sub3A_156 = arith.subf %sub3A_155, %mul3A_153 : vector<16xf32>
      %mul3A_157 = arith.mulf %mul3A_148, %sub3A_156 : vector<16xf32>
      %mul3A_158 = arith.constant 5.000000e-01 : f32
      %mul3A_159 = vector.broadcast %mul3A_158 : f32 to vector<16xf32>
      %mul3A_160 = arith.mulf %mul3A_159, %max3A_133 : vector<16xf32>
      %mul3A_161 = arith.mulf %mul3A_160, %mul3A_157 : vector<16xf32>
      %mul3A_162 = arith.mulf %mul3A_161, %mul3A_157 : vector<16xf32>
      %sub3A_163 = arith.constant 1.500000e+00 : f32
      %sub3A_164 = vector.broadcast %sub3A_163 : f32 to vector<16xf32>
      %sub3A_165 = arith.subf %sub3A_164, %mul3A_162 : vector<16xf32>
      %mul3A_166 = arith.mulf %mul3A_157, %sub3A_165 : vector<16xf32>
      %mul3A_167 = arith.mulf %max3A_133, %mul3A_166 : vector<16xf32>
      %add3A_168 = arith.constant 1.000000e-10 : f32
      %add3A_169 = vector.broadcast %add3A_168 : f32 to vector<16xf32>
      %add3A_170 = arith.addf %mul3A_167, %add3A_169 : vector<16xf32>
      %div3A = arith.constant 1.000000e+00 : f32
      %div3A_171 = vector.broadcast %div3A : f32 to vector<16xf32>
      %div3A_172 = arith.divf %div3A_171, %add3A_170 : vector<16xf32>
      %mul3A_173 = arith.constant 16 : i32
      %mul3A_174 = arith.muli %scan3A_95, %mul3A_173 : i32
      %mul3A_175 = arith.mulf %sub3A_120, %div3A_172 : vector<16xf32>
      %swap3A_176 = arith.index_cast %mul3A_174 : i32 to index
      %swap3A_177 = tpu.vector_load %arg14[%swap3A_176] {strides = array<i32>} : memref<512xf32, #tpu.memory_space<vmem>>, vector<16xf32>,
      tpu.vector_store %arg14[%swap3A_176], %mul3A_175 {strides = array<i32>} : memref<512xf32, #tpu.memory_space<vmem>>, vector<16xf32>,
      %mul3A_178 = arith.mulf %sub3A_123, %div3A_172 : vector<16xf32>
      %swap3A_179 = arith.index_cast %mul3A_174 : i32 to index
      %swap3A_180 = tpu.vector_load %arg15[%swap3A_179] {strides = array<i32>} : memref<512xf32, #tpu.memory_space<vmem>>, vector<16xf32>,
      tpu.vector_store %arg15[%swap3A_179], %mul3A_178 {strides = array<i32>} : memref<512xf32, #tpu.memory_space<vmem>>, vector<16xf32>,
      %mul3A_181 = arith.mulf %sub3A_126, %div3A_172 : vector<16xf32>
      %swap3A_182 = arith.index_cast %mul3A_174 : i32 to index
      %swap3A_183 = tpu.vector_load %arg16[%swap3A_182] {strides = array<i32>} : memref<512xf32, #tpu.memory_space<vmem>>, vector<16xf32>,
      tpu.vector_store %arg16[%swap3A_182], %mul3A_181 {strides = array<i32>} : memref<512xf32, #tpu.memory_space<vmem>>, vector<16xf32>,
      %scan3A_184 = arith.constant 0 : i32
      scf.yield %scan3A_184 : i32
    }
    %scan3A_61 = arith.constant 32 : i32
    %add3A_62 = arith.constant 0 : i32
    %add3A_63 = arith.addi %add3A_62, %mul3A_0 : i32
    "tpu.region"() ({
      %run_scoped3A = tpu.sem_alloc : memref<!tpu.dma_semaphore, #tpu.memory_space<semaphore_mem>>
      %dma_start3A = tpu.memref_slice %arg30[%add3A_63] : memref<24576xf32, #tpu.memory_space<vmem_shared>> -> memref<512xf32, #tpu.memory_space<vmem_shared>>
      %dma_start3A_95 = tpu.memref_slice %arg30[%add3A_63] : memref<24576xf32, #tpu.memory_space<vmem_shared>> -> memref<512xf32, #tpu.memory_space<vmem_shared>>
      tpu.enqueue_dma source(%arg14 : memref<512xf32, #tpu.memory_space<vmem>>) target(%dma_start3A_95 : memref<512xf32, #tpu.memory_space<vmem_shared>>) target_semaphore(%run_scoped3A : memref<!tpu.dma_semaphore, #tpu.memory_space<semaphore_mem>>)
      %dma_wait3A = tpu.memref_slice %arg30[%add3A_63] : memref<24576xf32, #tpu.memory_space<vmem_shared>> -> memref<512xf32, #tpu.memory_space<vmem_shared>>
      %dma_wait3A_96 = tpu.memref_slice %arg30[%add3A_63] : memref<24576xf32, #tpu.memory_space<vmem_shared>> -> memref<512xf32, #tpu.memory_space<vmem_shared>>
      tpu.wait_dma2 semaphore(%run_scoped3A : memref<!tpu.dma_semaphore, #tpu.memory_space<semaphore_mem>>) src(%arg14 : memref<512xf32, #tpu.memory_space<vmem>>) dst(%dma_wait3A_96 : memref<512xf32, #tpu.memory_space<vmem_shared>>)
      tpu.yield
    }) : () -> ()
    %add3A_64 = arith.constant 8192 : i32
    %add3A_65 = arith.addi %add3A_64, %mul3A_0 : i32
    "tpu.region"() ({
      %run_scoped3A = tpu.sem_alloc : memref<!tpu.dma_semaphore, #tpu.memory_space<semaphore_mem>>
      %dma_start3A = tpu.memref_slice %arg30[%add3A_65] : memref<24576xf32, #tpu.memory_space<vmem_shared>> -> memref<512xf32, #tpu.memory_space<vmem_shared>>
      %dma_start3A_95 = tpu.memref_slice %arg30[%add3A_65] : memref<24576xf32, #tpu.memory_space<vmem_shared>> -> memref<512xf32, #tpu.memory_space<vmem_shared>>
      tpu.enqueue_dma source(%arg15 : memref<512xf32, #tpu.memory_space<vmem>>) target(%dma_start3A_95 : memref<512xf32, #tpu.memory_space<vmem_shared>>) target_semaphore(%run_scoped3A : memref<!tpu.dma_semaphore, #tpu.memory_space<semaphore_mem>>)
      %dma_wait3A = tpu.memref_slice %arg30[%add3A_65] : memref<24576xf32, #tpu.memory_space<vmem_shared>> -> memref<512xf32, #tpu.memory_space<vmem_shared>>
      %dma_wait3A_96 = tpu.memref_slice %arg30[%add3A_65] : memref<24576xf32, #tpu.memory_space<vmem_shared>> -> memref<512xf32, #tpu.memory_space<vmem_shared>>
      tpu.wait_dma2 semaphore(%run_scoped3A : memref<!tpu.dma_semaphore, #tpu.memory_space<semaphore_mem>>) src(%arg15 : memref<512xf32, #tpu.memory_space<vmem>>) dst(%dma_wait3A_96 : memref<512xf32, #tpu.memory_space<vmem_shared>>)
      tpu.yield
    }) : () -> ()
    %add3A_66 = arith.constant 16384 : i32
    %add3A_67 = arith.addi %add3A_66, %mul3A_0 : i32
    "tpu.region"() ({
      %run_scoped3A = tpu.sem_alloc : memref<!tpu.dma_semaphore, #tpu.memory_space<semaphore_mem>>
      %dma_start3A = tpu.memref_slice %arg30[%add3A_67] : memref<24576xf32, #tpu.memory_space<vmem_shared>> -> memref<512xf32, #tpu.memory_space<vmem_shared>>
      %dma_start3A_95 = tpu.memref_slice %arg30[%add3A_67] : memref<24576xf32, #tpu.memory_space<vmem_shared>> -> memref<512xf32, #tpu.memory_space<vmem_shared>>
      tpu.enqueue_dma source(%arg16 : memref<512xf32, #tpu.memory_space<vmem>>) target(%dma_start3A_95 : memref<512xf32, #tpu.memory_space<vmem_shared>>) target_semaphore(%run_scoped3A : memref<!tpu.dma_semaphore, #tpu.memory_space<semaphore_mem>>)
      %dma_wait3A = tpu.memref_slice %arg30[%add3A_67] : memref<24576xf32, #tpu.memory_space<vmem_shared>> -> memref<512xf32, #tpu.memory_space<vmem_shared>>
      %dma_wait3A_96 = tpu.memref_slice %arg30[%add3A_67] : memref<24576xf32, #tpu.memory_space<vmem_shared>> -> memref<512xf32, #tpu.memory_space<vmem_shared>>
      tpu.wait_dma2 semaphore(%run_scoped3A : memref<!tpu.dma_semaphore, #tpu.memory_space<semaphore_mem>>) src(%arg16 : memref<512xf32, #tpu.memory_space<vmem>>) dst(%dma_wait3A_96 : memref<512xf32, #tpu.memory_space<vmem_shared>>)
      tpu.yield
    }) : () -> ()
    %barrier3A = arith.constant 0 : index
    tpu.barrier barrier_id(%barrier3A)
    "tpu.region"() ({
      %run_scoped3A = tpu.sem_alloc : memref<!tpu.dma_semaphore, #tpu.memory_space<semaphore_mem>>
      %dma_start3A = arith.constant 0 : i32
      %dma_start3A_95 = tpu.memref_slice %arg30[%dma_start3A] : memref<24576xf32, #tpu.memory_space<vmem_shared>> -> memref<8192xf32, #tpu.memory_space<vmem_shared>>
      %dma_start3A_96 = arith.constant 0 : i32
      %dma_start3A_97 = tpu.memref_slice %arg30[%dma_start3A_96] : memref<24576xf32, #tpu.memory_space<vmem_shared>> -> memref<8192xf32, #tpu.memory_space<vmem_shared>>
      tpu.enqueue_dma source(%dma_start3A_97 : memref<8192xf32, #tpu.memory_space<vmem_shared>>) target(%arg17 : memref<8192xf32, #tpu.memory_space<vmem>>) target_semaphore(%run_scoped3A : memref<!tpu.dma_semaphore, #tpu.memory_space<semaphore_mem>>)
      %dma_wait3A = arith.constant 0 : i32
      %dma_wait3A_98 = tpu.memref_slice %arg30[%dma_wait3A] : memref<24576xf32, #tpu.memory_space<vmem_shared>> -> memref<8192xf32, #tpu.memory_space<vmem_shared>>
      %dma_wait3A_99 = arith.constant 0 : i32
      %dma_wait3A_100 = tpu.memref_slice %arg30[%dma_wait3A_99] : memref<24576xf32, #tpu.memory_space<vmem_shared>> -> memref<8192xf32, #tpu.memory_space<vmem_shared>>
      tpu.wait_dma2 semaphore(%run_scoped3A : memref<!tpu.dma_semaphore, #tpu.memory_space<semaphore_mem>>) src(%dma_wait3A_100 : memref<8192xf32, #tpu.memory_space<vmem_shared>>) dst(%arg17 : memref<8192xf32, #tpu.memory_space<vmem>>)
      tpu.yield
    }) : () -> ()
    "tpu.region"() ({
      %run_scoped3A = tpu.sem_alloc : memref<!tpu.dma_semaphore, #tpu.memory_space<semaphore_mem>>
      %dma_start3A = arith.constant 8192 : i32
      %dma_start3A_95 = tpu.memref_slice %arg30[%dma_start3A] : memref<24576xf32, #tpu.memory_space<vmem_shared>> -> memref<8192xf32, #tpu.memory_space<vmem_shared>>
      %dma_start3A_96 = arith.constant 8192 : i32
      %dma_start3A_97 = tpu.memref_slice %arg30[%dma_start3A_96] : memref<24576xf32, #tpu.memory_space<vmem_shared>> -> memref<8192xf32, #tpu.memory_space<vmem_shared>>
      tpu.enqueue_dma source(%dma_start3A_97 : memref<8192xf32, #tpu.memory_space<vmem_shared>>) target(%arg18 : memref<8192xf32, #tpu.memory_space<vmem>>) target_semaphore(%run_scoped3A : memref<!tpu.dma_semaphore, #tpu.memory_space<semaphore_mem>>)
      %dma_wait3A = arith.constant 8192 : i32
      %dma_wait3A_98 = tpu.memref_slice %arg30[%dma_wait3A] : memref<24576xf32, #tpu.memory_space<vmem_shared>> -> memref<8192xf32, #tpu.memory_space<vmem_shared>>
      %dma_wait3A_99 = arith.constant 8192 : i32
      %dma_wait3A_100 = tpu.memref_slice %arg30[%dma_wait3A_99] : memref<24576xf32, #tpu.memory_space<vmem_shared>> -> memref<8192xf32, #tpu.memory_space<vmem_shared>>
      tpu.wait_dma2 semaphore(%run_scoped3A : memref<!tpu.dma_semaphore, #tpu.memory_space<semaphore_mem>>) src(%dma_wait3A_100 : memref<8192xf32, #tpu.memory_space<vmem_shared>>) dst(%arg18 : memref<8192xf32, #tpu.memory_space<vmem>>)
      tpu.yield
    }) : () -> ()
    "tpu.region"() ({
      %run_scoped3A = tpu.sem_alloc : memref<!tpu.dma_semaphore, #tpu.memory_space<semaphore_mem>>
      %dma_start3A = arith.constant 16384 : i32
      %dma_start3A_95 = tpu.memref_slice %arg30[%dma_start3A] : memref<24576xf32, #tpu.memory_space<vmem_shared>> -> memref<8192xf32, #tpu.memory_space<vmem_shared>>
      %dma_start3A_96 = arith.constant 16384 : i32
      %dma_start3A_97 = tpu.memref_slice %arg30[%dma_start3A_96] : memref<24576xf32, #tpu.memory_space<vmem_shared>> -> memref<8192xf32, #tpu.memory_space<vmem_shared>>
      tpu.enqueue_dma source(%dma_start3A_97 : memref<8192xf32, #tpu.memory_space<vmem_shared>>) target(%arg19 : memref<8192xf32, #tpu.memory_space<vmem>>) target_semaphore(%run_scoped3A : memref<!tpu.dma_semaphore, #tpu.memory_space<semaphore_mem>>)
      %dma_wait3A = arith.constant 16384 : i32
      %dma_wait3A_98 = tpu.memref_slice %arg30[%dma_wait3A] : memref<24576xf32, #tpu.memory_space<vmem_shared>> -> memref<8192xf32, #tpu.memory_space<vmem_shared>>
      %dma_wait3A_99 = arith.constant 16384 : i32
      %dma_wait3A_100 = tpu.memref_slice %arg30[%dma_wait3A_99] : memref<24576xf32, #tpu.memory_space<vmem_shared>> -> memref<8192xf32, #tpu.memory_space<vmem_shared>>
      tpu.wait_dma2 semaphore(%run_scoped3A : memref<!tpu.dma_semaphore, #tpu.memory_space<semaphore_mem>>) src(%dma_wait3A_100 : memref<8192xf32, #tpu.memory_space<vmem_shared>>) dst(%arg19 : memref<8192xf32, #tpu.memory_space<vmem>>)
      tpu.yield
    }) : () -> ()
    %scan3A_68 = arith.constant 0 : i32
    %scan3A_69 = arith.constant 0 : i32
    %scan3A_70 = arith.constant 16 : i32
    %scan3A_71 = arith.addi %scan3A_69, %scan3A_70 : i32
    %scan3A_72 = arith.constant 1 : i32
    %scan3A_73 = scf.for %scan3A_95 = %scan3A_69 to %scan3A_71 step %scan3A_72 iter_args(%scan3A_96 = %scan3A_68) -> (i32)  : i32 {
      %mul3A_97 = arith.constant 16 : i32
      %mul3A_98 = arith.muli %scan3A_95, %mul3A_97 : i32
      %broadcast_in_dim3A_99 = arith.constant 0.000000e+00 : f32
      %broadcast_in_dim3A_100 = vector.broadcast %broadcast_in_dim3A_99 : f32 to vector<16xf32>
      %broadcast_in_dim3A_101 = arith.constant 0.000000e+00 : f32
      %broadcast_in_dim3A_102 = vector.broadcast %broadcast_in_dim3A_101 : f32 to vector<16xf32>
      %broadcast_in_dim3A_103 = arith.constant 0.000000e+00 : f32
      %broadcast_in_dim3A_104 = vector.broadcast %broadcast_in_dim3A_103 : f32 to vector<16xf32>
      %mul3A_105 = arith.constant 16 : i32
      %mul3A_106 = arith.muli %scan3A_95, %mul3A_105 : i32
      %add3A_107 = arith.constant 0 : i32
      %add3A_108 = arith.addi %add3A_107, %mul3A_106 : i32
      %get3A = arith.index_cast %add3A_108 : i32 to index
      %get3A_109 = tpu.vector_load %arg20[%get3A] {strides = array<i32>} : memref<1536xi32, #tpu.memory_space<vmem>>, vector<16xi32>,
      %ge3A = arith.constant 0 : i32
      %ge3A_110 = vector.broadcast %ge3A : i32 to vector<16xi32>
      %ge3A_111 = arith.cmpi sge, %get3A_109, %ge3A_110 : vector<16xi32>
      %max3A = arith.constant 0 : i32
      %max3A_112 = vector.broadcast %max3A : i32 to vector<16xi32>
      %max3A_113 = arith.maxsi %get3A_109, %max3A_112 : vector<16xi32>
      %gather3A = tpu.vector_load_idx %arg17[%max3A_113] : memref<8192xf32, #tpu.memory_space<vmem>>[vector<16xi32>], vector<16xf32>,
      %jit3A = arith.constant 0.000000e+00 : f32
      %broadcast_in_dim3A_114 = vector.broadcast %jit3A : f32 to vector<16xf32>
      %select_n3A = arith.select %ge3A_111, %gather3A, %broadcast_in_dim3A_114 : vector<16xi1>, vector<16xf32>
      %add3A_115 = arith.addf %broadcast_in_dim3A_100, %select_n3A : vector<16xf32>
      %gather3A_116 = tpu.vector_load_idx %arg18[%max3A_113] : memref<8192xf32, #tpu.memory_space<vmem>>[vector<16xi32>], vector<16xf32>,
      %jit3A_117 = arith.constant 0.000000e+00 : f32
      %broadcast_in_dim3A_118 = vector.broadcast %jit3A_117 : f32 to vector<16xf32>
      %select_n3A_119 = arith.select %ge3A_111, %gather3A_116, %broadcast_in_dim3A_118 : vector<16xi1>, vector<16xf32>
      %add3A_120 = arith.addf %broadcast_in_dim3A_102, %select_n3A_119 : vector<16xf32>
      %gather3A_121 = tpu.vector_load_idx %arg19[%max3A_113] : memref<8192xf32, #tpu.memory_space<vmem>>[vector<16xi32>], vector<16xf32>,
      %jit3A_122 = arith.constant 0.000000e+00 : f32
      %broadcast_in_dim3A_123 = vector.broadcast %jit3A_122 : f32 to vector<16xf32>
      %select_n3A_124 = arith.select %ge3A_111, %gather3A_121, %broadcast_in_dim3A_123 : vector<16xi1>, vector<16xf32>
      %add3A_125 = arith.addf %broadcast_in_dim3A_104, %select_n3A_124 : vector<16xf32>
      %mul3A_126 = arith.constant 16 : i32
      %mul3A_127 = arith.muli %scan3A_95, %mul3A_126 : i32
      %add3A_128 = arith.constant 256 : i32
      %add3A_129 = arith.addi %add3A_128, %mul3A_127 : i32
      %get3A_130 = arith.index_cast %add3A_129 : i32 to index
      %get3A_131 = tpu.vector_load %arg20[%get3A_130] {strides = array<i32>} : memref<1536xi32, #tpu.memory_space<vmem>>, vector<16xi32>,
      %ge3A_132 = arith.constant 0 : i32
      %ge3A_133 = vector.broadcast %ge3A_132 : i32 to vector<16xi32>
      %ge3A_134 = arith.cmpi sge, %get3A_131, %ge3A_133 : vector<16xi32>
      %max3A_135 = arith.constant 0 : i32
      %max3A_136 = vector.broadcast %max3A_135 : i32 to vector<16xi32>
      %max3A_137 = arith.maxsi %get3A_131, %max3A_136 : vector<16xi32>
      %gather3A_138 = tpu.vector_load_idx %arg17[%max3A_137] : memref<8192xf32, #tpu.memory_space<vmem>>[vector<16xi32>], vector<16xf32>,
      %jit3A_139 = arith.constant 0.000000e+00 : f32
      %broadcast_in_dim3A_140 = vector.broadcast %jit3A_139 : f32 to vector<16xf32>
      %select_n3A_141 = arith.select %ge3A_134, %gather3A_138, %broadcast_in_dim3A_140 : vector<16xi1>, vector<16xf32>
      %add3A_142 = arith.addf %add3A_115, %select_n3A_141 : vector<16xf32>
      %gather3A_143 = tpu.vector_load_idx %arg18[%max3A_137] : memref<8192xf32, #tpu.memory_space<vmem>>[vector<16xi32>], vector<16xf32>,
      %jit3A_144 = arith.constant 0.000000e+00 : f32
      %broadcast_in_dim3A_145 = vector.broadcast %jit3A_144 : f32 to vector<16xf32>
      %select_n3A_146 = arith.select %ge3A_134, %gather3A_143, %broadcast_in_dim3A_145 : vector<16xi1>, vector<16xf32>
      %add3A_147 = arith.addf %add3A_120, %select_n3A_146 : vector<16xf32>
      %gather3A_148 = tpu.vector_load_idx %arg19[%max3A_137] : memref<8192xf32, #tpu.memory_space<vmem>>[vector<16xi32>], vector<16xf32>,
      %jit3A_149 = arith.constant 0.000000e+00 : f32
      %broadcast_in_dim3A_150 = vector.broadcast %jit3A_149 : f32 to vector<16xf32>
      %select_n3A_151 = arith.select %ge3A_134, %gather3A_148, %broadcast_in_dim3A_150 : vector<16xi1>, vector<16xf32>
      %add3A_152 = arith.addf %add3A_125, %select_n3A_151 : vector<16xf32>
      %mul3A_153 = arith.constant 16 : i32
      %mul3A_154 = arith.muli %scan3A_95, %mul3A_153 : i32
      %add3A_155 = arith.constant 512 : i32
      %add3A_156 = arith.addi %add3A_155, %mul3A_154 : i32
      %get3A_157 = arith.index_cast %add3A_156 : i32 to index
      %get3A_158 = tpu.vector_load %arg20[%get3A_157] {strides = array<i32>} : memref<1536xi32, #tpu.memory_space<vmem>>, vector<16xi32>,
      %ge3A_159 = arith.constant 0 : i32
      %ge3A_160 = vector.broadcast %ge3A_159 : i32 to vector<16xi32>
      %ge3A_161 = arith.cmpi sge, %get3A_158, %ge3A_160 : vector<16xi32>
      %max3A_162 = arith.constant 0 : i32
      %max3A_163 = vector.broadcast %max3A_162 : i32 to vector<16xi32>
      %max3A_164 = arith.maxsi %get3A_158, %max3A_163 : vector<16xi32>
      %gather3A_165 = tpu.vector_load_idx %arg17[%max3A_164] : memref<8192xf32, #tpu.memory_space<vmem>>[vector<16xi32>], vector<16xf32>,
      %jit3A_166 = arith.constant 0.000000e+00 : f32
      %broadcast_in_dim3A_167 = vector.broadcast %jit3A_166 : f32 to vector<16xf32>
      %select_n3A_168 = arith.select %ge3A_161, %gather3A_165, %broadcast_in_dim3A_167 : vector<16xi1>, vector<16xf32>
      %add3A_169 = arith.addf %add3A_142, %select_n3A_168 : vector<16xf32>
      %gather3A_170 = tpu.vector_load_idx %arg18[%max3A_164] : memref<8192xf32, #tpu.memory_space<vmem>>[vector<16xi32>], vector<16xf32>,
      %jit3A_171 = arith.constant 0.000000e+00 : f32
      %broadcast_in_dim3A_172 = vector.broadcast %jit3A_171 : f32 to vector<16xf32>
      %select_n3A_173 = arith.select %ge3A_161, %gather3A_170, %broadcast_in_dim3A_172 : vector<16xi1>, vector<16xf32>
      %add3A_174 = arith.addf %add3A_147, %select_n3A_173 : vector<16xf32>
      %gather3A_175 = tpu.vector_load_idx %arg19[%max3A_164] : memref<8192xf32, #tpu.memory_space<vmem>>[vector<16xi32>], vector<16xf32>,
      %jit3A_176 = arith.constant 0.000000e+00 : f32
      %broadcast_in_dim3A_177 = vector.broadcast %jit3A_176 : f32 to vector<16xf32>
      %select_n3A_178 = arith.select %ge3A_161, %gather3A_175, %broadcast_in_dim3A_177 : vector<16xi1>, vector<16xf32>
      %add3A_179 = arith.addf %add3A_152, %select_n3A_178 : vector<16xf32>
      %mul3A_180 = arith.constant 16 : i32
      %mul3A_181 = arith.muli %scan3A_95, %mul3A_180 : i32
      %add3A_182 = arith.constant 768 : i32
      %add3A_183 = arith.addi %add3A_182, %mul3A_181 : i32
      %get3A_184 = arith.index_cast %add3A_183 : i32 to index
      %get3A_185 = tpu.vector_load %arg20[%get3A_184] {strides = array<i32>} : memref<1536xi32, #tpu.memory_space<vmem>>, vector<16xi32>,
      %ge3A_186 = arith.constant 0 : i32
      %ge3A_187 = vector.broadcast %ge3A_186 : i32 to vector<16xi32>
      %ge3A_188 = arith.cmpi sge, %get3A_185, %ge3A_187 : vector<16xi32>
      %max3A_189 = arith.constant 0 : i32
      %max3A_190 = vector.broadcast %max3A_189 : i32 to vector<16xi32>
      %max3A_191 = arith.maxsi %get3A_185, %max3A_190 : vector<16xi32>
      %gather3A_192 = tpu.vector_load_idx %arg17[%max3A_191] : memref<8192xf32, #tpu.memory_space<vmem>>[vector<16xi32>], vector<16xf32>,
      %jit3A_193 = arith.constant 0.000000e+00 : f32
      %broadcast_in_dim3A_194 = vector.broadcast %jit3A_193 : f32 to vector<16xf32>
      %select_n3A_195 = arith.select %ge3A_188, %gather3A_192, %broadcast_in_dim3A_194 : vector<16xi1>, vector<16xf32>
      %add3A_196 = arith.addf %add3A_169, %select_n3A_195 : vector<16xf32>
      %gather3A_197 = tpu.vector_load_idx %arg18[%max3A_191] : memref<8192xf32, #tpu.memory_space<vmem>>[vector<16xi32>], vector<16xf32>,
      %jit3A_198 = arith.constant 0.000000e+00 : f32
      %broadcast_in_dim3A_199 = vector.broadcast %jit3A_198 : f32 to vector<16xf32>
      %select_n3A_200 = arith.select %ge3A_188, %gather3A_197, %broadcast_in_dim3A_199 : vector<16xi1>, vector<16xf32>
      %add3A_201 = arith.addf %add3A_174, %select_n3A_200 : vector<16xf32>
      %gather3A_202 = tpu.vector_load_idx %arg19[%max3A_191] : memref<8192xf32, #tpu.memory_space<vmem>>[vector<16xi32>], vector<16xf32>,
      %jit3A_203 = arith.constant 0.000000e+00 : f32
      %broadcast_in_dim3A_204 = vector.broadcast %jit3A_203 : f32 to vector<16xf32>
      %select_n3A_205 = arith.select %ge3A_188, %gather3A_202, %broadcast_in_dim3A_204 : vector<16xi1>, vector<16xf32>
      %add3A_206 = arith.addf %add3A_179, %select_n3A_205 : vector<16xf32>
      %mul3A_207 = arith.constant 16 : i32
      %mul3A_208 = arith.muli %scan3A_95, %mul3A_207 : i32
      %add3A_209 = arith.constant 1024 : i32
      %add3A_210 = arith.addi %add3A_209, %mul3A_208 : i32
      %get3A_211 = arith.index_cast %add3A_210 : i32 to index
      %get3A_212 = tpu.vector_load %arg20[%get3A_211] {strides = array<i32>} : memref<1536xi32, #tpu.memory_space<vmem>>, vector<16xi32>,
      %ge3A_213 = arith.constant 0 : i32
      %ge3A_214 = vector.broadcast %ge3A_213 : i32 to vector<16xi32>
      %ge3A_215 = arith.cmpi sge, %get3A_212, %ge3A_214 : vector<16xi32>
      %max3A_216 = arith.constant 0 : i32
      %max3A_217 = vector.broadcast %max3A_216 : i32 to vector<16xi32>
      %max3A_218 = arith.maxsi %get3A_212, %max3A_217 : vector<16xi32>
      %gather3A_219 = tpu.vector_load_idx %arg17[%max3A_218] : memref<8192xf32, #tpu.memory_space<vmem>>[vector<16xi32>], vector<16xf32>,
      %jit3A_220 = arith.constant 0.000000e+00 : f32
      %broadcast_in_dim3A_221 = vector.broadcast %jit3A_220 : f32 to vector<16xf32>
      %select_n3A_222 = arith.select %ge3A_215, %gather3A_219, %broadcast_in_dim3A_221 : vector<16xi1>, vector<16xf32>
      %add3A_223 = arith.addf %add3A_196, %select_n3A_222 : vector<16xf32>
      %gather3A_224 = tpu.vector_load_idx %arg18[%max3A_218] : memref<8192xf32, #tpu.memory_space<vmem>>[vector<16xi32>], vector<16xf32>,
      %jit3A_225 = arith.constant 0.000000e+00 : f32
      %broadcast_in_dim3A_226 = vector.broadcast %jit3A_225 : f32 to vector<16xf32>
      %select_n3A_227 = arith.select %ge3A_215, %gather3A_224, %broadcast_in_dim3A_226 : vector<16xi1>, vector<16xf32>
      %add3A_228 = arith.addf %add3A_201, %select_n3A_227 : vector<16xf32>
      %gather3A_229 = tpu.vector_load_idx %arg19[%max3A_218] : memref<8192xf32, #tpu.memory_space<vmem>>[vector<16xi32>], vector<16xf32>,
      %jit3A_230 = arith.constant 0.000000e+00 : f32
      %broadcast_in_dim3A_231 = vector.broadcast %jit3A_230 : f32 to vector<16xf32>
      %select_n3A_232 = arith.select %ge3A_215, %gather3A_229, %broadcast_in_dim3A_231 : vector<16xi1>, vector<16xf32>
      %add3A_233 = arith.addf %add3A_206, %select_n3A_232 : vector<16xf32>
      %mul3A_234 = arith.constant 16 : i32
      %mul3A_235 = arith.muli %scan3A_95, %mul3A_234 : i32
      %add3A_236 = arith.constant 1280 : i32
      %add3A_237 = arith.addi %add3A_236, %mul3A_235 : i32
      %get3A_238 = arith.index_cast %add3A_237 : i32 to index
      %get3A_239 = tpu.vector_load %arg20[%get3A_238] {strides = array<i32>} : memref<1536xi32, #tpu.memory_space<vmem>>, vector<16xi32>,
      %ge3A_240 = arith.constant 0 : i32
      %ge3A_241 = vector.broadcast %ge3A_240 : i32 to vector<16xi32>
      %ge3A_242 = arith.cmpi sge, %get3A_239, %ge3A_241 : vector<16xi32>
      %max3A_243 = arith.constant 0 : i32
      %max3A_244 = vector.broadcast %max3A_243 : i32 to vector<16xi32>
      %max3A_245 = arith.maxsi %get3A_239, %max3A_244 : vector<16xi32>
      %gather3A_246 = tpu.vector_load_idx %arg17[%max3A_245] : memref<8192xf32, #tpu.memory_space<vmem>>[vector<16xi32>], vector<16xf32>,
      %jit3A_247 = arith.constant 0.000000e+00 : f32
      %broadcast_in_dim3A_248 = vector.broadcast %jit3A_247 : f32 to vector<16xf32>
      %select_n3A_249 = arith.select %ge3A_242, %gather3A_246, %broadcast_in_dim3A_248 : vector<16xi1>, vector<16xf32>
      %add3A_250 = arith.addf %add3A_223, %select_n3A_249 : vector<16xf32>
      %gather3A_251 = tpu.vector_load_idx %arg18[%max3A_245] : memref<8192xf32, #tpu.memory_space<vmem>>[vector<16xi32>], vector<16xf32>,
      %jit3A_252 = arith.constant 0.000000e+00 : f32
      %broadcast_in_dim3A_253 = vector.broadcast %jit3A_252 : f32 to vector<16xf32>
      %select_n3A_254 = arith.select %ge3A_242, %gather3A_251, %broadcast_in_dim3A_253 : vector<16xi1>, vector<16xf32>
      %add3A_255 = arith.addf %add3A_228, %select_n3A_254 : vector<16xf32>
      %gather3A_256 = tpu.vector_load_idx %arg19[%max3A_245] : memref<8192xf32, #tpu.memory_space<vmem>>[vector<16xi32>], vector<16xf32>,
      %jit3A_257 = arith.constant 0.000000e+00 : f32
      %broadcast_in_dim3A_258 = vector.broadcast %jit3A_257 : f32 to vector<16xf32>
      %select_n3A_259 = arith.select %ge3A_242, %gather3A_256, %broadcast_in_dim3A_258 : vector<16xi1>, vector<16xf32>
      %add3A_260 = arith.addf %add3A_233, %select_n3A_259 : vector<16xf32>
      %mul3A_261 = arith.mulf %add3A_250, %add3A_250 : vector<16xf32>
      %mul3A_262 = arith.mulf %add3A_255, %add3A_255 : vector<16xf32>
      %add3A_263 = arith.addf %mul3A_261, %mul3A_262 : vector<16xf32>
      %mul3A_264 = arith.mulf %add3A_260, %add3A_260 : vector<16xf32>
      %add3A_265 = arith.addf %add3A_263, %mul3A_264 : vector<16xf32>
      %max3A_266 = arith.constant 1.000000e-30 : f32
      %max3A_267 = vector.broadcast %max3A_266 : f32 to vector<16xf32>
      %max3A_268 = arith.maximumf %add3A_265, %max3A_267 : vector<16xf32>
      %bitcast3A = vector.bitcast %max3A_268 : vector<16xf32> to vector<16xi32>
      %shift_right_arithmetic3A = arith.constant 1 : i32
      %shift_right_arithmetic3A_269 = vector.broadcast %shift_right_arithmetic3A : i32 to vector<16xi32>
      %shift_right_arithmetic3A_270 = arith.shrsi %bitcast3A, %shift_right_arithmetic3A_269 : vector<16xi32>
      %sub3A = arith.constant 1597463007 : i32
      %sub3A_271 = vector.broadcast %sub3A : i32 to vector<16xi32>
      %sub3A_272 = arith.subi %sub3A_271, %shift_right_arithmetic3A_270 : vector<16xi32>
      %bitcast3A_273 = vector.bitcast %sub3A_272 : vector<16xi32> to vector<16xf32>
      %mul3A_274 = arith.constant 5.000000e-01 : f32
      %mul3A_275 = vector.broadcast %mul3A_274 : f32 to vector<16xf32>
      %mul3A_276 = arith.mulf %mul3A_275, %max3A_268 : vector<16xf32>
      %mul3A_277 = arith.mulf %mul3A_276, %bitcast3A_273 : vector<16xf32>
      %mul3A_278 = arith.mulf %mul3A_277, %bitcast3A_273 : vector<16xf32>
      %sub3A_279 = arith.constant 1.500000e+00 : f32
      %sub3A_280 = vector.broadcast %sub3A_279 : f32 to vector<16xf32>
      %sub3A_281 = arith.subf %sub3A_280, %mul3A_278 : vector<16xf32>
      %mul3A_282 = arith.mulf %bitcast3A_273, %sub3A_281 : vector<16xf32>
      %mul3A_283 = arith.constant 5.000000e-01 : f32
      %mul3A_284 = vector.broadcast %mul3A_283 : f32 to vector<16xf32>
      %mul3A_285 = arith.mulf %mul3A_284, %max3A_268 : vector<16xf32>
      %mul3A_286 = arith.mulf %mul3A_285, %mul3A_282 : vector<16xf32>
      %mul3A_287 = arith.mulf %mul3A_286, %mul3A_282 : vector<16xf32>
      %sub3A_288 = arith.constant 1.500000e+00 : f32
      %sub3A_289 = vector.broadcast %sub3A_288 : f32 to vector<16xf32>
      %sub3A_290 = arith.subf %sub3A_289, %mul3A_287 : vector<16xf32>
      %mul3A_291 = arith.mulf %mul3A_282, %sub3A_290 : vector<16xf32>
      %mul3A_292 = arith.constant 5.000000e-01 : f32
      %mul3A_293 = vector.broadcast %mul3A_292 : f32 to vector<16xf32>
      %mul3A_294 = arith.mulf %mul3A_293, %max3A_268 : vector<16xf32>
      %mul3A_295 = arith.mulf %mul3A_294, %mul3A_291 : vector<16xf32>
      %mul3A_296 = arith.mulf %mul3A_295, %mul3A_291 : vector<16xf32>
      %sub3A_297 = arith.constant 1.500000e+00 : f32
      %sub3A_298 = vector.broadcast %sub3A_297 : f32 to vector<16xf32>
      %sub3A_299 = arith.subf %sub3A_298, %mul3A_296 : vector<16xf32>
      %mul3A_300 = arith.mulf %mul3A_291, %sub3A_299 : vector<16xf32>
      %mul3A_301 = arith.mulf %max3A_268, %mul3A_300 : vector<16xf32>
      %add3A_302 = arith.constant 1.000000e-10 : f32
      %add3A_303 = vector.broadcast %add3A_302 : f32 to vector<16xf32>
      %add3A_304 = arith.addf %mul3A_301, %add3A_303 : vector<16xf32>
      %div3A = arith.constant 1.000000e+00 : f32
      %div3A_305 = vector.broadcast %div3A : f32 to vector<16xf32>
      %div3A_306 = arith.divf %div3A_305, %add3A_304 : vector<16xf32>
      %mul3A_307 = arith.mulf %add3A_250, %div3A_306 : vector<16xf32>
      %mul3A_308 = arith.constant 16 : i32
      %mul3A_309 = arith.muli %scan3A_95, %mul3A_308 : i32
      %add3A_310 = arith.constant 0 : i32
      %add3A_311 = arith.addi %add3A_310, %mul3A_309 : i32
      %swap3A_312 = arith.index_cast %add3A_311 : i32 to index
      %swap3A_313 = tpu.vector_load %arg21[%swap3A_312] {strides = array<i32>} : memref<768xf32, #tpu.memory_space<vmem>>, vector<16xf32>,
      tpu.vector_store %arg21[%swap3A_312], %mul3A_307 {strides = array<i32>} : memref<768xf32, #tpu.memory_space<vmem>>, vector<16xf32>,
      %mul3A_314 = arith.mulf %add3A_255, %div3A_306 : vector<16xf32>
      %mul3A_315 = arith.constant 16 : i32
      %mul3A_316 = arith.muli %scan3A_95, %mul3A_315 : i32
      %add3A_317 = arith.constant 256 : i32
      %add3A_318 = arith.addi %add3A_317, %mul3A_316 : i32
      %swap3A_319 = arith.index_cast %add3A_318 : i32 to index
      %swap3A_320 = tpu.vector_load %arg21[%swap3A_319] {strides = array<i32>} : memref<768xf32, #tpu.memory_space<vmem>>, vector<16xf32>,
      tpu.vector_store %arg21[%swap3A_319], %mul3A_314 {strides = array<i32>} : memref<768xf32, #tpu.memory_space<vmem>>, vector<16xf32>,
      %mul3A_321 = arith.mulf %add3A_260, %div3A_306 : vector<16xf32>
      %mul3A_322 = arith.constant 16 : i32
      %mul3A_323 = arith.muli %scan3A_95, %mul3A_322 : i32
      %add3A_324 = arith.constant 512 : i32
      %add3A_325 = arith.addi %add3A_324, %mul3A_323 : i32
      %swap3A_326 = arith.index_cast %add3A_325 : i32 to index
      %swap3A_327 = tpu.vector_load %arg21[%swap3A_326] {strides = array<i32>} : memref<768xf32, #tpu.memory_space<vmem>>, vector<16xf32>,
      tpu.vector_store %arg21[%swap3A_326], %mul3A_321 {strides = array<i32>} : memref<768xf32, #tpu.memory_space<vmem>>, vector<16xf32>,
      %scan3A_328 = arith.constant 0 : i32
      scf.yield %scan3A_328 : i32
    }
    %scan3A_74 = arith.constant 16 : i32
    %add3A_75 = arith.constant 0 : i32
    %add3A_76 = arith.addi %add3A_75, %mul3A_2 : i32
    "tpu.region"() ({
      %run_scoped3A = tpu.sem_alloc : memref<!tpu.dma_semaphore, #tpu.memory_space<semaphore_mem>>
      %dma_start3A = arith.constant 0 : i32
      %dma_start3A_95 = tpu.memref_slice %arg21[%dma_start3A] : memref<768xf32, #tpu.memory_space<vmem>> -> memref<256xf32, #tpu.memory_space<vmem>>
      %dma_start3A_96 = tpu.memref_slice %arg31[%add3A_76] : memref<12288xf32, #tpu.memory_space<vmem_shared>> -> memref<256xf32, #tpu.memory_space<vmem_shared>>
      %dma_start3A_97 = tpu.memref_slice %arg31[%add3A_76] : memref<12288xf32, #tpu.memory_space<vmem_shared>> -> memref<256xf32, #tpu.memory_space<vmem_shared>>
      %dma_start3A_98 = arith.constant 0 : i32
      %dma_start3A_99 = tpu.memref_slice %arg21[%dma_start3A_98] : memref<768xf32, #tpu.memory_space<vmem>> -> memref<256xf32, #tpu.memory_space<vmem>>
      tpu.enqueue_dma source(%dma_start3A_99 : memref<256xf32, #tpu.memory_space<vmem>>) target(%dma_start3A_97 : memref<256xf32, #tpu.memory_space<vmem_shared>>) target_semaphore(%run_scoped3A : memref<!tpu.dma_semaphore, #tpu.memory_space<semaphore_mem>>)
      %dma_wait3A = arith.constant 0 : i32
      %dma_wait3A_100 = tpu.memref_slice %arg21[%dma_wait3A] : memref<768xf32, #tpu.memory_space<vmem>> -> memref<256xf32, #tpu.memory_space<vmem>>
      %dma_wait3A_101 = tpu.memref_slice %arg31[%add3A_76] : memref<12288xf32, #tpu.memory_space<vmem_shared>> -> memref<256xf32, #tpu.memory_space<vmem_shared>>
      %dma_wait3A_102 = tpu.memref_slice %arg31[%add3A_76] : memref<12288xf32, #tpu.memory_space<vmem_shared>> -> memref<256xf32, #tpu.memory_space<vmem_shared>>
      %dma_wait3A_103 = arith.constant 0 : i32
      %dma_wait3A_104 = tpu.memref_slice %arg21[%dma_wait3A_103] : memref<768xf32, #tpu.memory_space<vmem>> -> memref<256xf32, #tpu.memory_space<vmem>>
      tpu.wait_dma2 semaphore(%run_scoped3A : memref<!tpu.dma_semaphore, #tpu.memory_space<semaphore_mem>>) src(%dma_wait3A_104 : memref<256xf32, #tpu.memory_space<vmem>>) dst(%dma_wait3A_102 : memref<256xf32, #tpu.memory_space<vmem_shared>>)
      tpu.yield
    }) : () -> ()
    %add3A_77 = arith.constant 4096 : i32
    %add3A_78 = arith.addi %add3A_77, %mul3A_2 : i32
    "tpu.region"() ({
      %run_scoped3A = tpu.sem_alloc : memref<!tpu.dma_semaphore, #tpu.memory_space<semaphore_mem>>
      %dma_start3A = arith.constant 256 : i32
      %dma_start3A_95 = tpu.memref_slice %arg21[%dma_start3A] : memref<768xf32, #tpu.memory_space<vmem>> -> memref<256xf32, #tpu.memory_space<vmem>>
      %dma_start3A_96 = tpu.memref_slice %arg31[%add3A_78] : memref<12288xf32, #tpu.memory_space<vmem_shared>> -> memref<256xf32, #tpu.memory_space<vmem_shared>>
      %dma_start3A_97 = tpu.memref_slice %arg31[%add3A_78] : memref<12288xf32, #tpu.memory_space<vmem_shared>> -> memref<256xf32, #tpu.memory_space<vmem_shared>>
      %dma_start3A_98 = arith.constant 256 : i32
      %dma_start3A_99 = tpu.memref_slice %arg21[%dma_start3A_98] : memref<768xf32, #tpu.memory_space<vmem>> -> memref<256xf32, #tpu.memory_space<vmem>>
      tpu.enqueue_dma source(%dma_start3A_99 : memref<256xf32, #tpu.memory_space<vmem>>) target(%dma_start3A_97 : memref<256xf32, #tpu.memory_space<vmem_shared>>) target_semaphore(%run_scoped3A : memref<!tpu.dma_semaphore, #tpu.memory_space<semaphore_mem>>)
      %dma_wait3A = arith.constant 256 : i32
      %dma_wait3A_100 = tpu.memref_slice %arg21[%dma_wait3A] : memref<768xf32, #tpu.memory_space<vmem>> -> memref<256xf32, #tpu.memory_space<vmem>>
      %dma_wait3A_101 = tpu.memref_slice %arg31[%add3A_78] : memref<12288xf32, #tpu.memory_space<vmem_shared>> -> memref<256xf32, #tpu.memory_space<vmem_shared>>
      %dma_wait3A_102 = tpu.memref_slice %arg31[%add3A_78] : memref<12288xf32, #tpu.memory_space<vmem_shared>> -> memref<256xf32, #tpu.memory_space<vmem_shared>>
      %dma_wait3A_103 = arith.constant 256 : i32
      %dma_wait3A_104 = tpu.memref_slice %arg21[%dma_wait3A_103] : memref<768xf32, #tpu.memory_space<vmem>> -> memref<256xf32, #tpu.memory_space<vmem>>
      tpu.wait_dma2 semaphore(%run_scoped3A : memref<!tpu.dma_semaphore, #tpu.memory_space<semaphore_mem>>) src(%dma_wait3A_104 : memref<256xf32, #tpu.memory_space<vmem>>) dst(%dma_wait3A_102 : memref<256xf32, #tpu.memory_space<vmem_shared>>)
      tpu.yield
    }) : () -> ()
    %add3A_79 = arith.constant 8192 : i32
    %add3A_80 = arith.addi %add3A_79, %mul3A_2 : i32
    "tpu.region"() ({
      %run_scoped3A = tpu.sem_alloc : memref<!tpu.dma_semaphore, #tpu.memory_space<semaphore_mem>>
      %dma_start3A = arith.constant 512 : i32
      %dma_start3A_95 = tpu.memref_slice %arg21[%dma_start3A] : memref<768xf32, #tpu.memory_space<vmem>> -> memref<256xf32, #tpu.memory_space<vmem>>
      %dma_start3A_96 = tpu.memref_slice %arg31[%add3A_80] : memref<12288xf32, #tpu.memory_space<vmem_shared>> -> memref<256xf32, #tpu.memory_space<vmem_shared>>
      %dma_start3A_97 = tpu.memref_slice %arg31[%add3A_80] : memref<12288xf32, #tpu.memory_space<vmem_shared>> -> memref<256xf32, #tpu.memory_space<vmem_shared>>
      %dma_start3A_98 = arith.constant 512 : i32
      %dma_start3A_99 = tpu.memref_slice %arg21[%dma_start3A_98] : memref<768xf32, #tpu.memory_space<vmem>> -> memref<256xf32, #tpu.memory_space<vmem>>
      tpu.enqueue_dma source(%dma_start3A_99 : memref<256xf32, #tpu.memory_space<vmem>>) target(%dma_start3A_97 : memref<256xf32, #tpu.memory_space<vmem_shared>>) target_semaphore(%run_scoped3A : memref<!tpu.dma_semaphore, #tpu.memory_space<semaphore_mem>>)
      %dma_wait3A = arith.constant 512 : i32
      %dma_wait3A_100 = tpu.memref_slice %arg21[%dma_wait3A] : memref<768xf32, #tpu.memory_space<vmem>> -> memref<256xf32, #tpu.memory_space<vmem>>
      %dma_wait3A_101 = tpu.memref_slice %arg31[%add3A_80] : memref<12288xf32, #tpu.memory_space<vmem_shared>> -> memref<256xf32, #tpu.memory_space<vmem_shared>>
      %dma_wait3A_102 = tpu.memref_slice %arg31[%add3A_80] : memref<12288xf32, #tpu.memory_space<vmem_shared>> -> memref<256xf32, #tpu.memory_space<vmem_shared>>
      %dma_wait3A_103 = arith.constant 512 : i32
      %dma_wait3A_104 = tpu.memref_slice %arg21[%dma_wait3A_103] : memref<768xf32, #tpu.memory_space<vmem>> -> memref<256xf32, #tpu.memory_space<vmem>>
      tpu.wait_dma2 semaphore(%run_scoped3A : memref<!tpu.dma_semaphore, #tpu.memory_space<semaphore_mem>>) src(%dma_wait3A_104 : memref<256xf32, #tpu.memory_space<vmem>>) dst(%dma_wait3A_102 : memref<256xf32, #tpu.memory_space<vmem_shared>>)
      tpu.yield
    }) : () -> ()
    %barrier3A_81 = arith.constant 0 : index
    tpu.barrier barrier_id(%barrier3A_81)
    "tpu.region"() ({
      %run_scoped3A = tpu.sem_alloc : memref<!tpu.dma_semaphore, #tpu.memory_space<semaphore_mem>>
      %dma_start3A = arith.constant 0 : i32
      %dma_start3A_95 = tpu.memref_slice %arg31[%dma_start3A] : memref<12288xf32, #tpu.memory_space<vmem_shared>> -> memref<4096xf32, #tpu.memory_space<vmem_shared>>
      %dma_start3A_96 = arith.constant 0 : i32
      %dma_start3A_97 = tpu.memref_slice %arg31[%dma_start3A_96] : memref<12288xf32, #tpu.memory_space<vmem_shared>> -> memref<4096xf32, #tpu.memory_space<vmem_shared>>
      tpu.enqueue_dma source(%dma_start3A_97 : memref<4096xf32, #tpu.memory_space<vmem_shared>>) target(%arg22 : memref<4096xf32, #tpu.memory_space<vmem>>) target_semaphore(%run_scoped3A : memref<!tpu.dma_semaphore, #tpu.memory_space<semaphore_mem>>)
      %dma_wait3A = arith.constant 0 : i32
      %dma_wait3A_98 = tpu.memref_slice %arg31[%dma_wait3A] : memref<12288xf32, #tpu.memory_space<vmem_shared>> -> memref<4096xf32, #tpu.memory_space<vmem_shared>>
      %dma_wait3A_99 = arith.constant 0 : i32
      %dma_wait3A_100 = tpu.memref_slice %arg31[%dma_wait3A_99] : memref<12288xf32, #tpu.memory_space<vmem_shared>> -> memref<4096xf32, #tpu.memory_space<vmem_shared>>
      tpu.wait_dma2 semaphore(%run_scoped3A : memref<!tpu.dma_semaphore, #tpu.memory_space<semaphore_mem>>) src(%dma_wait3A_100 : memref<4096xf32, #tpu.memory_space<vmem_shared>>) dst(%arg22 : memref<4096xf32, #tpu.memory_space<vmem>>)
      tpu.yield
    }) : () -> ()
    "tpu.region"() ({
      %run_scoped3A = tpu.sem_alloc : memref<!tpu.dma_semaphore, #tpu.memory_space<semaphore_mem>>
      %dma_start3A = arith.constant 4096 : i32
      %dma_start3A_95 = tpu.memref_slice %arg31[%dma_start3A] : memref<12288xf32, #tpu.memory_space<vmem_shared>> -> memref<4096xf32, #tpu.memory_space<vmem_shared>>
      %dma_start3A_96 = arith.constant 4096 : i32
      %dma_start3A_97 = tpu.memref_slice %arg31[%dma_start3A_96] : memref<12288xf32, #tpu.memory_space<vmem_shared>> -> memref<4096xf32, #tpu.memory_space<vmem_shared>>
      tpu.enqueue_dma source(%dma_start3A_97 : memref<4096xf32, #tpu.memory_space<vmem_shared>>) target(%arg23 : memref<4096xf32, #tpu.memory_space<vmem>>) target_semaphore(%run_scoped3A : memref<!tpu.dma_semaphore, #tpu.memory_space<semaphore_mem>>)
      %dma_wait3A = arith.constant 4096 : i32
      %dma_wait3A_98 = tpu.memref_slice %arg31[%dma_wait3A] : memref<12288xf32, #tpu.memory_space<vmem_shared>> -> memref<4096xf32, #tpu.memory_space<vmem_shared>>
      %dma_wait3A_99 = arith.constant 4096 : i32
      %dma_wait3A_100 = tpu.memref_slice %arg31[%dma_wait3A_99] : memref<12288xf32, #tpu.memory_space<vmem_shared>> -> memref<4096xf32, #tpu.memory_space<vmem_shared>>
      tpu.wait_dma2 semaphore(%run_scoped3A : memref<!tpu.dma_semaphore, #tpu.memory_space<semaphore_mem>>) src(%dma_wait3A_100 : memref<4096xf32, #tpu.memory_space<vmem_shared>>) dst(%arg23 : memref<4096xf32, #tpu.memory_space<vmem>>)
      tpu.yield
    }) : () -> ()
    "tpu.region"() ({
      %run_scoped3A = tpu.sem_alloc : memref<!tpu.dma_semaphore, #tpu.memory_space<semaphore_mem>>
      %dma_start3A = arith.constant 8192 : i32
      %dma_start3A_95 = tpu.memref_slice %arg31[%dma_start3A] : memref<12288xf32, #tpu.memory_space<vmem_shared>> -> memref<4096xf32, #tpu.memory_space<vmem_shared>>
      %dma_start3A_96 = arith.constant 8192 : i32
      %dma_start3A_97 = tpu.memref_slice %arg31[%dma_start3A_96] : memref<12288xf32, #tpu.memory_space<vmem_shared>> -> memref<4096xf32, #tpu.memory_space<vmem_shared>>
      tpu.enqueue_dma source(%dma_start3A_97 : memref<4096xf32, #tpu.memory_space<vmem_shared>>) target(%arg24 : memref<4096xf32, #tpu.memory_space<vmem>>) target_semaphore(%run_scoped3A : memref<!tpu.dma_semaphore, #tpu.memory_space<semaphore_mem>>)
      %dma_wait3A = arith.constant 8192 : i32
      %dma_wait3A_98 = tpu.memref_slice %arg31[%dma_wait3A] : memref<12288xf32, #tpu.memory_space<vmem_shared>> -> memref<4096xf32, #tpu.memory_space<vmem_shared>>
      %dma_wait3A_99 = arith.constant 8192 : i32
      %dma_wait3A_100 = tpu.memref_slice %arg31[%dma_wait3A_99] : memref<12288xf32, #tpu.memory_space<vmem_shared>> -> memref<4096xf32, #tpu.memory_space<vmem_shared>>
      tpu.wait_dma2 semaphore(%run_scoped3A : memref<!tpu.dma_semaphore, #tpu.memory_space<semaphore_mem>>) src(%dma_wait3A_100 : memref<4096xf32, #tpu.memory_space<vmem_shared>>) dst(%arg24 : memref<4096xf32, #tpu.memory_space<vmem>>)
      tpu.yield
    }) : () -> ()
    %broadcast_in_dim3A = arith.constant 0.000000e+00 : f32
    %broadcast_in_dim3A_82 = vector.broadcast %broadcast_in_dim3A : f32 to vector<16xf32>
    %scan3A_83 = arith.constant 0 : i32
    %scan3A_84 = arith.constant 16 : i32
    %scan3A_85 = arith.addi %scan3A_83, %scan3A_84 : i32
    %scan3A_86 = arith.constant 1 : i32
    %scan3A_87 = scf.for %scan3A_95 = %scan3A_83 to %scan3A_85 step %scan3A_86 iter_args(%scan3A_96 = %broadcast_in_dim3A_82) -> (vector<16xf32>)  : i32 {
      %mul3A_97 = arith.constant 16 : i32
      %mul3A_98 = arith.muli %scan3A_95, %mul3A_97 : i32
      %get3A = arith.index_cast %mul3A_98 : i32 to index
      %get3A_99 = tpu.vector_load %arg26[%get3A] {strides = array<i32>} : memref<256xi32, #tpu.memory_space<vmem>>, vector<16xi32>,
      %gather3A = tpu.vector_load_idx %arg11[%get3A_99] : memref<8192xi32, #tpu.memory_space<vmem>>[vector<16xi32>], vector<16xi32>,
      %gather3A_100 = tpu.vector_load_idx %arg12[%get3A_99] : memref<8192xi32, #tpu.memory_space<vmem>>[vector<16xi32>], vector<16xi32>,
      %gather3A_101 = tpu.vector_load_idx %arg13[%get3A_99] : memref<8192xi32, #tpu.memory_space<vmem>>[vector<16xi32>], vector<16xi32>,
      %gather3A_102 = tpu.vector_load_idx %arg8[%gather3A] : memref<4096xf32, #tpu.memory_space<vmem>>[vector<16xi32>], vector<16xf32>,
      %gather3A_103 = tpu.vector_load_idx %arg9[%gather3A] : memref<4096xf32, #tpu.memory_space<vmem>>[vector<16xi32>], vector<16xf32>,
      %gather3A_104 = tpu.vector_load_idx %arg10[%gather3A] : memref<4096xf32, #tpu.memory_space<vmem>>[vector<16xi32>], vector<16xf32>,
      %gather3A_105 = tpu.vector_load_idx %arg8[%gather3A_100] : memref<4096xf32, #tpu.memory_space<vmem>>[vector<16xi32>], vector<16xf32>,
      %gather3A_106 = tpu.vector_load_idx %arg9[%gather3A_100] : memref<4096xf32, #tpu.memory_space<vmem>>[vector<16xi32>], vector<16xf32>,
      %gather3A_107 = tpu.vector_load_idx %arg10[%gather3A_100] : memref<4096xf32, #tpu.memory_space<vmem>>[vector<16xi32>], vector<16xf32>,
      %gather3A_108 = tpu.vector_load_idx %arg8[%gather3A_101] : memref<4096xf32, #tpu.memory_space<vmem>>[vector<16xi32>], vector<16xf32>,
      %gather3A_109 = tpu.vector_load_idx %arg9[%gather3A_101] : memref<4096xf32, #tpu.memory_space<vmem>>[vector<16xi32>], vector<16xf32>,
      %gather3A_110 = tpu.vector_load_idx %arg10[%gather3A_101] : memref<4096xf32, #tpu.memory_space<vmem>>[vector<16xi32>], vector<16xf32>,
      %mul3A_111 = arith.constant 16 : i32
      %mul3A_112 = arith.muli %scan3A_95, %mul3A_111 : i32
      %add3A_113 = arith.constant 0 : i32
      %add3A_114 = arith.addi %add3A_113, %mul3A_112 : i32
      %get3A_115 = arith.index_cast %add3A_114 : i32 to index
      %get3A_116 = tpu.vector_load %arg25[%get3A_115] {strides = array<i32>} : memref<768xf32, #tpu.memory_space<vmem>>, vector<16xf32>,
      %mul3A_117 = arith.constant 16 : i32
      %mul3A_118 = arith.muli %scan3A_95, %mul3A_117 : i32
      %add3A_119 = arith.constant 256 : i32
      %add3A_120 = arith.addi %add3A_119, %mul3A_118 : i32
      %get3A_121 = arith.index_cast %add3A_120 : i32 to index
      %get3A_122 = tpu.vector_load %arg25[%get3A_121] {strides = array<i32>} : memref<768xf32, #tpu.memory_space<vmem>>, vector<16xf32>,
      %mul3A_123 = arith.constant 16 : i32
      %mul3A_124 = arith.muli %scan3A_95, %mul3A_123 : i32
      %add3A_125 = arith.constant 512 : i32
      %add3A_126 = arith.addi %add3A_125, %mul3A_124 : i32
      %get3A_127 = arith.index_cast %add3A_126 : i32 to index
      %get3A_128 = tpu.vector_load %arg25[%get3A_127] {strides = array<i32>} : memref<768xf32, #tpu.memory_space<vmem>>, vector<16xf32>,
      %sub3A = arith.subf %gather3A_105, %gather3A_102 : vector<16xf32>
      %sub3A_129 = arith.subf %gather3A_106, %gather3A_103 : vector<16xf32>
      %sub3A_130 = arith.subf %gather3A_107, %gather3A_104 : vector<16xf32>
      %sub3A_131 = arith.subf %gather3A_108, %gather3A_102 : vector<16xf32>
      %sub3A_132 = arith.subf %gather3A_109, %gather3A_103 : vector<16xf32>
      %sub3A_133 = arith.subf %gather3A_110, %gather3A_104 : vector<16xf32>
      %sub3A_134 = arith.subf %get3A_116, %gather3A_102 : vector<16xf32>
      %sub3A_135 = arith.subf %get3A_122, %gather3A_103 : vector<16xf32>
      %sub3A_136 = arith.subf %get3A_128, %gather3A_104 : vector<16xf32>
      %mul3A_137 = arith.mulf %sub3A, %sub3A_134 : vector<16xf32>
      %mul3A_138 = arith.mulf %sub3A_129, %sub3A_135 : vector<16xf32>
      %add3A_139 = arith.addf %mul3A_137, %mul3A_138 : vector<16xf32>
      %mul3A_140 = arith.mulf %sub3A_130, %sub3A_136 : vector<16xf32>
      %add3A_141 = arith.addf %add3A_139, %mul3A_140 : vector<16xf32>
      %mul3A_142 = arith.mulf %sub3A_131, %sub3A_134 : vector<16xf32>
      %mul3A_143 = arith.mulf %sub3A_132, %sub3A_135 : vector<16xf32>
      %add3A_144 = arith.addf %mul3A_142, %mul3A_143 : vector<16xf32>
      %mul3A_145 = arith.mulf %sub3A_133, %sub3A_136 : vector<16xf32>
      %add3A_146 = arith.addf %add3A_144, %mul3A_145 : vector<16xf32>
      %sub3A_147 = arith.subf %get3A_116, %gather3A_105 : vector<16xf32>
      %sub3A_148 = arith.subf %get3A_122, %gather3A_106 : vector<16xf32>
      %sub3A_149 = arith.subf %get3A_128, %gather3A_107 : vector<16xf32>
      %mul3A_150 = arith.mulf %sub3A, %sub3A_147 : vector<16xf32>
      %mul3A_151 = arith.mulf %sub3A_129, %sub3A_148 : vector<16xf32>
      %add3A_152 = arith.addf %mul3A_150, %mul3A_151 : vector<16xf32>
      %mul3A_153 = arith.mulf %sub3A_130, %sub3A_149 : vector<16xf32>
      %add3A_154 = arith.addf %add3A_152, %mul3A_153 : vector<16xf32>
      %mul3A_155 = arith.mulf %sub3A_131, %sub3A_147 : vector<16xf32>
      %mul3A_156 = arith.mulf %sub3A_132, %sub3A_148 : vector<16xf32>
      %add3A_157 = arith.addf %mul3A_155, %mul3A_156 : vector<16xf32>
      %mul3A_158 = arith.mulf %sub3A_133, %sub3A_149 : vector<16xf32>
      %add3A_159 = arith.addf %add3A_157, %mul3A_158 : vector<16xf32>
      %sub3A_160 = arith.subf %get3A_116, %gather3A_108 : vector<16xf32>
      %sub3A_161 = arith.subf %get3A_122, %gather3A_109 : vector<16xf32>
      %sub3A_162 = arith.subf %get3A_128, %gather3A_110 : vector<16xf32>
      %mul3A_163 = arith.mulf %sub3A, %sub3A_160 : vector<16xf32>
      %mul3A_164 = arith.mulf %sub3A_129, %sub3A_161 : vector<16xf32>
      %add3A_165 = arith.addf %mul3A_163, %mul3A_164 : vector<16xf32>
      %mul3A_166 = arith.mulf %sub3A_130, %sub3A_162 : vector<16xf32>
      %add3A_167 = arith.addf %add3A_165, %mul3A_166 : vector<16xf32>
      %mul3A_168 = arith.mulf %sub3A_131, %sub3A_160 : vector<16xf32>
      %mul3A_169 = arith.mulf %sub3A_132, %sub3A_161 : vector<16xf32>
      %add3A_170 = arith.addf %mul3A_168, %mul3A_169 : vector<16xf32>
      %mul3A_171 = arith.mulf %sub3A_133, %sub3A_162 : vector<16xf32>
      %add3A_172 = arith.addf %add3A_170, %mul3A_171 : vector<16xf32>
      %mul3A_173 = arith.mulf %add3A_141, %add3A_159 : vector<16xf32>
      %mul3A_174 = arith.mulf %add3A_154, %add3A_146 : vector<16xf32>
      %sub3A_175 = arith.subf %mul3A_173, %mul3A_174 : vector<16xf32>
      %mul3A_176 = arith.mulf %add3A_167, %add3A_146 : vector<16xf32>
      %mul3A_177 = arith.mulf %add3A_141, %add3A_172 : vector<16xf32>
      %sub3A_178 = arith.subf %mul3A_176, %mul3A_177 : vector<16xf32>
      %mul3A_179 = arith.mulf %add3A_154, %add3A_172 : vector<16xf32>
      %mul3A_180 = arith.mulf %add3A_167, %add3A_159 : vector<16xf32>
      %sub3A_181 = arith.subf %mul3A_179, %mul3A_180 : vector<16xf32>
      %le3A = arith.constant 0.000000e+00 : f32
      %le3A_182 = vector.broadcast %le3A : f32 to vector<16xf32>
      %le3A_183 = arith.cmpf ole, %add3A_141, %le3A_182 : vector<16xf32>
      %le3A_184 = arith.constant 0.000000e+00 : f32
      %le3A_185 = vector.broadcast %le3A_184 : f32 to vector<16xf32>
      %le3A_186 = arith.cmpf ole, %add3A_146, %le3A_185 : vector<16xf32>
      %and3A = arith.andi %le3A_183, %le3A_186 : vector<16xi1>
      %ge3A = arith.constant 0.000000e+00 : f32
      %ge3A_187 = vector.broadcast %ge3A : f32 to vector<16xf32>
      %ge3A_188 = arith.cmpf oge, %add3A_154, %ge3A_187 : vector<16xf32>
      %le3A_189 = arith.cmpf ole, %add3A_159, %add3A_154 : vector<16xf32>
      %and3A_190 = arith.andi %ge3A_188, %le3A_189 : vector<16xi1>
      %ge3A_191 = arith.constant 0.000000e+00 : f32
      %ge3A_192 = vector.broadcast %ge3A_191 : f32 to vector<16xf32>
      %ge3A_193 = arith.cmpf oge, %add3A_172, %ge3A_192 : vector<16xf32>
      %le3A_194 = arith.cmpf ole, %add3A_167, %add3A_172 : vector<16xf32>
      %and3A_195 = arith.andi %ge3A_193, %le3A_194 : vector<16xi1>
      %le3A_196 = arith.constant 0.000000e+00 : f32
      %le3A_197 = vector.broadcast %le3A_196 : f32 to vector<16xf32>
      %le3A_198 = arith.cmpf ole, %sub3A_175, %le3A_197 : vector<16xf32>
      %ge3A_199 = arith.constant 0.000000e+00 : f32
      %ge3A_200 = vector.broadcast %ge3A_199 : f32 to vector<16xf32>
      %ge3A_201 = arith.cmpf oge, %add3A_141, %ge3A_200 : vector<16xf32>
      %and3A_202 = arith.andi %le3A_198, %ge3A_201 : vector<16xi1>
      %le3A_203 = arith.constant 0.000000e+00 : f32
      %le3A_204 = vector.broadcast %le3A_203 : f32 to vector<16xf32>
      %le3A_205 = arith.cmpf ole, %add3A_154, %le3A_204 : vector<16xf32>
      %and3A_206 = arith.andi %and3A_202, %le3A_205 : vector<16xi1>
      %le3A_207 = arith.constant 0.000000e+00 : f32
      %le3A_208 = vector.broadcast %le3A_207 : f32 to vector<16xf32>
      %le3A_209 = arith.cmpf ole, %sub3A_178, %le3A_208 : vector<16xf32>
      %ge3A_210 = arith.constant 0.000000e+00 : f32
      %ge3A_211 = vector.broadcast %ge3A_210 : f32 to vector<16xf32>
      %ge3A_212 = arith.cmpf oge, %add3A_146, %ge3A_211 : vector<16xf32>
      %and3A_213 = arith.andi %le3A_209, %ge3A_212 : vector<16xi1>
      %le3A_214 = arith.constant 0.000000e+00 : f32
      %le3A_215 = vector.broadcast %le3A_214 : f32 to vector<16xf32>
      %le3A_216 = arith.cmpf ole, %add3A_172, %le3A_215 : vector<16xf32>
      %and3A_217 = arith.andi %and3A_213, %le3A_216 : vector<16xi1>
      %le3A_218 = arith.constant 0.000000e+00 : f32
      %le3A_219 = vector.broadcast %le3A_218 : f32 to vector<16xf32>
      %le3A_220 = arith.cmpf ole, %sub3A_181, %le3A_219 : vector<16xf32>
      %sub3A_221 = arith.subf %add3A_159, %add3A_154 : vector<16xf32>
      %ge3A_222 = arith.constant 0.000000e+00 : f32
      %ge3A_223 = vector.broadcast %ge3A_222 : f32 to vector<16xf32>
      %ge3A_224 = arith.cmpf oge, %sub3A_221, %ge3A_223 : vector<16xf32>
      %and3A_225 = arith.andi %le3A_220, %ge3A_224 : vector<16xi1>
      %sub3A_226 = arith.subf %add3A_167, %add3A_172 : vector<16xf32>
      %ge3A_227 = arith.constant 0.000000e+00 : f32
      %ge3A_228 = vector.broadcast %ge3A_227 : f32 to vector<16xf32>
      %ge3A_229 = arith.cmpf oge, %sub3A_226, %ge3A_228 : vector<16xf32>
      %and3A_230 = arith.andi %and3A_225, %ge3A_229 : vector<16xi1>
      %sub3A_231 = arith.subf %add3A_141, %add3A_154 : vector<16xf32>
      %max3A = arith.constant 9.99999996E-13 : f32
      %max3A_232 = vector.broadcast %max3A : f32 to vector<16xf32>
      %max3A_233 = arith.maximumf %sub3A_231, %max3A_232 : vector<16xf32>
      %div3A = arith.divf %add3A_141, %max3A_233 : vector<16xf32>
      %sub3A_234 = arith.subf %add3A_146, %add3A_172 : vector<16xf32>
      %max3A_235 = arith.constant 9.99999996E-13 : f32
      %max3A_236 = vector.broadcast %max3A_235 : f32 to vector<16xf32>
      %max3A_237 = arith.maximumf %sub3A_234, %max3A_236 : vector<16xf32>
      %div3A_238 = arith.divf %add3A_146, %max3A_237 : vector<16xf32>
      %sub3A_239 = arith.subf %add3A_159, %add3A_154 : vector<16xf32>
      %sub3A_240 = arith.subf %add3A_159, %add3A_154 : vector<16xf32>
      %sub3A_241 = arith.subf %add3A_167, %add3A_172 : vector<16xf32>
      %add3A_242 = arith.addf %sub3A_240, %sub3A_241 : vector<16xf32>
      %max3A_243 = arith.constant 9.99999996E-13 : f32
      %max3A_244 = vector.broadcast %max3A_243 : f32 to vector<16xf32>
      %max3A_245 = arith.maximumf %add3A_242, %max3A_244 : vector<16xf32>
      %div3A_246 = arith.divf %sub3A_239, %max3A_245 : vector<16xf32>
      %add3A_247 = arith.addf %sub3A_181, %sub3A_178 : vector<16xf32>
      %add3A_248 = arith.addf %add3A_247, %sub3A_175 : vector<16xf32>
      %max3A_249 = arith.constant 9.99999996E-13 : f32
      %max3A_250 = vector.broadcast %max3A_249 : f32 to vector<16xf32>
      %max3A_251 = arith.maximumf %add3A_248, %max3A_250 : vector<16xf32>
      %div3A_252 = arith.divf %sub3A_178, %max3A_251 : vector<16xf32>
      %div3A_253 = arith.divf %sub3A_175, %max3A_251 : vector<16xf32>
      %mul3A_254 = arith.mulf %div3A_252, %sub3A : vector<16xf32>
      %add3A_255 = arith.addf %gather3A_102, %mul3A_254 : vector<16xf32>
      %mul3A_256 = arith.mulf %div3A_253, %sub3A_131 : vector<16xf32>
      %add3A_257 = arith.addf %add3A_255, %mul3A_256 : vector<16xf32>
      %mul3A_258 = arith.mulf %div3A_252, %sub3A_129 : vector<16xf32>
      %add3A_259 = arith.addf %gather3A_103, %mul3A_258 : vector<16xf32>
      %mul3A_260 = arith.mulf %div3A_253, %sub3A_132 : vector<16xf32>
      %add3A_261 = arith.addf %add3A_259, %mul3A_260 : vector<16xf32>
      %mul3A_262 = arith.mulf %div3A_252, %sub3A_130 : vector<16xf32>
      %add3A_263 = arith.addf %gather3A_104, %mul3A_262 : vector<16xf32>
      %mul3A_264 = arith.mulf %div3A_253, %sub3A_133 : vector<16xf32>
      %add3A_265 = arith.addf %add3A_263, %mul3A_264 : vector<16xf32>
      %broadcast_in_dim3A_266 = arith.constant 0 : i32
      %broadcast_in_dim3A_267 = vector.broadcast %broadcast_in_dim3A_266 : i32 to vector<16xi32>
      %sub3A_268 = arith.subf %gather3A_108, %gather3A_105 : vector<16xf32>
      %mul3A_269 = arith.mulf %div3A_246, %sub3A_268 : vector<16xf32>
      %add3A_270 = arith.addf %gather3A_105, %mul3A_269 : vector<16xf32>
      %sub3A_271 = arith.subf %gather3A_109, %gather3A_106 : vector<16xf32>
      %mul3A_272 = arith.mulf %div3A_246, %sub3A_271 : vector<16xf32>
      %add3A_273 = arith.addf %gather3A_106, %mul3A_272 : vector<16xf32>
      %sub3A_274 = arith.subf %gather3A_110, %gather3A_107 : vector<16xf32>
      %mul3A_275 = arith.mulf %div3A_246, %sub3A_274 : vector<16xf32>
      %add3A_276 = arith.addf %gather3A_107, %mul3A_275 : vector<16xf32>
      %select_n3A = arith.select %and3A_230, %add3A_270, %add3A_257 : vector<16xi1>, vector<16xf32>
      %select_n3A_277 = arith.select %and3A_230, %add3A_273, %add3A_261 : vector<16xi1>, vector<16xf32>
      %select_n3A_278 = arith.select %and3A_230, %add3A_276, %add3A_265 : vector<16xi1>, vector<16xf32>
      %jit3A = arith.constant 2 : i32
      %broadcast_in_dim3A_279 = vector.broadcast %jit3A : i32 to vector<16xi32>
      %select_n3A_280 = arith.select %and3A_230, %broadcast_in_dim3A_279, %broadcast_in_dim3A_267 : vector<16xi1>, vector<16xi32>
      %mul3A_281 = arith.mulf %div3A_238, %sub3A_131 : vector<16xf32>
      %add3A_282 = arith.addf %gather3A_102, %mul3A_281 : vector<16xf32>
      %mul3A_283 = arith.mulf %div3A_238, %sub3A_132 : vector<16xf32>
      %add3A_284 = arith.addf %gather3A_103, %mul3A_283 : vector<16xf32>
      %mul3A_285 = arith.mulf %div3A_238, %sub3A_133 : vector<16xf32>
      %add3A_286 = arith.addf %gather3A_104, %mul3A_285 : vector<16xf32>
      %select_n3A_287 = arith.select %and3A_217, %add3A_282, %select_n3A : vector<16xi1>, vector<16xf32>
      %select_n3A_288 = arith.select %and3A_217, %add3A_284, %select_n3A_277 : vector<16xi1>, vector<16xf32>
      %select_n3A_289 = arith.select %and3A_217, %add3A_286, %select_n3A_278 : vector<16xi1>, vector<16xf32>
      %jit3A_290 = arith.constant 3 : i32
      %broadcast_in_dim3A_291 = vector.broadcast %jit3A_290 : i32 to vector<16xi32>
      %select_n3A_292 = arith.select %and3A_217, %broadcast_in_dim3A_291, %select_n3A_280 : vector<16xi1>, vector<16xi32>
      %mul3A_293 = arith.mulf %div3A, %sub3A : vector<16xf32>
      %add3A_294 = arith.addf %gather3A_102, %mul3A_293 : vector<16xf32>
      %mul3A_295 = arith.mulf %div3A, %sub3A_129 : vector<16xf32>
      %add3A_296 = arith.addf %gather3A_103, %mul3A_295 : vector<16xf32>
      %mul3A_297 = arith.mulf %div3A, %sub3A_130 : vector<16xf32>
      %add3A_298 = arith.addf %gather3A_104, %mul3A_297 : vector<16xf32>
      %select_n3A_299 = arith.select %and3A_206, %add3A_294, %select_n3A_287 : vector<16xi1>, vector<16xf32>
      %select_n3A_300 = arith.select %and3A_206, %add3A_296, %select_n3A_288 : vector<16xi1>, vector<16xf32>
      %select_n3A_301 = arith.select %and3A_206, %add3A_298, %select_n3A_289 : vector<16xi1>, vector<16xf32>
      %jit3A_302 = arith.constant 1 : i32
      %broadcast_in_dim3A_303 = vector.broadcast %jit3A_302 : i32 to vector<16xi32>
      %select_n3A_304 = arith.select %and3A_206, %broadcast_in_dim3A_303, %select_n3A_292 : vector<16xi1>, vector<16xi32>
      %select_n3A_305 = arith.select %and3A_195, %gather3A_108, %select_n3A_299 : vector<16xi1>, vector<16xf32>
      %select_n3A_306 = arith.select %and3A_195, %gather3A_109, %select_n3A_300 : vector<16xi1>, vector<16xf32>
      %select_n3A_307 = arith.select %and3A_195, %gather3A_110, %select_n3A_301 : vector<16xi1>, vector<16xf32>
      %jit3A_308 = arith.constant 6 : i32
      %broadcast_in_dim3A_309 = vector.broadcast %jit3A_308 : i32 to vector<16xi32>
      %select_n3A_310 = arith.select %and3A_195, %broadcast_in_dim3A_309, %select_n3A_304 : vector<16xi1>, vector<16xi32>
      %select_n3A_311 = arith.select %and3A_190, %gather3A_105, %select_n3A_305 : vector<16xi1>, vector<16xf32>
      %select_n3A_312 = arith.select %and3A_190, %gather3A_106, %select_n3A_306 : vector<16xi1>, vector<16xf32>
      %select_n3A_313 = arith.select %and3A_190, %gather3A_107, %select_n3A_307 : vector<16xi1>, vector<16xf32>
      %jit3A_314 = arith.constant 5 : i32
      %broadcast_in_dim3A_315 = vector.broadcast %jit3A_314 : i32 to vector<16xi32>
      %select_n3A_316 = arith.select %and3A_190, %broadcast_in_dim3A_315, %select_n3A_310 : vector<16xi1>, vector<16xi32>
      %select_n3A_317 = arith.select %and3A, %gather3A_102, %select_n3A_311 : vector<16xi1>, vector<16xf32>
      %select_n3A_318 = arith.select %and3A, %gather3A_103, %select_n3A_312 : vector<16xi1>, vector<16xf32>
      %select_n3A_319 = arith.select %and3A, %gather3A_104, %select_n3A_313 : vector<16xi1>, vector<16xf32>
      %jit3A_320 = arith.constant 4 : i32
      %broadcast_in_dim3A_321 = vector.broadcast %jit3A_320 : i32 to vector<16xi32>
      %select_n3A_322 = arith.select %and3A, %broadcast_in_dim3A_321, %select_n3A_316 : vector<16xi1>, vector<16xi32>
      %gather3A_323 = tpu.vector_load_idx %arg17[%get3A_99] : memref<8192xf32, #tpu.memory_space<vmem>>[vector<16xi32>], vector<16xf32>,
      %gather3A_324 = tpu.vector_load_idx %arg18[%get3A_99] : memref<8192xf32, #tpu.memory_space<vmem>>[vector<16xi32>], vector<16xf32>,
      %gather3A_325 = tpu.vector_load_idx %arg19[%get3A_99] : memref<8192xf32, #tpu.memory_space<vmem>>[vector<16xi32>], vector<16xf32>,
      %gather3A_326 = tpu.vector_load_idx %arg22[%gather3A] : memref<4096xf32, #tpu.memory_space<vmem>>[vector<16xi32>], vector<16xf32>,
      %gather3A_327 = tpu.vector_load_idx %arg23[%gather3A] : memref<4096xf32, #tpu.memory_space<vmem>>[vector<16xi32>], vector<16xf32>,
      %gather3A_328 = tpu.vector_load_idx %arg24[%gather3A] : memref<4096xf32, #tpu.memory_space<vmem>>[vector<16xi32>], vector<16xf32>,
      %gather3A_329 = tpu.vector_load_idx %arg22[%gather3A_100] : memref<4096xf32, #tpu.memory_space<vmem>>[vector<16xi32>], vector<16xf32>,
      %gather3A_330 = tpu.vector_load_idx %arg23[%gather3A_100] : memref<4096xf32, #tpu.memory_space<vmem>>[vector<16xi32>], vector<16xf32>,
      %gather3A_331 = tpu.vector_load_idx %arg24[%gather3A_100] : memref<4096xf32, #tpu.memory_space<vmem>>[vector<16xi32>], vector<16xf32>,
      %gather3A_332 = tpu.vector_load_idx %arg22[%gather3A_101] : memref<4096xf32, #tpu.memory_space<vmem>>[vector<16xi32>], vector<16xf32>,
      %gather3A_333 = tpu.vector_load_idx %arg23[%gather3A_101] : memref<4096xf32, #tpu.memory_space<vmem>>[vector<16xi32>], vector<16xf32>,
      %gather3A_334 = tpu.vector_load_idx %arg24[%gather3A_101] : memref<4096xf32, #tpu.memory_space<vmem>>[vector<16xi32>], vector<16xf32>,
      %eq3A_335 = arith.constant 0 : i32
      %eq3A_336 = vector.broadcast %eq3A_335 : i32 to vector<16xi32>
      %eq3A_337 = arith.cmpi eq, %select_n3A_322, %eq3A_336 : vector<16xi32>
      %gt3A = arith.constant 3 : i32
      %gt3A_338 = vector.broadcast %gt3A : i32 to vector<16xi32>
      %gt3A_339 = arith.cmpi sgt, %select_n3A_322, %gt3A_338 : vector<16xi32>
      %ge3A_340 = arith.constant 1 : i32
      %ge3A_341 = vector.broadcast %ge3A_340 : i32 to vector<16xi32>
      %ge3A_342 = arith.cmpi sge, %select_n3A_322, %ge3A_341 : vector<16xi32>
      %le3A_343 = arith.constant 3 : i32
      %le3A_344 = vector.broadcast %le3A_343 : i32 to vector<16xi32>
      %le3A_345 = arith.cmpi sle, %select_n3A_322, %le3A_344 : vector<16xi32>
      %and3A_346 = arith.andi %ge3A_342, %le3A_345 : vector<16xi1>
      %sub3A_347 = arith.constant 4 : i32
      %sub3A_348 = vector.broadcast %sub3A_347 : i32 to vector<16xi32>
      %sub3A_349 = arith.subi %select_n3A_322, %sub3A_348 : vector<16xi32>
      %jit3A_350 = arith.constant 0 : i32
      %jit3A_351 = arith.constant 2 : i32
      %max3A_352 = vector.broadcast %jit3A_350 : i32 to vector<16xi32>
      %max3A_353 = arith.maxsi %max3A_352, %sub3A_349 : vector<16xi32>
      %min3A = vector.broadcast %jit3A_351 : i32 to vector<16xi32>
      %min3A_354 = arith.minsi %min3A, %max3A_353 : vector<16xi32>
      %sub3A_355 = arith.constant 1 : i32
      %sub3A_356 = vector.broadcast %sub3A_355 : i32 to vector<16xi32>
      %sub3A_357 = arith.subi %select_n3A_322, %sub3A_356 : vector<16xi32>
      %jit3A_358 = arith.constant 0 : i32
      %jit3A_359 = arith.constant 2 : i32
      %max3A_360 = vector.broadcast %jit3A_358 : i32 to vector<16xi32>
      %max3A_361 = arith.maxsi %max3A_360, %sub3A_357 : vector<16xi32>
      %min3A_362 = vector.broadcast %jit3A_359 : i32 to vector<16xi32>
      %min3A_363 = arith.minsi %min3A_362, %max3A_361 : vector<16xi32>
      %jit3A_364 = arith.constant 3 : i32
      %eq3A_365 = arith.constant 0 : i32
      %eq3A_366 = arith.cmpi eq, %jit3A_364, %eq3A_365 : i32
      %jit3A_367 = arith.constant 1 : i32
      %select_n3A_368 = arith.select %eq3A_366, %jit3A_367, %jit3A_364 : i32
      %rem3A = vector.broadcast %select_n3A_368 : i32 to vector<16xi32>
      %rem3A_369 = arith.remsi %select_n3A_322, %rem3A : vector<16xi32>
      %ne3A = arith.constant 0 : i32
      %ne3A_370 = vector.broadcast %ne3A : i32 to vector<16xi32>
      %ne3A_371 = arith.cmpi ne, %rem3A_369, %ne3A_370 : vector<16xi32>
      %lt3A = arith.constant 0 : i32
      %lt3A_372 = vector.broadcast %lt3A : i32 to vector<16xi32>
      %lt3A_373 = arith.cmpi slt, %rem3A_369, %lt3A_372 : vector<16xi32>
      %lt3A_374 = arith.constant 0 : i32
      %lt3A_375 = arith.cmpi slt, %select_n3A_368, %lt3A_374 : i32
      %ne3A_376 = vector.broadcast %lt3A_375 : i1 to vector<16xi1>
      %ne3A_377 = vector.broadcast %ne3A_376 : vector<16xi1> to vector<16xi1>
      %ne3A_378 = arith.xori %lt3A_373, %ne3A_377 : vector<16xi1>
      %and3A_379 = arith.andi %ne3A_378, %ne3A_371 : vector<16xi1>
      %add3A_380 = vector.broadcast %select_n3A_368 : i32 to vector<16xi32>
      %add3A_381 = arith.addi %rem3A_369, %add3A_380 : vector<16xi32>
      %select_n3A_382 = arith.select %and3A_379, %add3A_381, %rem3A_369 : vector<16xi1>, vector<16xi32>
      %jit3A_383 = arith.constant 0.000000e+00 : f32
      %broadcast_in_dim3A_384 = vector.broadcast %jit3A_383 : f32 to vector<16xf32>
      %select_n3A_385 = arith.select %eq3A_337, %gather3A_323, %broadcast_in_dim3A_384 : vector<16xi1>, vector<16xf32>
      %jit3A_386 = arith.constant 0.000000e+00 : f32
      %broadcast_in_dim3A_387 = vector.broadcast %jit3A_386 : f32 to vector<16xf32>
      %select_n3A_388 = arith.select %eq3A_337, %gather3A_324, %broadcast_in_dim3A_387 : vector<16xi1>, vector<16xf32>
      %jit3A_389 = arith.constant 0.000000e+00 : f32
      %broadcast_in_dim3A_390 = vector.broadcast %jit3A_389 : f32 to vector<16xf32>
      %select_n3A_391 = arith.select %eq3A_337, %gather3A_325, %broadcast_in_dim3A_390 : vector<16xi1>, vector<16xf32>
      %eq3A_392 = arith.constant 0 : i32
      %eq3A_393 = vector.broadcast %eq3A_392 : i32 to vector<16xi32>
      %eq3A_394 = arith.cmpi eq, %min3A_354, %eq3A_393 : vector<16xi32>
      %eq3A_395 = arith.constant 1 : i32
      %eq3A_396 = vector.broadcast %eq3A_395 : i32 to vector<16xi32>
      %eq3A_397 = arith.cmpi eq, %min3A_354, %eq3A_396 : vector<16xi32>
      %select_n3A_398 = arith.select %eq3A_397, %gather3A_329, %gather3A_332 : vector<16xi1>, vector<16xf32>
      %select_n3A_399 = arith.select %eq3A_394, %gather3A_326, %select_n3A_398 : vector<16xi1>, vector<16xf32>
      %select_n3A_400 = arith.select %gt3A_339, %select_n3A_399, %select_n3A_385 : vector<16xi1>, vector<16xf32>
      %eq3A_401 = arith.constant 0 : i32
      %eq3A_402 = vector.broadcast %eq3A_401 : i32 to vector<16xi32>
      %eq3A_403 = arith.cmpi eq, %min3A_354, %eq3A_402 : vector<16xi32>
      %eq3A_404 = arith.constant 1 : i32
      %eq3A_405 = vector.broadcast %eq3A_404 : i32 to vector<16xi32>
      %eq3A_406 = arith.cmpi eq, %min3A_354, %eq3A_405 : vector<16xi32>
      %select_n3A_407 = arith.select %eq3A_406, %gather3A_330, %gather3A_333 : vector<16xi1>, vector<16xf32>
      %select_n3A_408 = arith.select %eq3A_403, %gather3A_327, %select_n3A_407 : vector<16xi1>, vector<16xf32>
      %select_n3A_409 = arith.select %gt3A_339, %select_n3A_408, %select_n3A_388 : vector<16xi1>, vector<16xf32>
      %eq3A_410 = arith.constant 0 : i32
      %eq3A_411 = vector.broadcast %eq3A_410 : i32 to vector<16xi32>
      %eq3A_412 = arith.cmpi eq, %min3A_354, %eq3A_411 : vector<16xi32>
      %eq3A_413 = arith.constant 1 : i32
      %eq3A_414 = vector.broadcast %eq3A_413 : i32 to vector<16xi32>
      %eq3A_415 = arith.cmpi eq, %min3A_354, %eq3A_414 : vector<16xi32>
      %select_n3A_416 = arith.select %eq3A_415, %gather3A_331, %gather3A_334 : vector<16xi1>, vector<16xf32>
      %select_n3A_417 = arith.select %eq3A_412, %gather3A_328, %select_n3A_416 : vector<16xi1>, vector<16xf32>
      %select_n3A_418 = arith.select %gt3A_339, %select_n3A_417, %select_n3A_391 : vector<16xi1>, vector<16xf32>
      %eq3A_419 = arith.constant 0 : i32
      %eq3A_420 = vector.broadcast %eq3A_419 : i32 to vector<16xi32>
      %eq3A_421 = arith.cmpi eq, %min3A_363, %eq3A_420 : vector<16xi32>
      %eq3A_422 = arith.constant 1 : i32
      %eq3A_423 = vector.broadcast %eq3A_422 : i32 to vector<16xi32>
      %eq3A_424 = arith.cmpi eq, %min3A_363, %eq3A_423 : vector<16xi32>
      %select_n3A_425 = arith.select %eq3A_424, %gather3A_329, %gather3A_332 : vector<16xi1>, vector<16xf32>
      %select_n3A_426 = arith.select %eq3A_421, %gather3A_326, %select_n3A_425 : vector<16xi1>, vector<16xf32>
      %eq3A_427 = arith.constant 0 : i32
      %eq3A_428 = vector.broadcast %eq3A_427 : i32 to vector<16xi32>
      %eq3A_429 = arith.cmpi eq, %select_n3A_382, %eq3A_428 : vector<16xi32>
      %eq3A_430 = arith.constant 1 : i32
      %eq3A_431 = vector.broadcast %eq3A_430 : i32 to vector<16xi32>
      %eq3A_432 = arith.cmpi eq, %select_n3A_382, %eq3A_431 : vector<16xi32>
      %select_n3A_433 = arith.select %eq3A_432, %gather3A_329, %gather3A_332 : vector<16xi1>, vector<16xf32>
      %select_n3A_434 = arith.select %eq3A_429, %gather3A_326, %select_n3A_433 : vector<16xi1>, vector<16xf32>
      %add3A_435 = arith.addf %select_n3A_426, %select_n3A_434 : vector<16xf32>
      %eq3A_436 = arith.constant 0 : i32
      %eq3A_437 = vector.broadcast %eq3A_436 : i32 to vector<16xi32>
      %eq3A_438 = arith.cmpi eq, %min3A_363, %eq3A_437 : vector<16xi32>
      %eq3A_439 = arith.constant 1 : i32
      %eq3A_440 = vector.broadcast %eq3A_439 : i32 to vector<16xi32>
      %eq3A_441 = arith.cmpi eq, %min3A_363, %eq3A_440 : vector<16xi32>
      %select_n3A_442 = arith.select %eq3A_441, %gather3A_330, %gather3A_333 : vector<16xi1>, vector<16xf32>
      %select_n3A_443 = arith.select %eq3A_438, %gather3A_327, %select_n3A_442 : vector<16xi1>, vector<16xf32>
      %eq3A_444 = arith.constant 0 : i32
      %eq3A_445 = vector.broadcast %eq3A_444 : i32 to vector<16xi32>
      %eq3A_446 = arith.cmpi eq, %select_n3A_382, %eq3A_445 : vector<16xi32>
      %eq3A_447 = arith.constant 1 : i32
      %eq3A_448 = vector.broadcast %eq3A_447 : i32 to vector<16xi32>
      %eq3A_449 = arith.cmpi eq, %select_n3A_382, %eq3A_448 : vector<16xi32>
      %select_n3A_450 = arith.select %eq3A_449, %gather3A_330, %gather3A_333 : vector<16xi1>, vector<16xf32>
      %select_n3A_451 = arith.select %eq3A_446, %gather3A_327, %select_n3A_450 : vector<16xi1>, vector<16xf32>
      %add3A_452 = arith.addf %select_n3A_443, %select_n3A_451 : vector<16xf32>
      %eq3A_453 = arith.constant 0 : i32
      %eq3A_454 = vector.broadcast %eq3A_453 : i32 to vector<16xi32>
      %eq3A_455 = arith.cmpi eq, %min3A_363, %eq3A_454 : vector<16xi32>
      %eq3A_456 = arith.constant 1 : i32
      %eq3A_457 = vector.broadcast %eq3A_456 : i32 to vector<16xi32>
      %eq3A_458 = arith.cmpi eq, %min3A_363, %eq3A_457 : vector<16xi32>
      %select_n3A_459 = arith.select %eq3A_458, %gather3A_331, %gather3A_334 : vector<16xi1>, vector<16xf32>
      %select_n3A_460 = arith.select %eq3A_455, %gather3A_328, %select_n3A_459 : vector<16xi1>, vector<16xf32>
      %eq3A_461 = arith.constant 0 : i32
      %eq3A_462 = vector.broadcast %eq3A_461 : i32 to vector<16xi32>
      %eq3A_463 = arith.cmpi eq, %select_n3A_382, %eq3A_462 : vector<16xi32>
      %eq3A_464 = arith.constant 1 : i32
      %eq3A_465 = vector.broadcast %eq3A_464 : i32 to vector<16xi32>
      %eq3A_466 = arith.cmpi eq, %select_n3A_382, %eq3A_465 : vector<16xi32>
      %select_n3A_467 = arith.select %eq3A_466, %gather3A_331, %gather3A_334 : vector<16xi1>, vector<16xf32>
      %select_n3A_468 = arith.select %eq3A_463, %gather3A_328, %select_n3A_467 : vector<16xi1>, vector<16xf32>
      %add3A_469 = arith.addf %select_n3A_460, %select_n3A_468 : vector<16xf32>
      %select_n3A_470 = arith.select %and3A_346, %add3A_435, %select_n3A_400 : vector<16xi1>, vector<16xf32>
      %select_n3A_471 = arith.select %and3A_346, %add3A_452, %select_n3A_409 : vector<16xi1>, vector<16xf32>
      %select_n3A_472 = arith.select %and3A_346, %add3A_469, %select_n3A_418 : vector<16xi1>, vector<16xf32>
      %mul3A_473 = arith.mulf %select_n3A_470, %select_n3A_470 : vector<16xf32>
      %mul3A_474 = arith.mulf %select_n3A_471, %select_n3A_471 : vector<16xf32>
      %add3A_475 = arith.addf %mul3A_473, %mul3A_474 : vector<16xf32>
      %mul3A_476 = arith.mulf %select_n3A_472, %select_n3A_472 : vector<16xf32>
      %add3A_477 = arith.addf %add3A_475, %mul3A_476 : vector<16xf32>
      %max3A_478 = arith.constant 1.000000e-30 : f32
      %max3A_479 = vector.broadcast %max3A_478 : f32 to vector<16xf32>
      %max3A_480 = arith.maximumf %add3A_477, %max3A_479 : vector<16xf32>
      %bitcast3A = vector.bitcast %max3A_480 : vector<16xf32> to vector<16xi32>
      %shift_right_arithmetic3A = arith.constant 1 : i32
      %shift_right_arithmetic3A_481 = vector.broadcast %shift_right_arithmetic3A : i32 to vector<16xi32>
      %shift_right_arithmetic3A_482 = arith.shrsi %bitcast3A, %shift_right_arithmetic3A_481 : vector<16xi32>
      %sub3A_483 = arith.constant 1597463007 : i32
      %sub3A_484 = vector.broadcast %sub3A_483 : i32 to vector<16xi32>
      %sub3A_485 = arith.subi %sub3A_484, %shift_right_arithmetic3A_482 : vector<16xi32>
      %bitcast3A_486 = vector.bitcast %sub3A_485 : vector<16xi32> to vector<16xf32>
      %mul3A_487 = arith.constant 5.000000e-01 : f32
      %mul3A_488 = vector.broadcast %mul3A_487 : f32 to vector<16xf32>
      %mul3A_489 = arith.mulf %mul3A_488, %max3A_480 : vector<16xf32>
      %mul3A_490 = arith.mulf %mul3A_489, %bitcast3A_486 : vector<16xf32>
      %mul3A_491 = arith.mulf %mul3A_490, %bitcast3A_486 : vector<16xf32>
      %sub3A_492 = arith.constant 1.500000e+00 : f32
      %sub3A_493 = vector.broadcast %sub3A_492 : f32 to vector<16xf32>
      %sub3A_494 = arith.subf %sub3A_493, %mul3A_491 : vector<16xf32>
      %mul3A_495 = arith.mulf %bitcast3A_486, %sub3A_494 : vector<16xf32>
      %mul3A_496 = arith.constant 5.000000e-01 : f32
      %mul3A_497 = vector.broadcast %mul3A_496 : f32 to vector<16xf32>
      %mul3A_498 = arith.mulf %mul3A_497, %max3A_480 : vector<16xf32>
      %mul3A_499 = arith.mulf %mul3A_498, %mul3A_495 : vector<16xf32>
      %mul3A_500 = arith.mulf %mul3A_499, %mul3A_495 : vector<16xf32>
      %sub3A_501 = arith.constant 1.500000e+00 : f32
      %sub3A_502 = vector.broadcast %sub3A_501 : f32 to vector<16xf32>
      %sub3A_503 = arith.subf %sub3A_502, %mul3A_500 : vector<16xf32>
      %mul3A_504 = arith.mulf %mul3A_495, %sub3A_503 : vector<16xf32>
      %mul3A_505 = arith.constant 5.000000e-01 : f32
      %mul3A_506 = vector.broadcast %mul3A_505 : f32 to vector<16xf32>
      %mul3A_507 = arith.mulf %mul3A_506, %max3A_480 : vector<16xf32>
      %mul3A_508 = arith.mulf %mul3A_507, %mul3A_504 : vector<16xf32>
      %mul3A_509 = arith.mulf %mul3A_508, %mul3A_504 : vector<16xf32>
      %sub3A_510 = arith.constant 1.500000e+00 : f32
      %sub3A_511 = vector.broadcast %sub3A_510 : f32 to vector<16xf32>
      %sub3A_512 = arith.subf %sub3A_511, %mul3A_509 : vector<16xf32>
      %mul3A_513 = arith.mulf %mul3A_504, %sub3A_512 : vector<16xf32>
      %mul3A_514 = arith.mulf %max3A_480, %mul3A_513 : vector<16xf32>
      %add3A_515 = arith.constant 1.000000e-10 : f32
      %add3A_516 = vector.broadcast %add3A_515 : f32 to vector<16xf32>
      %add3A_517 = arith.addf %mul3A_514, %add3A_516 : vector<16xf32>
      %div3A_518 = arith.constant 1.000000e+00 : f32
      %div3A_519 = vector.broadcast %div3A_518 : f32 to vector<16xf32>
      %div3A_520 = arith.divf %div3A_519, %add3A_517 : vector<16xf32>
      %mul3A_521 = arith.mulf %select_n3A_470, %div3A_520 : vector<16xf32>
      %mul3A_522 = arith.mulf %select_n3A_471, %div3A_520 : vector<16xf32>
      %mul3A_523 = arith.mulf %select_n3A_472, %div3A_520 : vector<16xf32>
      %sub3A_524 = arith.subf %get3A_116, %select_n3A_317 : vector<16xf32>
      %mul3A_525 = arith.mulf %sub3A_524, %mul3A_521 : vector<16xf32>
      %sub3A_526 = arith.subf %get3A_122, %select_n3A_318 : vector<16xf32>
      %mul3A_527 = arith.mulf %sub3A_526, %mul3A_522 : vector<16xf32>
      %add3A_528 = arith.addf %mul3A_525, %mul3A_527 : vector<16xf32>
      %sub3A_529 = arith.subf %get3A_128, %select_n3A_319 : vector<16xf32>
      %mul3A_530 = arith.mulf %sub3A_529, %mul3A_523 : vector<16xf32>
      %add3A_531 = arith.addf %add3A_528, %mul3A_530 : vector<16xf32>
      %neg3A = arith.constant 0.000000e+00 : f32
      %neg3A_532 = vector.broadcast %neg3A : f32 to vector<16xf32>
      %neg3A_533 = arith.subf %neg3A_532, %add3A_531 : vector<16xf32>
      %max3A_534 = arith.constant 0.000000e+00 : f32
      %max3A_535 = vector.broadcast %max3A_534 : f32 to vector<16xf32>
      %max3A_536 = arith.maximumf %neg3A_533, %max3A_535 : vector<16xf32>
      %add3A_537 = arith.addf %scan3A_96, %max3A_536 : vector<16xf32>
      scf.yield %add3A_537 : vector<16xf32>
    }
    %scan3A_88 = arith.constant 16 : i32
    %swap3A = arith.constant 0 : index
    %swap3A_89 = tpu.vector_load %arg27[%swap3A] {strides = array<i32>} : memref<16xf32, #tpu.memory_space<vmem>>, vector<16xf32>,
    tpu.vector_store %arg27[%swap3A], %scan3A_87 {strides = array<i32>} : memref<16xf32, #tpu.memory_space<vmem>>, vector<16xf32>,
    %mul3A_90 = arith.constant 16 : i32
    %mul3A_91 = arith.muli %arg1, %mul3A_90 : i32
    "tpu.region"() ({
      %run_scoped3A = tpu.sem_alloc : memref<!tpu.dma_semaphore, #tpu.memory_space<semaphore_mem>>
      %dma_start3A = tpu.memref_slice %arg32[%mul3A_91] : memref<256xf32, #tpu.memory_space<vmem_shared>> -> memref<16xf32, #tpu.memory_space<vmem_shared>>
      %dma_start3A_95 = tpu.memref_slice %arg32[%mul3A_91] : memref<256xf32, #tpu.memory_space<vmem_shared>> -> memref<16xf32, #tpu.memory_space<vmem_shared>>
      tpu.enqueue_dma source(%arg27 : memref<16xf32, #tpu.memory_space<vmem>>) target(%dma_start3A_95 : memref<16xf32, #tpu.memory_space<vmem_shared>>) target_semaphore(%run_scoped3A : memref<!tpu.dma_semaphore, #tpu.memory_space<semaphore_mem>>)
      %dma_wait3A = tpu.memref_slice %arg32[%mul3A_91] : memref<256xf32, #tpu.memory_space<vmem_shared>> -> memref<16xf32, #tpu.memory_space<vmem_shared>>
      %dma_wait3A_96 = tpu.memref_slice %arg32[%mul3A_91] : memref<256xf32, #tpu.memory_space<vmem_shared>> -> memref<16xf32, #tpu.memory_space<vmem_shared>>
      tpu.wait_dma2 semaphore(%run_scoped3A : memref<!tpu.dma_semaphore, #tpu.memory_space<semaphore_mem>>) src(%arg27 : memref<16xf32, #tpu.memory_space<vmem>>) dst(%dma_wait3A_96 : memref<16xf32, #tpu.memory_space<vmem_shared>>)
      tpu.yield
    }) : () -> ()
    %barrier3A_92 = arith.constant 0 : index
    tpu.barrier barrier_id(%barrier3A_92)
    %eq3A = arith.constant 0 : i32
    %eq3A_93 = arith.cmpi eq, %arg1, %eq3A : i32
    %convert_element_type3A = arith.extui %eq3A_93 : i1 to i32
    %cond3A = arith.constant 0 : i32
    %cond3A_94 = arith.cmpi ne, %convert_element_type3A, %cond3A : i32
    scf.if %cond3A_94 {
      "tpu.region"() ({
        %run_scoped3A = tpu.sem_alloc : memref<!tpu.dma_semaphore, #tpu.memory_space<semaphore_mem>>
        tpu.enqueue_dma source(%arg32 : memref<256xf32, #tpu.memory_space<vmem_shared>>) target(%arg28 : memref<256xf32, #tpu.memory_space<vmem>>) target_semaphore(%run_scoped3A : memref<!tpu.dma_semaphore, #tpu.memory_space<semaphore_mem>>)
        tpu.wait_dma2 semaphore(%run_scoped3A : memref<!tpu.dma_semaphore, #tpu.memory_space<semaphore_mem>>) src(%arg32 : memref<256xf32, #tpu.memory_space<vmem_shared>>) dst(%arg28 : memref<256xf32, #tpu.memory_space<vmem>>)
        tpu.yield
      }) : () -> ()
      %broadcast_in_dim3A_95 = arith.constant 0.000000e+00 : f32
      %broadcast_in_dim3A_96 = vector.broadcast %broadcast_in_dim3A_95 : f32 to vector<16xf32>
      %get3A = arith.constant 0 : index
      %get3A_97 = tpu.vector_load %arg28[%get3A] {strides = array<i32>} : memref<256xf32, #tpu.memory_space<vmem>>, vector<16xf32>,
      %add3A_98 = arith.addf %broadcast_in_dim3A_96, %get3A_97 : vector<16xf32>
      %get3A_99 = arith.constant 16 : index
      %get3A_100 = tpu.vector_load %arg28[%get3A_99] {strides = array<i32>} : memref<256xf32, #tpu.memory_space<vmem>>, vector<16xf32>,
      %add3A_101 = arith.addf %add3A_98, %get3A_100 : vector<16xf32>
      %get3A_102 = arith.constant 32 : index
      %get3A_103 = tpu.vector_load %arg28[%get3A_102] {strides = array<i32>} : memref<256xf32, #tpu.memory_space<vmem>>, vector<16xf32>,
      %add3A_104 = arith.addf %add3A_101, %get3A_103 : vector<16xf32>
      %get3A_105 = arith.constant 48 : index
      %get3A_106 = tpu.vector_load %arg28[%get3A_105] {strides = array<i32>} : memref<256xf32, #tpu.memory_space<vmem>>, vector<16xf32>,
      %add3A_107 = arith.addf %add3A_104, %get3A_106 : vector<16xf32>
      %get3A_108 = arith.constant 64 : index
      %get3A_109 = tpu.vector_load %arg28[%get3A_108] {strides = array<i32>} : memref<256xf32, #tpu.memory_space<vmem>>, vector<16xf32>,
      %add3A_110 = arith.addf %add3A_107, %get3A_109 : vector<16xf32>
      %get3A_111 = arith.constant 80 : index
      %get3A_112 = tpu.vector_load %arg28[%get3A_111] {strides = array<i32>} : memref<256xf32, #tpu.memory_space<vmem>>, vector<16xf32>,
      %add3A_113 = arith.addf %add3A_110, %get3A_112 : vector<16xf32>
      %get3A_114 = arith.constant 96 : index
      %get3A_115 = tpu.vector_load %arg28[%get3A_114] {strides = array<i32>} : memref<256xf32, #tpu.memory_space<vmem>>, vector<16xf32>,
      %add3A_116 = arith.addf %add3A_113, %get3A_115 : vector<16xf32>
      %get3A_117 = arith.constant 112 : index
      %get3A_118 = tpu.vector_load %arg28[%get3A_117] {strides = array<i32>} : memref<256xf32, #tpu.memory_space<vmem>>, vector<16xf32>,
      %add3A_119 = arith.addf %add3A_116, %get3A_118 : vector<16xf32>
      %get3A_120 = arith.constant 128 : index
      %get3A_121 = tpu.vector_load %arg28[%get3A_120] {strides = array<i32>} : memref<256xf32, #tpu.memory_space<vmem>>, vector<16xf32>,
      %add3A_122 = arith.addf %add3A_119, %get3A_121 : vector<16xf32>
      %get3A_123 = arith.constant 144 : index
      %get3A_124 = tpu.vector_load %arg28[%get3A_123] {strides = array<i32>} : memref<256xf32, #tpu.memory_space<vmem>>, vector<16xf32>,
      %add3A_125 = arith.addf %add3A_122, %get3A_124 : vector<16xf32>
      %get3A_126 = arith.constant 160 : index
      %get3A_127 = tpu.vector_load %arg28[%get3A_126] {strides = array<i32>} : memref<256xf32, #tpu.memory_space<vmem>>, vector<16xf32>,
      %add3A_128 = arith.addf %add3A_125, %get3A_127 : vector<16xf32>
      %get3A_129 = arith.constant 176 : index
      %get3A_130 = tpu.vector_load %arg28[%get3A_129] {strides = array<i32>} : memref<256xf32, #tpu.memory_space<vmem>>, vector<16xf32>,
      %add3A_131 = arith.addf %add3A_128, %get3A_130 : vector<16xf32>
      %get3A_132 = arith.constant 192 : index
      %get3A_133 = tpu.vector_load %arg28[%get3A_132] {strides = array<i32>} : memref<256xf32, #tpu.memory_space<vmem>>, vector<16xf32>,
      %add3A_134 = arith.addf %add3A_131, %get3A_133 : vector<16xf32>
      %get3A_135 = arith.constant 208 : index
      %get3A_136 = tpu.vector_load %arg28[%get3A_135] {strides = array<i32>} : memref<256xf32, #tpu.memory_space<vmem>>, vector<16xf32>,
      %add3A_137 = arith.addf %add3A_134, %get3A_136 : vector<16xf32>
      %get3A_138 = arith.constant 224 : index
      %get3A_139 = tpu.vector_load %arg28[%get3A_138] {strides = array<i32>} : memref<256xf32, #tpu.memory_space<vmem>>, vector<16xf32>,
      %add3A_140 = arith.addf %add3A_137, %get3A_139 : vector<16xf32>
      %get3A_141 = arith.constant 240 : index
      %get3A_142 = tpu.vector_load %arg28[%get3A_141] {strides = array<i32>} : memref<256xf32, #tpu.memory_space<vmem>>, vector<16xf32>,
      %add3A_143 = arith.addf %add3A_140, %get3A_142 : vector<16xf32>
      %reduce_sum3A = arith.constant true
      %reduce_sum3A_144 = vector.broadcast %reduce_sum3A : i1 to vector<16xi1>
      %reduce_sum3A_145 = tpu.scan <sum>, %add3A_143 masked %reduce_sum3A_144 : vector<16xf32>, vector<16xi1> -> vector<16xf32>
      %reduce_sum3A_146 = vector.extract %reduce_sum3A_145[15] : f32 from vector<16xf32>
      %broadcast_in_dim3A_147 = arith.constant 0.000000e+00 : f32
      %broadcast_in_dim3A_148 = vector.broadcast %broadcast_in_dim3A_147 : f32 to vector<16xf32>
      %add3A_149 = vector.broadcast %reduce_sum3A_146 : f32 to vector<16xf32>
      %add3A_150 = arith.addf %broadcast_in_dim3A_148, %add3A_149 : vector<16xf32>
      %swap3A_151 = arith.constant 0 : index
      %swap3A_152 = tpu.vector_load %arg29[%swap3A_151] {strides = array<i32>} : memref<16xf32, #tpu.memory_space<vmem>>, vector<16xf32>,
      tpu.vector_store %arg29[%swap3A_151], %add3A_150 {strides = array<i32>} : memref<16xf32, #tpu.memory_space<vmem>>, vector<16xf32>,
      %mul3A_153 = arith.constant 16 : i32
      %mul3A_154 = arith.muli %arg0, %mul3A_153 : i32
      "tpu.region"() ({
        %run_scoped3A = tpu.sem_alloc : memref<!tpu.dma_semaphore, #tpu.memory_space<semaphore_mem>>
        %dma_start3A = tpu.memref_slice %arg7[%mul3A_154] : memref<32xf32, #tpu.memory_space<hbm>> -> memref<16xf32, #tpu.memory_space<hbm>>
        %dma_start3A_155 = tpu.memref_slice %arg7[%mul3A_154] : memref<32xf32, #tpu.memory_space<hbm>> -> memref<16xf32, #tpu.memory_space<hbm>>
        tpu.enqueue_dma source(%arg29 : memref<16xf32, #tpu.memory_space<vmem>>) target(%dma_start3A_155 : memref<16xf32, #tpu.memory_space<hbm>>) target_semaphore(%run_scoped3A : memref<!tpu.dma_semaphore, #tpu.memory_space<semaphore_mem>>)
        %dma_wait3A = tpu.memref_slice %arg7[%mul3A_154] : memref<32xf32, #tpu.memory_space<hbm>> -> memref<16xf32, #tpu.memory_space<hbm>>
        %dma_wait3A_156 = tpu.memref_slice %arg7[%mul3A_154] : memref<32xf32, #tpu.memory_space<hbm>> -> memref<16xf32, #tpu.memory_space<hbm>>
        tpu.wait_dma2 semaphore(%run_scoped3A : memref<!tpu.dma_semaphore, #tpu.memory_space<semaphore_mem>>) src(%arg29 : memref<16xf32, #tpu.memory_space<vmem>>) dst(%dma_wait3A_156 : memref<16xf32, #tpu.memory_space<hbm>>)
        tpu.yield
      }) : () -> ()
    } else {
    }
    return
  }
}

module attributes {stable_mosaic.version = 14 : i64} {
  func.func @_nearest_body(%arg0: i32, %arg1: i32, %arg2: memref<1x3x512xf32, #tpu.memory_space<vmem>>, %arg3: memref<1x8064x16xf32, #tpu.memory_space<vmem>>, %arg4: memref<1x1x1x512xi32, #tpu.memory_space<vmem>>) attributes {dimension_semantics = [#tpu.dimension_semantics<arbitrary>, #tpu.dimension_semantics<arbitrary>], iteration_bounds = array<i64: 2, 8>, scalar_prefetch = 0 : i64, scratch_operands = 0 : i64, tpu.core_type = #tpu.core_type<tc>, window_params = [{transform_indices = @transform_0, window_bounds = array<i64: 1, 3, 512>}, {transform_indices = @transform_1, window_bounds = array<i64: 1, 8064, 16>}, {transform_indices = @transform_2, window_bounds = array<i64: 1, 1, 1, 512>}]} {
    %get3A = arith.constant 0 : index
    %get3A_0 = arith.constant 0 : index
    %get3A_1 = arith.constant 0 : index
    %get3A_2 = vector.load %arg2[%get3A, %get3A_0, %get3A_1] : memref<1x3x512xf32, #tpu.memory_space<vmem>>, vector<1x1x512xf32>
    %get3A_3 = vector.shape_cast %get3A_2 : vector<1x1x512xf32> to vector<1x512xf32>
    %get3A_4 = arith.constant 0 : index
    %get3A_5 = arith.constant 1 : index
    %get3A_6 = arith.constant 0 : index
    %get3A_7 = vector.load %arg2[%get3A_4, %get3A_5, %get3A_6] : memref<1x3x512xf32, #tpu.memory_space<vmem>>, vector<1x1x512xf32>
    %get3A_8 = vector.shape_cast %get3A_7 : vector<1x1x512xf32> to vector<1x512xf32>
    %get3A_9 = arith.constant 0 : index
    %get3A_10 = arith.constant 2 : index
    %get3A_11 = arith.constant 0 : index
    %get3A_12 = vector.load %arg2[%get3A_9, %get3A_10, %get3A_11] : memref<1x3x512xf32, #tpu.memory_space<vmem>>, vector<1x1x512xf32>
    %get3A_13 = vector.shape_cast %get3A_12 : vector<1x1x512xf32> to vector<1x512xf32>
    %iota3A = tpu.iota {dimensions = array<i32: 0>} : vector<128x512xi32>
    %broadcast_in_dim3A = arith.constant 0x7F800000 : f32
    %broadcast_in_dim3A_14 = vector.broadcast %broadcast_in_dim3A : f32 to vector<128x512xf32>
    %broadcast_in_dim3A_15 = arith.constant 1073741824 : i32
    %broadcast_in_dim3A_16 = vector.broadcast %broadcast_in_dim3A_15 : i32 to vector<128x512xi32>
    %scan3A = arith.constant 0 : i32
    %scan3A_17 = arith.constant 63 : i32
    %scan3A_18 = arith.addi %scan3A, %scan3A_17 : i32
    %scan3A_19 = arith.constant 1 : i32
    %scan3A_20:2 = scf.for %scan3A_35 = %scan3A to %scan3A_18 step %scan3A_19 iter_args(%scan3A_36 = %broadcast_in_dim3A_14, %scan3A_37 = %broadcast_in_dim3A_16) -> (vector<128x512xf32>, vector<128x512xi32>)  : i32 {
      %mul3A = arith.constant 128 : i32
      %mul3A_38 = arith.muli %scan3A_35, %mul3A : i32
      %get3A_39 = arith.constant 0 : index
      %get3A_40 = arith.index_cast %mul3A_38 : i32 to index
      %get3A_41 = arith.constant 0 : index
      %get3A_42 = vector.load %arg3[%get3A_39, %get3A_40, %get3A_41] : memref<1x8064x16xf32, #tpu.memory_space<vmem>>, vector<1x128x1xf32>
      %get3A_43 = vector.shape_cast %get3A_42 : vector<1x128x1xf32> to vector<128x1xf32>
      %get3A_44 = arith.constant 0 : index
      %get3A_45 = arith.index_cast %mul3A_38 : i32 to index
      %get3A_46 = arith.constant 1 : index
      %get3A_47 = vector.load %arg3[%get3A_44, %get3A_45, %get3A_46] : memref<1x8064x16xf32, #tpu.memory_space<vmem>>, vector<1x128x1xf32>
      %get3A_48 = vector.shape_cast %get3A_47 : vector<1x128x1xf32> to vector<128x1xf32>
      %get3A_49 = arith.constant 0 : index
      %get3A_50 = arith.index_cast %mul3A_38 : i32 to index
      %get3A_51 = arith.constant 2 : index
      %get3A_52 = vector.load %arg3[%get3A_49, %get3A_50, %get3A_51] : memref<1x8064x16xf32, #tpu.memory_space<vmem>>, vector<1x128x1xf32>
      %get3A_53 = vector.shape_cast %get3A_52 : vector<1x128x1xf32> to vector<128x1xf32>
      %get3A_54 = arith.constant 0 : index
      %get3A_55 = arith.index_cast %mul3A_38 : i32 to index
      %get3A_56 = arith.constant 3 : index
      %get3A_57 = vector.load %arg3[%get3A_54, %get3A_55, %get3A_56] : memref<1x8064x16xf32, #tpu.memory_space<vmem>>, vector<1x128x1xf32>
      %get3A_58 = vector.shape_cast %get3A_57 : vector<1x128x1xf32> to vector<128x1xf32>
      %get3A_59 = arith.constant 0 : index
      %get3A_60 = arith.index_cast %mul3A_38 : i32 to index
      %get3A_61 = arith.constant 4 : index
      %get3A_62 = vector.load %arg3[%get3A_59, %get3A_60, %get3A_61] : memref<1x8064x16xf32, #tpu.memory_space<vmem>>, vector<1x128x1xf32>
      %get3A_63 = vector.shape_cast %get3A_62 : vector<1x128x1xf32> to vector<128x1xf32>
      %get3A_64 = arith.constant 0 : index
      %get3A_65 = arith.index_cast %mul3A_38 : i32 to index
      %get3A_66 = arith.constant 5 : index
      %get3A_67 = vector.load %arg3[%get3A_64, %get3A_65, %get3A_66] : memref<1x8064x16xf32, #tpu.memory_space<vmem>>, vector<1x128x1xf32>
      %get3A_68 = vector.shape_cast %get3A_67 : vector<1x128x1xf32> to vector<128x1xf32>
      %get3A_69 = arith.constant 0 : index
      %get3A_70 = arith.index_cast %mul3A_38 : i32 to index
      %get3A_71 = arith.constant 6 : index
      %get3A_72 = vector.load %arg3[%get3A_69, %get3A_70, %get3A_71] : memref<1x8064x16xf32, #tpu.memory_space<vmem>>, vector<1x128x1xf32>
      %get3A_73 = vector.shape_cast %get3A_72 : vector<1x128x1xf32> to vector<128x1xf32>
      %get3A_74 = arith.constant 0 : index
      %get3A_75 = arith.index_cast %mul3A_38 : i32 to index
      %get3A_76 = arith.constant 7 : index
      %get3A_77 = vector.load %arg3[%get3A_74, %get3A_75, %get3A_76] : memref<1x8064x16xf32, #tpu.memory_space<vmem>>, vector<1x128x1xf32>
      %get3A_78 = vector.shape_cast %get3A_77 : vector<1x128x1xf32> to vector<128x1xf32>
      %get3A_79 = arith.constant 0 : index
      %get3A_80 = arith.index_cast %mul3A_38 : i32 to index
      %get3A_81 = arith.constant 8 : index
      %get3A_82 = vector.load %arg3[%get3A_79, %get3A_80, %get3A_81] : memref<1x8064x16xf32, #tpu.memory_space<vmem>>, vector<1x128x1xf32>
      %get3A_83 = vector.shape_cast %get3A_82 : vector<1x128x1xf32> to vector<128x1xf32>
      %get3A_84 = arith.constant 0 : index
      %get3A_85 = arith.index_cast %mul3A_38 : i32 to index
      %get3A_86 = arith.constant 9 : index
      %get3A_87 = vector.load %arg3[%get3A_84, %get3A_85, %get3A_86] : memref<1x8064x16xf32, #tpu.memory_space<vmem>>, vector<1x128x1xf32>
      %get3A_88 = vector.shape_cast %get3A_87 : vector<1x128x1xf32> to vector<128x1xf32>
      %get3A_89 = arith.constant 0 : index
      %get3A_90 = arith.index_cast %mul3A_38 : i32 to index
      %get3A_91 = arith.constant 10 : index
      %get3A_92 = vector.load %arg3[%get3A_89, %get3A_90, %get3A_91] : memref<1x8064x16xf32, #tpu.memory_space<vmem>>, vector<1x128x1xf32>
      %get3A_93 = vector.shape_cast %get3A_92 : vector<1x128x1xf32> to vector<128x1xf32>
      %get3A_94 = arith.constant 0 : index
      %get3A_95 = arith.index_cast %mul3A_38 : i32 to index
      %get3A_96 = arith.constant 11 : index
      %get3A_97 = vector.load %arg3[%get3A_94, %get3A_95, %get3A_96] : memref<1x8064x16xf32, #tpu.memory_space<vmem>>, vector<1x128x1xf32>
      %get3A_98 = vector.shape_cast %get3A_97 : vector<1x128x1xf32> to vector<128x1xf32>
      %get3A_99 = arith.constant 0 : index
      %get3A_100 = arith.index_cast %mul3A_38 : i32 to index
      %get3A_101 = arith.constant 12 : index
      %get3A_102 = vector.load %arg3[%get3A_99, %get3A_100, %get3A_101] : memref<1x8064x16xf32, #tpu.memory_space<vmem>>, vector<1x128x1xf32>
      %get3A_103 = vector.shape_cast %get3A_102 : vector<1x128x1xf32> to vector<128x1xf32>
      %get3A_104 = arith.constant 0 : index
      %get3A_105 = arith.index_cast %mul3A_38 : i32 to index
      %get3A_106 = arith.constant 13 : index
      %get3A_107 = vector.load %arg3[%get3A_104, %get3A_105, %get3A_106] : memref<1x8064x16xf32, #tpu.memory_space<vmem>>, vector<1x128x1xf32>
      %get3A_108 = vector.shape_cast %get3A_107 : vector<1x128x1xf32> to vector<128x1xf32>
      %get3A_109 = arith.constant 0 : index
      %get3A_110 = arith.index_cast %mul3A_38 : i32 to index
      %get3A_111 = arith.constant 14 : index
      %get3A_112 = vector.load %arg3[%get3A_109, %get3A_110, %get3A_111] : memref<1x8064x16xf32, #tpu.memory_space<vmem>>, vector<1x128x1xf32>
      %get3A_113 = vector.shape_cast %get3A_112 : vector<1x128x1xf32> to vector<128x1xf32>
      %sub3A = vector.broadcast %get3A_3 : vector<1x512xf32> to vector<128x512xf32>
      %sub3A_114 = vector.broadcast %get3A_73 : vector<128x1xf32> to vector<128x512xf32>
      %sub3A_115 = arith.subf %sub3A, %sub3A_114 : vector<128x512xf32>
      %sub3A_116 = vector.broadcast %get3A_8 : vector<1x512xf32> to vector<128x512xf32>
      %sub3A_117 = vector.broadcast %get3A_78 : vector<128x1xf32> to vector<128x512xf32>
      %sub3A_118 = arith.subf %sub3A_116, %sub3A_117 : vector<128x512xf32>
      %sub3A_119 = vector.broadcast %get3A_13 : vector<1x512xf32> to vector<128x512xf32>
      %sub3A_120 = vector.broadcast %get3A_83 : vector<128x1xf32> to vector<128x512xf32>
      %sub3A_121 = arith.subf %sub3A_119, %sub3A_120 : vector<128x512xf32>
      %mul3A_122 = vector.broadcast %get3A_43 : vector<128x1xf32> to vector<128x512xf32>
      %mul3A_123 = arith.mulf %mul3A_122, %sub3A_115 : vector<128x512xf32>
      %mul3A_124 = vector.broadcast %get3A_48 : vector<128x1xf32> to vector<128x512xf32>
      %mul3A_125 = arith.mulf %mul3A_124, %sub3A_118 : vector<128x512xf32>
      %add3A = arith.addf %mul3A_123, %mul3A_125 : vector<128x512xf32>
      %mul3A_126 = vector.broadcast %get3A_53 : vector<128x1xf32> to vector<128x512xf32>
      %mul3A_127 = arith.mulf %mul3A_126, %sub3A_121 : vector<128x512xf32>
      %add3A_128 = arith.addf %add3A, %mul3A_127 : vector<128x512xf32>
      %mul3A_129 = vector.broadcast %get3A_58 : vector<128x1xf32> to vector<128x512xf32>
      %mul3A_130 = arith.mulf %mul3A_129, %sub3A_115 : vector<128x512xf32>
      %mul3A_131 = vector.broadcast %get3A_63 : vector<128x1xf32> to vector<128x512xf32>
      %mul3A_132 = arith.mulf %mul3A_131, %sub3A_118 : vector<128x512xf32>
      %add3A_133 = arith.addf %mul3A_130, %mul3A_132 : vector<128x512xf32>
      %mul3A_134 = vector.broadcast %get3A_68 : vector<128x1xf32> to vector<128x512xf32>
      %mul3A_135 = arith.mulf %mul3A_134, %sub3A_121 : vector<128x512xf32>
      %add3A_136 = arith.addf %add3A_133, %mul3A_135 : vector<128x512xf32>
      %sub3A_137 = vector.broadcast %get3A_88 : vector<128x1xf32> to vector<128x512xf32>
      %sub3A_138 = arith.subf %add3A_128, %sub3A_137 : vector<128x512xf32>
      %sub3A_139 = vector.broadcast %get3A_93 : vector<128x1xf32> to vector<128x512xf32>
      %sub3A_140 = arith.subf %add3A_136, %sub3A_139 : vector<128x512xf32>
      %sub3A_141 = vector.broadcast %get3A_93 : vector<128x1xf32> to vector<128x512xf32>
      %sub3A_142 = arith.subf %add3A_128, %sub3A_141 : vector<128x512xf32>
      %sub3A_143 = vector.broadcast %get3A_98 : vector<128x1xf32> to vector<128x512xf32>
      %sub3A_144 = arith.subf %add3A_136, %sub3A_143 : vector<128x512xf32>
      %mul3A_145 = arith.mulf %add3A_128, %sub3A_140 : vector<128x512xf32>
      %mul3A_146 = arith.mulf %sub3A_138, %add3A_136 : vector<128x512xf32>
      %sub3A_147 = arith.subf %mul3A_145, %mul3A_146 : vector<128x512xf32>
      %mul3A_148 = arith.mulf %sub3A_142, %add3A_136 : vector<128x512xf32>
      %mul3A_149 = arith.mulf %add3A_128, %sub3A_144 : vector<128x512xf32>
      %sub3A_150 = arith.subf %mul3A_148, %mul3A_149 : vector<128x512xf32>
      %mul3A_151 = arith.mulf %sub3A_138, %sub3A_144 : vector<128x512xf32>
      %mul3A_152 = arith.mulf %sub3A_142, %sub3A_140 : vector<128x512xf32>
      %sub3A_153 = arith.subf %mul3A_151, %mul3A_152 : vector<128x512xf32>
      %le3A = arith.constant 0.000000e+00 : f32
      %le3A_154 = vector.broadcast %le3A : f32 to vector<128x512xf32>
      %le3A_155 = arith.cmpf ole, %add3A_128, %le3A_154 : vector<128x512xf32>
      %le3A_156 = arith.constant 0.000000e+00 : f32
      %le3A_157 = vector.broadcast %le3A_156 : f32 to vector<128x512xf32>
      %le3A_158 = arith.cmpf ole, %add3A_136, %le3A_157 : vector<128x512xf32>
      %and3A = arith.andi %le3A_155, %le3A_158 : vector<128x512xi1>
      %ge3A = arith.constant 0.000000e+00 : f32
      %ge3A_159 = vector.broadcast %ge3A : f32 to vector<128x512xf32>
      %ge3A_160 = arith.cmpf oge, %sub3A_138, %ge3A_159 : vector<128x512xf32>
      %le3A_161 = arith.cmpf ole, %sub3A_140, %sub3A_138 : vector<128x512xf32>
      %and3A_162 = arith.andi %ge3A_160, %le3A_161 : vector<128x512xi1>
      %ge3A_163 = arith.constant 0.000000e+00 : f32
      %ge3A_164 = vector.broadcast %ge3A_163 : f32 to vector<128x512xf32>
      %ge3A_165 = arith.cmpf oge, %sub3A_144, %ge3A_164 : vector<128x512xf32>
      %le3A_166 = arith.cmpf ole, %sub3A_142, %sub3A_144 : vector<128x512xf32>
      %and3A_167 = arith.andi %ge3A_165, %le3A_166 : vector<128x512xi1>
      %le3A_168 = arith.constant 0.000000e+00 : f32
      %le3A_169 = vector.broadcast %le3A_168 : f32 to vector<128x512xf32>
      %le3A_170 = arith.cmpf ole, %sub3A_147, %le3A_169 : vector<128x512xf32>
      %ge3A_171 = arith.constant 0.000000e+00 : f32
      %ge3A_172 = vector.broadcast %ge3A_171 : f32 to vector<128x512xf32>
      %ge3A_173 = arith.cmpf oge, %add3A_128, %ge3A_172 : vector<128x512xf32>
      %and3A_174 = arith.andi %le3A_170, %ge3A_173 : vector<128x512xi1>
      %le3A_175 = arith.constant 0.000000e+00 : f32
      %le3A_176 = vector.broadcast %le3A_175 : f32 to vector<128x512xf32>
      %le3A_177 = arith.cmpf ole, %sub3A_138, %le3A_176 : vector<128x512xf32>
      %and3A_178 = arith.andi %and3A_174, %le3A_177 : vector<128x512xi1>
      %le3A_179 = arith.constant 0.000000e+00 : f32
      %le3A_180 = vector.broadcast %le3A_179 : f32 to vector<128x512xf32>
      %le3A_181 = arith.cmpf ole, %sub3A_150, %le3A_180 : vector<128x512xf32>
      %ge3A_182 = arith.constant 0.000000e+00 : f32
      %ge3A_183 = vector.broadcast %ge3A_182 : f32 to vector<128x512xf32>
      %ge3A_184 = arith.cmpf oge, %add3A_136, %ge3A_183 : vector<128x512xf32>
      %and3A_185 = arith.andi %le3A_181, %ge3A_184 : vector<128x512xi1>
      %le3A_186 = arith.constant 0.000000e+00 : f32
      %le3A_187 = vector.broadcast %le3A_186 : f32 to vector<128x512xf32>
      %le3A_188 = arith.cmpf ole, %sub3A_144, %le3A_187 : vector<128x512xf32>
      %and3A_189 = arith.andi %and3A_185, %le3A_188 : vector<128x512xi1>
      %sub3A_190 = arith.subf %sub3A_140, %sub3A_138 : vector<128x512xf32>
      %sub3A_191 = arith.subf %sub3A_142, %sub3A_144 : vector<128x512xf32>
      %le3A_192 = arith.constant 0.000000e+00 : f32
      %le3A_193 = vector.broadcast %le3A_192 : f32 to vector<128x512xf32>
      %le3A_194 = arith.cmpf ole, %sub3A_153, %le3A_193 : vector<128x512xf32>
      %ge3A_195 = arith.constant 0.000000e+00 : f32
      %ge3A_196 = vector.broadcast %ge3A_195 : f32 to vector<128x512xf32>
      %ge3A_197 = arith.cmpf oge, %sub3A_190, %ge3A_196 : vector<128x512xf32>
      %and3A_198 = arith.andi %le3A_194, %ge3A_197 : vector<128x512xi1>
      %ge3A_199 = arith.constant 0.000000e+00 : f32
      %ge3A_200 = vector.broadcast %ge3A_199 : f32 to vector<128x512xf32>
      %ge3A_201 = arith.cmpf oge, %sub3A_191, %ge3A_200 : vector<128x512xf32>
      %and3A_202 = arith.andi %and3A_198, %ge3A_201 : vector<128x512xi1>
      %mul3A_203 = vector.broadcast %get3A_103 : vector<128x1xf32> to vector<128x512xf32>
      %mul3A_204 = arith.mulf %add3A_128, %mul3A_203 : vector<128x512xf32>
      %mul3A_205 = vector.broadcast %get3A_108 : vector<128x1xf32> to vector<128x512xf32>
      %mul3A_206 = arith.mulf %add3A_136, %mul3A_205 : vector<128x512xf32>
      %mul3A_207 = vector.broadcast %get3A_113 : vector<128x1xf32> to vector<128x512xf32>
      %mul3A_208 = arith.mulf %sub3A_190, %mul3A_207 : vector<128x512xf32>
      %add3A_209 = arith.addf %sub3A_153, %sub3A_150 : vector<128x512xf32>
      %add3A_210 = arith.addf %add3A_209, %sub3A_147 : vector<128x512xf32>
      %max3A = arith.constant 9.99999996E-13 : f32
      %max3A_211 = vector.broadcast %max3A : f32 to vector<128x512xf32>
      %max3A_212 = arith.maximumf %add3A_210, %max3A_211 : vector<128x512xf32>
      %div3A = arith.constant 1.000000e+00 : f32
      %div3A_213 = vector.broadcast %div3A : f32 to vector<128x512xf32>
      %div3A_214 = arith.divf %div3A_213, %max3A_212 : vector<128x512xf32>
      %broadcast_in_dim3A_215 = arith.constant 0.000000e+00 : f32
      %broadcast_in_dim3A_216 = vector.broadcast %broadcast_in_dim3A_215 : f32 to vector<128x512xf32>
      %broadcast_in_dim3A_217 = arith.constant 1.000000e+00 : f32
      %broadcast_in_dim3A_218 = vector.broadcast %broadcast_in_dim3A_217 : f32 to vector<128x512xf32>
      %mul3A_219 = arith.mulf %sub3A_150, %div3A_214 : vector<128x512xf32>
      %mul3A_220 = arith.mulf %sub3A_147, %div3A_214 : vector<128x512xf32>
      %sub3A_221 = arith.constant 1.000000e+00 : f32
      %sub3A_222 = vector.broadcast %sub3A_221 : f32 to vector<128x512xf32>
      %sub3A_223 = arith.subf %sub3A_222, %mul3A_208 : vector<128x512xf32>
      %select_n3A_224 = arith.select %and3A_202, %sub3A_223, %mul3A_219 : vector<128x512xi1>, vector<128x512xf32>
      %select_n3A_225 = arith.select %and3A_202, %mul3A_208, %mul3A_220 : vector<128x512xi1>, vector<128x512xf32>
      %select_n3A_226 = arith.select %and3A_189, %broadcast_in_dim3A_216, %select_n3A_224 : vector<128x512xi1>, vector<128x512xf32>
      %select_n3A_227 = arith.select %and3A_189, %mul3A_206, %select_n3A_225 : vector<128x512xi1>, vector<128x512xf32>
      %select_n3A_228 = arith.select %and3A_178, %mul3A_204, %select_n3A_226 : vector<128x512xi1>, vector<128x512xf32>
      %select_n3A_229 = arith.select %and3A_178, %broadcast_in_dim3A_216, %select_n3A_227 : vector<128x512xi1>, vector<128x512xf32>
      %select_n3A_230 = arith.select %and3A_167, %broadcast_in_dim3A_216, %select_n3A_228 : vector<128x512xi1>, vector<128x512xf32>
      %select_n3A_231 = arith.select %and3A_167, %broadcast_in_dim3A_218, %select_n3A_229 : vector<128x512xi1>, vector<128x512xf32>
      %select_n3A_232 = arith.select %and3A_162, %broadcast_in_dim3A_218, %select_n3A_230 : vector<128x512xi1>, vector<128x512xf32>
      %select_n3A_233 = arith.select %and3A_162, %broadcast_in_dim3A_216, %select_n3A_231 : vector<128x512xi1>, vector<128x512xf32>
      %select_n3A_234 = arith.select %and3A, %broadcast_in_dim3A_216, %select_n3A_232 : vector<128x512xi1>, vector<128x512xf32>
      %select_n3A_235 = arith.select %and3A, %broadcast_in_dim3A_216, %select_n3A_233 : vector<128x512xi1>, vector<128x512xf32>
      %mul3A_236 = vector.broadcast %get3A_43 : vector<128x1xf32> to vector<128x512xf32>
      %mul3A_237 = arith.mulf %select_n3A_234, %mul3A_236 : vector<128x512xf32>
      %sub3A_238 = arith.subf %sub3A_115, %mul3A_237 : vector<128x512xf32>
      %mul3A_239 = vector.broadcast %get3A_58 : vector<128x1xf32> to vector<128x512xf32>
      %mul3A_240 = arith.mulf %select_n3A_235, %mul3A_239 : vector<128x512xf32>
      %sub3A_241 = arith.subf %sub3A_238, %mul3A_240 : vector<128x512xf32>
      %mul3A_242 = vector.broadcast %get3A_48 : vector<128x1xf32> to vector<128x512xf32>
      %mul3A_243 = arith.mulf %select_n3A_234, %mul3A_242 : vector<128x512xf32>
      %sub3A_244 = arith.subf %sub3A_118, %mul3A_243 : vector<128x512xf32>
      %mul3A_245 = vector.broadcast %get3A_63 : vector<128x1xf32> to vector<128x512xf32>
      %mul3A_246 = arith.mulf %select_n3A_235, %mul3A_245 : vector<128x512xf32>
      %sub3A_247 = arith.subf %sub3A_244, %mul3A_246 : vector<128x512xf32>
      %mul3A_248 = vector.broadcast %get3A_53 : vector<128x1xf32> to vector<128x512xf32>
      %mul3A_249 = arith.mulf %select_n3A_234, %mul3A_248 : vector<128x512xf32>
      %sub3A_250 = arith.subf %sub3A_121, %mul3A_249 : vector<128x512xf32>
      %mul3A_251 = vector.broadcast %get3A_68 : vector<128x1xf32> to vector<128x512xf32>
      %mul3A_252 = arith.mulf %select_n3A_235, %mul3A_251 : vector<128x512xf32>
      %sub3A_253 = arith.subf %sub3A_250, %mul3A_252 : vector<128x512xf32>
      %mul3A_254 = arith.mulf %sub3A_241, %sub3A_241 : vector<128x512xf32>
      %mul3A_255 = arith.mulf %sub3A_247, %sub3A_247 : vector<128x512xf32>
      %add3A_256 = arith.addf %mul3A_254, %mul3A_255 : vector<128x512xf32>
      %mul3A_257 = arith.mulf %sub3A_253, %sub3A_253 : vector<128x512xf32>
      %add3A_258 = arith.addf %add3A_256, %mul3A_257 : vector<128x512xf32>
      %add3A_259 = vector.broadcast %mul3A_38 : i32 to vector<128x512xi32>
      %add3A_260 = arith.addi %iota3A, %add3A_259 : vector<128x512xi32>
      %lt3A = arith.cmpf olt, %add3A_258, %scan3A_36 : vector<128x512xf32>
      %select_n3A_261 = arith.select %lt3A, %add3A_258, %scan3A_36 : vector<128x512xi1>, vector<128x512xf32>
      %select_n3A_262 = arith.select %lt3A, %add3A_260, %scan3A_37 : vector<128x512xi1>, vector<128x512xi32>
      scf.yield %select_n3A_261, %select_n3A_262 : vector<128x512xf32>, vector<128x512xi32>
    }
    %scan3A_21 = arith.constant 63 : i32
    %reduce_min3A = arith.constant dense<0x7F800000> : vector<512xf32>
    %reduce_min3A_22 = vector.multi_reduction <minimumf>, %scan3A_20#0, %reduce_min3A [0] : vector<128x512xf32> to vector<512xf32>
    %broadcast_in_dim3A_23 = vector.shape_cast %reduce_min3A_22 : vector<512xf32> to vector<1x512xf32>
    %eq3A = vector.broadcast %broadcast_in_dim3A_23 : vector<1x512xf32> to vector<128x512xf32>
    %eq3A_24 = arith.cmpf oeq, %scan3A_20#0, %eq3A : vector<128x512xf32>
    %jit3A = arith.constant 1073741824 : i32
    %broadcast_in_dim3A_25 = vector.broadcast %jit3A : i32 to vector<128x512xi32>
    %select_n3A = arith.select %eq3A_24, %scan3A_20#1, %broadcast_in_dim3A_25 : vector<128x512xi1>, vector<128x512xi32>
    %reduce_min3A_26 = arith.constant dense<2147483647> : vector<512xi32>
    %reduce_min3A_27 = vector.multi_reduction <minsi>, %select_n3A, %reduce_min3A_26 [0] : vector<128x512xi32> to vector<512xi32>
    %broadcast_in_dim3A_28 = vector.shape_cast %reduce_min3A_27 : vector<512xi32> to vector<1x512xi32>
    %swap3A = arith.constant 0 : index
    %swap3A_29 = arith.constant 0 : index
    %swap3A_30 = arith.constant 0 : index
    %swap3A_31 = arith.constant 0 : index
    %swap3A_32 = vector.load %arg4[%swap3A, %swap3A_29, %swap3A_30, %swap3A_31] : memref<1x1x1x512xi32, #tpu.memory_space<vmem>>, vector<1x1x1x512xi32>
    %swap3A_33 = vector.shape_cast %swap3A_32 : vector<1x1x1x512xi32> to vector<1x512xi32>
    %swap3A_34 = vector.shape_cast %broadcast_in_dim3A_28 : vector<1x512xi32> to vector<1x1x1x512xi32>
    tpu.vector_store %arg4[%swap3A, %swap3A_29, %swap3A_30, %swap3A_31], %swap3A_34 {strides = array<i32>} : memref<1x1x1x512xi32, #tpu.memory_space<vmem>>, vector<1x1x1x512xi32>,
    return
  }
  func.func @transform_0(%arg0: i32, %arg1: i32) -> (i32, i32, i32) {
    %c0_i32 = arith.constant 0 : i32
    %c0_i32_0 = arith.constant 0 : i32
    return %arg0, %c0_i32, %arg1 : i32, i32, i32
  }
  func.func @transform_1(%arg0: i32, %arg1: i32) -> (i32, i32, i32) {
    %c0_i32 = arith.constant 0 : i32
    %c0_i32_0 = arith.constant 0 : i32
    %c0_i32_1 = arith.constant 0 : i32
    return %arg0, %c0_i32, %c0_i32_0 : i32, i32, i32
  }
  func.func @transform_2(%arg0: i32, %arg1: i32) -> (i32, i32, i32, i32) {
    %c0_i32 = arith.constant 0 : i32
    %c0_i32_0 = arith.constant 0 : i32
    %c0_i32_1 = arith.constant 0 : i32
    return %arg0, %arg1, %c0_i32, %c0_i32_0 : i32, i32, i32, i32
  }
}

</mosaic_0001>

<sc_bundles>
// kernel: kernel.4.cloned.1.call-start
scs
__scs_entry_jumppad:
0x0: {  	(pc) =	sbr.rel $0x88, $3  }
0x1: {  	(tag) =	ssettag $0x0;
	lr =	simm.s32 $0x1  }
0x2: {  	[smem:$0x3F9E] =	sst lr;
	_ =	strace $0xD0000000  }
0x3: {  	_ = 	snop  }
0x4: {  	_ = 	snop  }
0x5: {  	_ = 	snop  }
0x6: {  	_ = 	snop  }
0x7: {  	_ = 	snop  }
__scs_overlays_trampoline_lowered:
0x8: {  	[smem:$0x3FAD] =	sst s0  }
0x9: {  	[smem:$0x3FAE] =	sst s1  }
0xa: {  	[smem:$0x3FAF] =	sst s2  }
0xb: {  	[smem:$0x3FB0] =	sst s3  }
0xc: {  	[smem:$0x3FB1] =	sst s4  }
0xd: {  	[smem:$0x3FB2] =	sst s5  }
0xe: {  	[smem:$0x3FB3] =	sst s6  }
0xf: {  	[smem:$0x3FB4] =	sst s7  }
0x10: {  	[smem:$0x3FB5] =	sst s8  }
0x11: {  	[smem:$0x3FB6] =	sst s9;
	s0 =	simm.s32 @!p0 $0x0  }
0x12: {  	s1 =	sld [smem:$0x3F9C];
	s0 =	simm.s32 @p0 $0x1  }
0x13: {  	[smem:$0x3FB7] =	sst s0;
	s0 =	simm.s32 @!p1 $0x0  }
0x14: {  	s2 =	sld [smem:$0x3F9B];
	s0 =	simm.s32 @p1 $0x1  }
0x15: {  	[smem:$0x3FB8] =	sst s0;
	s0 =	simm.s32 @!p2 $0x0  }
0x16: {  	s3 =	sld [smem:$0x3FDB];
	s0 =	simm.s32 @p2 $0x1  }
0x17: {  	s4 =	simm.s32 $0x1BF5;
	[smem:$0x3FBA] =	sst s0  }
0x18: {  	s0 =	sld [smem:$0x3F9D];
	_ =	swait.ge [sflag:s4], $0x0  }
0x19: {  	s7 =	sld [smem:$0x3F9E]  }
0x1a: {  	s8 =	sadd.s32 $0xFFFFE003, lr  }
0x1b: {  	s9 =	sadd.s32 $0xFFFFFEF7, lr;
	s5 =	simm.s32 $0xFFFFFFFF;
	p2 =	slt.u32 s8, $0xFFFFF086  }
0x1c: {  	p1 =	slt.u32 s9, $0xF7A;
	s5 =	simm.s32 @!p2 $0x0  }
0x1d: {  	s5 =	simm.s32 @p1 $0x1;
	p0 =	seq.s32 s7, s2  }
0x1e: {  	s7 =	smul.u32 @!p0 $0xF7A, s2;
	p2 =	seq.s32 @!p0 s5, $0x0  }
0x1f: {  	s9 =	smul.u32 $0xF7A, s1;
	s8 =	simm.s32 @!p0 $0x1BF5;
	p2 =	por !p2, p0  }
0x20: {  	[sflag:s8] =	ssyncset.s32 @!p0 $0xFFFFF086;
	s6 =	sadd.s32 @!p0 s3, s7;
	s7 =	simm.s32 @!p0 $0x108  }
0x21: {  	s3 =	sadd.s32 s3, s9;
	s6 =	sadd.s32 @!p0 $0x88, s6;
	s7 =	simm.s32 @p2 $0x1082  }
0x22: {  	[simem:s7], [sflag:s8] =	dma.local @!p0 [hbm:s6], $0xF7A  }
0x23: {  	s9 =	sor.u32 $0xD0000000, s2;
	s6 =	simm.s32 $0x108;
	_ =	swait.ge @!p0 [sflag:s8], $0x0  }
0x24: {  	s3 =	sadd.s32 $0x88, s3;
	s6 =	simm.s32 @!p1 $0x1082;
	[sflag:s4] =	ssyncset.s32 $0xFFFFF086  }
0x25: {  	[simem:s6], [sflag:s4] =	dma.local [hbm:s3], $0xF7A  }
0x26: {  	[smem:$0x3F9E] =	sst s1;
	(tag) =	ssettag s2;
	_ =	strace s9  }
0x27: {  	s1 =	sld [smem:$0x3FAE]  }
0x28: {  	s2 =	sld [smem:$0x3FAF]  }
0x29: {  	s4 =	sld [smem:$0x3FB1]  }
0x2a: {  	p0 =	seq.s32 s5, $0x0;
	s5 =	sld [smem:$0x3FB2]  }
0x2b: {  	s6 =	sld [smem:$0x3FB3]  }
0x2c: {  	s7 =	sld [smem:$0x3FB4]  }
0x2d: {  	s3 =	simm.s32 $0x108;
	s8 =	sld [smem:$0x3FB5]  }
0x2e: {  	s3 =	simm.s32 @!p0 $0x1082;
	s9 =	sld [smem:$0x3FB6]  }
0x2f: {  	lr =	sadd.s32 s0, s3;
	s0 =	sld [smem:$0x3FAD]  }
0x30: {  	s3 =	sld [smem:$0x3FB0]  }
0x31: {  	[smem:$0x3FB9] =	sst s10  }
0x32: {  	s10 =	sld [smem:$0x3FB7];
	_ =	sdelay $0x3  }
0x33: {  	p0 =	seq.s32 s10, $0x1;
	s10 =	sld [smem:$0x3FB9];
	_ =	sdelay $0x3  }
0x34: {  	[smem:$0x3FB9] =	sst s10  }
0x35: {  	s10 =	sld [smem:$0x3FB8];
	_ =	sdelay $0x3  }
0x36: {  	p1 =	seq.s32 s10, $0x1;
	s10 =	sld [smem:$0x3FB9];
	_ =	sdelay $0x3  }
0x37: {  	[smem:$0x3FB9] =	sst s10  }
0x38: {  	s10 =	sld [smem:$0x3FBA]  }
0x39: {  	_ = 	snop;
	(pc) =	sbr.ind lr, $3  }
0x3a: {  	_ = 	snop  }
0x3b: {  	_ = 	snop  }
0x3c: {  	p2 =	seq.s32 s10, $0x1;
	s10 =	sld [smem:$0x3FB9]  }
0x3d: {  	_ =	shalt  }
0x3e: {  	_ =	shalt  }
0x3f: {  	_ =	shalt  }
0x40: {  	_ =	shalt  }
0x41: {  	_ =	shalt  }
0x42: {  	_ =	shalt  }
0x43: {  	_ =	shalt  }
0x44: {  	_ =	shalt  }
0x45: {  	_ =	shalt  }
0x46: {  	_ =	shalt  }
0x47: {  	_ =	shalt  }
0x48: {  	_ =	shalt  }
0x49: {  	_ =	shalt  }
0x4a: {  	_ =	shalt  }
0x4b: {  	_ =	shalt  }
0x4c: {  	_ =	shalt  }
0x4d: {  	_ =	shalt  }
0x4e: {  	_ =	shalt  }
0x4f: {  	_ =	shalt  }
0x50: {  	_ =	shalt  }
0x51: {  	_ =	shalt  }
0x52: {  	_ =	shalt  }
0x53: {  	_ =	shalt  }
0x54: {  	_ =	shalt  }
0x55: {  	_ =	shalt  }
0x56: {  	_ =	shalt  }
0x57: {  	_ =	shalt  }
0x58: {  	_ =	shalt  }
0x59: {  	_ =	shalt  }
0x5a: {  	_ =	shalt  }
0x5b: {  	_ =	shalt  }
0x5c: {  	_ =	shalt  }
0x5d: {  	_ =	shalt  }
0x5e: {  	_ =	shalt  }
0x5f: {  	_ =	shalt  }
0x60: {  	_ =	shalt  }
0x61: {  	_ =	shalt  }
0x62: {  	_ =	shalt  }
0x63: {  	_ =	shalt  }
0x64: {  	_ =	shalt  }
0x65: {  	_ =	shalt  }
0x66: {  	_ =	shalt  }
0x67: {  	_ =	shalt  }
0x68: {  	_ =	shalt  }
0x69: {  	_ =	shalt  }
0x6a: {  	_ =	shalt  }
0x6b: {  	_ =	shalt  }
0x6c: {  	_ =	shalt  }
0x6d: {  	_ =	shalt  }
0x6e: {  	_ =	shalt  }
0x6f: {  	_ =	shalt  }
0x70: {  	_ =	shalt  }
0x71: {  	_ =	shalt  }
0x72: {  	_ =	shalt  }
0x73: {  	_ =	shalt  }
0x74: {  	_ =	shalt  }
0x75: {  	_ =	shalt  }
0x76: {  	_ =	shalt  }
0x77: {  	_ =	shalt  }
0x78: {  	_ =	shalt  }
0x79: {  	_ =	shalt  }
0x7a: {  	_ =	shalt  }
0x7b: {  	_ =	shalt  }
0x7c: {  	_ =	shalt  }
0x7d: {  	_ =	shalt  }
0x7e: {  	_ =	shalt  }
0x7f: {  	_ =	shalt  }
0x80: {  	_ =	shalt  }
0x81: {  	_ =	shalt  }
0x82: {  	_ =	shalt  }
0x83: {  	_ =	shalt  }
0x84: {  	_ =	shalt  }
0x85: {  	_ =	shalt  }
0x86: {  	_ =	shalt  }
0x87: {  	_ =	shalt  }
.Lfunc_end0:
.L_simem_size_0:
called_computation_lowered:
.L_overlay_start_0:
0x88: {  	s2 =	sld [smem:$0x3FD9]  }
0x89: {  	s3 =	sld [smem:$0x3FFE];
	_ =	sdelay $0x1  }
0x8a: {  	s1 =	srdreg.scid  }
0x8b: {  	s0 =	sand.u32 $0x1, s1  }
0x8c: {  	s17 =	sshll.u32 s0, $0xA;
	s2 =	sadd.s32 s3, s2  }
0x8d: {  	s2 =	sadd.s32 s2, s17  }
0x8e: {  	[smem:$0x3FC5] =	sst s2  }
0x8f: {  	_ = 	snop  }
0x90: {  	s2 =	sld [smem:$0x3FD0];
	(tm) =	ssettm $0x1  }
0x91: {  	s18 =	sld [smem:$0x3FFB];
	_ =	sdelay $0x3  }
0x92: {  	_ =	strace s18  }
0x93: {  	s3 =	sld [smem:$0x3FFC];
	_ =	sdelay $0x3  }
0x94: {  	_ =	strace s3  }
0x95: {  	s3 =	sld [smem:$0x3FFD];
	_ =	sdelay $0x3  }
0x96: {  	_ =	strace s3  }
0x97: {  	_ =	strace $0x8FFFFFFF  }
0x98: {  	s19 =	sld [smem:$0x3FDB];
	_ =	sdelay $0x1  }
0x99: {  	s4 =	simm.s32 $_scs_section_size  }
0x9a: {  	s5 =	simm.s32 $_size__tile_overlayer_lowered;
	s6 =	simm.s32 $_tile_overlayer_lowered  }
0x9b: {  	s22 =	simm.s32 $0x1BFF;
	s21 =	sshll.u32 s6, $0x1;
	s3 =	sadd.s32 s4, s19  }
0x9c: {  	s7 =	simm.s32 $0x0;
	s20 =	sshll.u32 s5, $0x1;
	s5 =	sadd.s32 s21, s3  }
0x9d: {  	[timem:s7], [sflag:s22] =	dma.local [hbm:s5], s20  }
0x9e: {  	_ =	swait.ge [sflag:s22], s20  }
0x9f: {  	s4 =	ssub.s32 $0x0, s20;
	[sflag:s22] =	ssyncset.done $0x0  }
0xa0: {  	[sflag:s22] =	ssyncadd.s32 s4;
	_ =	sdelay $0x1  }
0xa1: {  	s23 =	simm.s32 $0x1B8B  }
0xa2: {  	_ =	swait.ge [sflag:s23], $0x1  }
0xa3: {  	[sflag:s23] =	ssyncset.done $0x0  }
0xa4: {  	s25 =	simm.s32 $0x1B8E;
	s24 =	sld [smem:$0x3FFE];
	[sflag:s23] =	ssyncadd.s32 $0xFFFFFFFF  }
0xa5: {  	s26 =	simm.s32 $execute0_lowered;
	[smem:$0x3FD2] =	sst s25  }
0xa6: {  	s5 =	sshll.u32 s26, $0x1;
	_ =	strace $0x80000046;
	[dreg:$0x1] =	wrdreg $0xFFFFFFFF  }
0xa7: {  	s28 =	simm.s32 $_size_execute0_lowered;
	s3 =	sadd.s32 s3, s5;
	[dreg:$0x0] =	wrdreg $0x0  }
0xa8: {  	s5 =	sshll.u32 s28, $0x1;
	[dreg:$0x2] =	wrdreg s3  }
0xa9: {  	[dreg:$0x3] =	wrdreg s5  }
0xaa: {  	[dreg:$0x4] =	wrdreg $0xC0  }
0xab: {  	_ =	task [dreg:s7], $0x5FFFF  }
0xac: {  	[dreg:$0x1] =	wrdreg $0xFFFFFFFF  }
0xad: {  	[dreg:$0x0] =	wrdreg $0x60  }
0xae: {  	[dreg:$0x2] =	wrdreg s24  }
0xaf: {  	[dreg:$0x3] =	wrdreg s2  }
0xb0: {  	[dreg:$0x4] =	wrdreg $0x135000  }
0xb1: {  	[dreg:$0x5] =	wrdreg $0x13B000  }
0xb2: {  	[dreg:$0x6] =	wrdreg $0x13E000  }
0xb3: {  	[dreg:$0x7] =	wrdreg $0x9  }
0xb4: {  	_ =	task.clear_ibuf [dreg:s7], $0x8FFFF;
	_ =	strace $0x90000046  }
0xb5: {  	s29 =	simm.s32 $0x9;
	_ =	strace $0x80000048  }
0xb6: {  	_ =	swait.ge [sflag:s29], $0x1  }
0xb7: {  	[sflag:s29] =	ssyncadd.s32 $0xFFFFFFFF  }
0xb8: {  	_ =	strace $0x90000048  }
0xb9: {  	_ =	sfence  }
0xba: {  	s30 =	sld [smem:$0x0];
	_ =	sdelay $0x2  }
0xbb: {  	s31 =	sshll.u32 s1, $0xD;
	s1 =	sshrl.u32 s1, $0x2  }
0xbc: {  	s3 =	sand.u32 $0x4000, s31;
	s1 =	sadd.s32 s1, s30  }
0xbd: {  	s0 =	sor.u32 s3, s0;
	s1 =	sshll.u32 s1, $0x11  }
0xbe: {  	s0 =	sor.u32 s1, s0  }
0xbf: {  	s0 =	sadd.s32 $0x8F2B, s0  }
0xc0: {  	[sflag:s0] =	ssyncadd.remote.s32 $0x1  }
0xc1: {  	_ =	sfence.sel $0xFFFF  }
0xc2: {  	[dreg:$0x0] =	wrdreg $0xFFFFFFFF;
	(pc) =	sbr.abs _section_cstart, $3  }
0xc3: {  	[dreg:$0x1] =	wrdreg $0xFFFFFFFF  }
0xc4: {  	_ =	task.clear_ibuf [dreg:s7], $0x2FFFF;
	_ =	strace $0x9FFFFFFF  }
0xc5: {  	(tm) =	ssettm $0x7FFFFFFF  }
tec
execute0_lowered:
.L_overlay_start_1:
0x0: {  	(tag) =	ssettag $0x1  }
0x1: {  	s0 =	rddreg [dreg:$0x0]  }
0x2: {  	s1 =	rddreg [dreg:$0x1]  }
0x3: {  	s18 =	rddreg [dreg:$0x2]  }
0x4: {  	s20 =	rddreg [dreg:$0x3]  }
0x5: {  	s17 =	rddreg [dreg:$0x4]  }
0x6: {  	s4 =	simm.s32 $0x0;
	s2 =	srdreg.scid;
	s3 =	stileid.u32  }
0x7: {  	[smem:$0x7FF] =	sst s4;
	s2 =	sand.u32 $0x1, s2;
	s5 =	sadd.s32 $0x1000, s0  }
0x8: {  	s6 =	sshll.u32 s3, $0x8;
	s8 =	sadd.s32 $0x1C00, s0;
	s11 =	sadd.s32 $0x2800, s0  }
0x9: {  	s24 =	sshll.u32 s3, $0x5;
	s25 =	sadd.s32 $0x2000, s0;
	p0 =	sne.s32 s3, $0x0  }
0xa: {  	s31 =	sadd.s32 $0x2000, s18;
	_ =	strace $0x80000047;
	s7 =	sshll.u32 s2, $0xC  }
0xb: {  	[dreg:$0x6] =	wrdreg s8;
	s13 =	ssub.s32 $0x2, s2;
	s10 =	smul.u32 $0x3000, s2  }
0xc: {  	s23 =	sor.u32 $0x1000, s6;
	s7 =	sor.u32 s6, s7;
	s9 =	sshrl.u32 s13, $0x1  }
0xd: {  	[dreg:$0xd] =	wrdreg s25;
	s7 =	sshrl.u32 s7, $0x3;
	s8 =	ssub.s32 s13, s9  }
0xe: {  	s9 =	sshll.u32 s3, $0x9;
	s12 =	sshrl.u32 s10, $0x3;
	s13 =	sor.u32 s6, s10  }
0xf: {  	s15 =	sadd.s32 $0x1000, s10;
	s10 =	sadd.s32 $0x2000, s10;
	s7 =	sadd.s32 s7, s0  }
0x10: {  	s12 =	sadd.s32 s5, s12;
	s14 =	sshrl.u32 s13, $0x3;
	s16 =	sshrl.u32 s15, $0x3  }
0x11: {  	s19 =	sor.u32 s6, s15;
	s21 =	sshrl.u32 s10, $0x3;
	s22 =	sor.u32 s6, s10  }
0x12: {  	s15 =	sshrl.u32 s23, $0x3;
	s10 =	sadd.s32 s11, s24;
	s13 =	sadd.s32 s23, s20  }
0x13: {  	s24 =	smax.u32 s8, $0x1;
	s23 =	sadd.s32 $0x3000, s9;
	s8 =	simm.s32 $0x2000  }
0x14: {  	[dreg:$0x7] =	wrdreg s12;
	s12 =	sadd.s32 s0, s14;
	s14 =	sor.u32 $0x2000, s6  }
0x15: {  	s15 =	sadd.s32 s11, s15;
	s7 =	sadd.s32 $0xC00, s7;
	[dreg:$0x14] =	wrdreg s13  }
0x16: {  	s25 =	sadd.s32 $0x600, s10;
	s28 =	sadd.s32 $0xA00, s10;
	[dreg:$0x8] =	wrdreg s12  }
0x17: {  	s13 =	simm.s32 $0xD600;
	s12 =	sadd.s32 s5, s16;
	[dreg:$0xb] =	wrdreg s15  }
0x18: {  	s5 =	sadd.s32 s5, s21;
	s16 =	sshrl.u32 s14, $0x3;
	[dreg:$0x11] =	wrdreg s7  }
0x19: {  	s15 =	sshll.u32 s3, $0x4;
	s21 =	sadd.s32 $0x7000, s9;
	s3 =	sadd.s32 $0x1000, s20  }
0x1a: {  	s7 =	simm.s32 $0x5000;
	[dreg:$0x9] =	wrdreg s12;
	s12 =	sshrl.u32 s19, $0x3  }
0x1b: {  	[dreg:$0xa] =	wrdreg s5;
	s5 =	sshrl.u32 s22, $0x3;
	s11 =	sadd.s32 s11, s16  }
0x1c: {  	s19 =	sadd.s32 s9, s18;
	s16 =	sadd.s32 s14, s20;
	s22 =	sadd.s32 $0x5000, s9  }
0x1d: {  	s9 =	simm.s32 $0x7000;
	s14 =	simm.s32 $0xFF00;
	[dreg:$0xc] =	wrdreg s11  }
0x1e: {  	s26 =	sadd.s32 s0, s12;
	s5 =	sadd.s32 s0, s5;
	s0 =	sadd.s32 $0x2400, s0  }
0x1f: {  	s11 =	sshll.u32 s2, $0x1;
	s12 =	sadd.s32 s6, s20;
	[dreg:$0x15] =	wrdreg s16  }
0x20: {  	s29 =	sadd.s32 $0x2000, s19;
	s30 =	sadd.s32 $0x4000, s19;
	[dreg:$0xe] =	wrdreg s26  }
0x21: {  	s2 =	simm.s32 $0x1;
	s6 =	simm.s32 $0x1000;
	[dreg:$0xf] =	wrdreg s5  }
0x22: {  	s16 =	simm.s32 $0x11F00;
	[dreg:$0x10] =	wrdreg s0;
	s0 =	sadd.s32 s1, s11  }
0x23: {  	v9 =	vmov s23;
	[dreg:$0x13] =	wrdreg s12;
	s26 =	sadd.s32 $0x800, s10;
	s1 =	sadd.s32 $0x2000, s20  }
0x24: {  	[tilespmem:$0x1FFD0] =	vst v9;
	v11 =	vmov s21;
	s5 =	simm.s32 $0x3000;
	s11 =	simm.s32 $0x9600;
	s12 =	simm.s32 $0xB600  }
0x25: {  	v10 =	vmov s22;
	[tilespmem:$0x1FFF0] =	vst v11;
	[dreg:$0x12] =	wrdreg s0;
	s0 =	sadd.s32 s15, s17;
	s15 =	simm.s32 $0x10F00  }
0x26: {  	[tilespmem:$0x1FFE0] =	vst v10;
	s17 =	simm.s32 $0x0;
	[dreg:$0x16] =	wrdreg s0;
	s0 =	sadd.s32 $0x4000, s18  }
.LBB2_1:
0x27: {  	s18 =	rddreg [dreg:$0x7]  }
0x28: {  	[tilespmem:s4], [sflag:$0x1] =	stream.linear.gather [hbm4b:s18+s4], $0x1000, $0x38;
	[tilespmem:$0x13E10] =	vst v63  }
0x29: {  	_ =	swait.ge [sflag:s2], $0x1000  }
0x2a: {  	[sflag:s2] =	ssyncset.done $0x0  }
0x2b: {  	s22 =	rddreg [dreg:$0x6];
	[sflag:s2] =	ssyncadd.s32 $0xFFFFF000  }
0x2c: {  	[tilespmem:s5], [sflag:$0x1] =	stream.linear.gather [hbm4b:s22+s4], $0x2000, $0x38;
	[tilespmem:$0x13E10] =	vst v63  }
0x2d: {  	_ =	swait.ge [sflag:s2], $0x2000  }
0x2e: {  	[sflag:s2] =	ssyncset.done $0x0  }
0x2f: {  	s20 =	simm.s32 $0x12F00;
	s23 =	rddreg [dreg:$0x8];
	[sflag:s2] =	ssyncadd.s32 $0xFFFFE000  }
0x30: {  	[tilespmem:s20], [sflag:$0x1] =	stream.linear.gather [hbm4b:s23+s4], $0x100, $0x38;
	[tilespmem:$0x13E10] =	vst v63  }
0x31: {  	_ =	swait.ge [sflag:s2], $0x100  }
0x32: {  	[sflag:s2] =	ssyncset.done $0x0  }
0x33: {  	s20 =	rddreg [dreg:$0x9];
	[sflag:s2] =	ssyncadd.s32 $0xFFFFFF00  }
0x34: {  	[tilespmem:s6], [sflag:$0x1] =	stream.linear.gather [hbm4b:s20+s4], $0x1000, $0x38;
	[tilespmem:$0x13E10] =	vst v63  }
0x35: {  	_ =	swait.ge [sflag:s2], $0x1000  }
0x36: {  	[sflag:s2] =	ssyncset.done $0x0  }
0x37: {  	s21 =	rddreg [dreg:$0xd];
	[sflag:s2] =	ssyncadd.s32 $0xFFFFF000  }
0x38: {  	[tilespmem:s7], [sflag:$0x1] =	stream.linear.gather [hbm4b:s21+s4], $0x2000, $0x38;
	[tilespmem:$0x13E10] =	vst v63  }
0x39: {  	_ =	swait.ge [sflag:s2], $0x2000  }
0x3a: {  	[sflag:s2] =	ssyncset.done $0x0  }
0x3b: {  	s23 =	simm.s32 $0x13000;
	s22 =	rddreg [dreg:$0xe];
	[sflag:s2] =	ssyncadd.s32 $0xFFFFE000  }
0x3c: {  	[tilespmem:s23], [sflag:$0x1] =	stream.linear.gather [hbm4b:s22+s4], $0x100, $0x38;
	[tilespmem:$0x13E10] =	vst v63  }
0x3d: {  	_ =	swait.ge [sflag:s2], $0x100  }
0x3e: {  	[sflag:s2] =	ssyncset.done $0x0  }
0x3f: {  	s20 =	rddreg [dreg:$0xa];
	[sflag:s2] =	ssyncadd.s32 $0xFFFFFF00  }
0x40: {  	[tilespmem:s8], [sflag:$0x1] =	stream.linear.gather [hbm4b:s20+s4], $0x1000, $0x38;
	[tilespmem:$0x13E10] =	vst v63  }
0x41: {  	_ =	swait.ge [sflag:s2], $0x1000  }
0x42: {  	[sflag:s2] =	ssyncset.done $0x0  }
0x43: {  	s21 =	rddreg [dreg:$0x10];
	[sflag:s2] =	ssyncadd.s32 $0xFFFFF000  }
0x44: {  	[tilespmem:s9], [sflag:$0x1] =	stream.linear.gather [hbm4b:s21+s4], $0x2000, $0x38;
	[tilespmem:$0x13E10] =	vst v63  }
0x45: {  	_ =	swait.ge [sflag:s2], $0x2000  }
0x46: {  	[sflag:s2] =	ssyncset.done $0x0  }
0x47: {  	s23 =	simm.s32 $0x13100;
	s22 =	rddreg [dreg:$0xf];
	[sflag:s2] =	ssyncadd.s32 $0xFFFFE000  }
0x48: {  	[tilespmem:s23], [sflag:$0x1] =	stream.linear.gather [hbm4b:s22+s4], $0x100, $0x38;
	[tilespmem:$0x13E10] =	vst v63  }
0x49: {  	_ =	swait.ge [sflag:s2], $0x100  }
0x4a: {  	[sflag:s2] =	ssyncset.done $0x0  }
0x4b: {  	s21 =	simm.s32 $0xF600;
	[sflag:s2] =	ssyncadd.s32 $0xFFFFFF00  }
0x4c: {  	[tilespmem:s21], [sflag:$0x1] =	stream.linear.gather [hbm4b:s10+s4], $0x100, $0x38;
	[tilespmem:$0x13E10] =	vst v63  }
0x4d: {  	_ =	swait.ge [sflag:s2], $0x100  }
0x4e: {  	[sflag:s2] =	ssyncset.done $0x0  }
0x4f: {  	s23 =	simm.s32 $0xF700;
	s22 =	rddreg [dreg:$0xb];
	[sflag:s2] =	ssyncadd.s32 $0xFFFFFF00  }
0x50: {  	[tilespmem:s23], [sflag:$0x1] =	stream.linear.gather [hbm4b:s22+s4], $0x100, $0x38;
	[tilespmem:$0x13E10] =	vst v63  }
0x51: {  	_ =	swait.ge [sflag:s2], $0x100  }
0x52: {  	[sflag:s2] =	ssyncset.done $0x0  }
0x53: {  	s22 =	simm.s32 $0xF800;
	s21 =	rddreg [dreg:$0xc];
	[sflag:s2] =	ssyncadd.s32 $0xFFFFFF00  }
0x54: {  	[tilespmem:s22], [sflag:$0x1] =	stream.linear.gather [hbm4b:s21+s4], $0x100, $0x38;
	[tilespmem:$0x13E10] =	vst v63  }
0x55: {  	_ =	swait.ge [sflag:s2], $0x100  }
0x56: {  	[sflag:s2] =	ssyncset.done $0x0  }
0x57: {  	s23 =	simm.s32 $0xF900;
	[sflag:s2] =	ssyncadd.s32 $0xFFFFFF00  }
0x58: {  	[tilespmem:s23], [sflag:$0x1] =	stream.linear.gather [hbm4b:s25+s4], $0x100, $0x38;
	[tilespmem:$0x13E10] =	vst v63  }
0x59: {  	_ =	swait.ge [sflag:s2], $0x100  }
0x5a: {  	[sflag:s2] =	ssyncset.done $0x0  }
0x5b: {  	s20 =	simm.s32 $0xFA00;
	[sflag:s2] =	ssyncadd.s32 $0xFFFFFF00  }
0x5c: {  	[tilespmem:s20], [sflag:$0x1] =	stream.linear.gather [hbm4b:s26+s4], $0x100, $0x38;
	[tilespmem:$0x13E10] =	vst v63  }
0x5d: {  	_ =	swait.ge [sflag:s2], $0x100  }
0x5e: {  	[sflag:s2] =	ssyncset.done $0x0  }
0x5f: {  	s21 =	simm.s32 $0xFB00;
	[sflag:s2] =	ssyncadd.s32 $0xFFFFFF00  }
0x60: {  	[tilespmem:s21], [sflag:$0x1] =	stream.linear.gather [hbm4b:s28+s4], $0x100, $0x38;
	[tilespmem:$0x13E10] =	vst v63  }
0x61: {  	_ =	swait.ge [sflag:s2], $0x100  }
0x62: {  	[sflag:s2] =	ssyncset.done $0x0  }
0x63: {  	s23 =	simm.s32 $0x13200;
	s22 =	rddreg [dreg:$0x11];
	[sflag:s2] =	ssyncadd.s32 $0xFFFFFF00  }
0x64: {  	[tilespmem:s23], [sflag:$0x1] =	stream.linear.gather [hbm4b:s22+s4], $0x100, $0x38;
	[tilespmem:$0x13E10] =	vst v63  }
0x65: {  	_ =	swait.ge [sflag:s2], $0x100  }
0x66: {  	[sflag:s2] =	ssyncset.done $0x0  }
0x67: {  	s18 =	simm.s32 $0x0;
	[sflag:s2] =	ssyncadd.s32 $0xFFFFFF00  }
0x68: {  	v0 =	vld.idx.msk [tilespmem:v11+s18+$0x0 ss:$0x1], $0xffff;
	_ =	sdelay $0x2  }
0x69: {  	v1 =	vld.idx.msk [tilespmem:v9+s18+$0x0 ss:$0x1], $0xffff  }
0x6a: {  	v2 =	vld.idx.msk [tilespmem:v10+s18+$0x0 ss:$0x1], $0xffff;
	_ =	sdelay $0x3  }
0x6b: {  	v3 =	vld.idx.msk [tilespmem:v0+s4+$0x0], $0xffff  }
0x6c: {  	v4 =	vld.idx.msk [tilespmem:v0+s6+$0x0], $0xffff  }
0x6d: {  	v0 =	vld.idx.msk [tilespmem:v0+s8+$0x0], $0xffff  }
0x6e: {  	v5 =	vld.idx.msk [tilespmem:v1+s8+$0x0], $0xffff  }
0x6f: {  	v6 =	vld.idx.msk [tilespmem:v2+s8+$0x0], $0xffff  }
0x70: {  	v7 =	vld.idx.msk [tilespmem:v1+s4+$0x0], $0xffff  }
0x71: {  	v1 =	vld.idx.msk [tilespmem:v1+s6+$0x0], $0xffff  }
0x72: {  	v8 =	vld.idx.msk [tilespmem:v2+s6+$0x0], $0xffff  }
0x73: {  	v2 =	vld.idx.msk [tilespmem:v2+s4+$0x0], $0xffff;
	_ =	sdelay $0x2  }
0x74: {  	v0 =	vsub.f32 v0, v5;
	v3 =	vsub.f32 v3, v7  }
0x75: {  	v5 =	vsub.f32 v6, v5;
	v4 =	vsub.f32 v4, v1  }
0x76: {  	v1 =	vsub.f32 v8, v1;
	v2 =	vsub.f32 v2, v7  }
0x77: {  	v6 =	vmul.f32 v4, v5;
	v5 =	vmul.f32 v3, v5  }
0x78: {  	v58 =	vmul.f32 v0, v1;
	v8 =	vmul.f32 v0, v2  }
0x79: {  	v3 =	vmul.f32 v3, v1  }
0x7a: {  	v2 =	vmul.f32 v4, v2;
	v0 =	vsub.f32 v58, v6;
	v1 =	vsub.f32 v5, v8;
	_ =	sdelay $0x1  }
0x7b: {  	v2 =	vsub.f32 v2, v3;
	v3 =	vmul.f32 v0, v0;
	v59 =	vmul.f32 v1, v1;
	_ =	sdelay $0x1  }
0x7c: {  	v60 =	vmul.f32 v2, v2;
	v3 =	vadd.f32 v59, v3;
	_ =	sdelay $0x1  }
0x7d: {  	v3 =	vadd.f32 v3, v60;
	_ =	sdelay $0x1  }
0x7e: {  	v3 =	vmax.f32 v3, $1.000000000e-30  }
0x7f: {  	v61 =	vshra.s32 v3, $0x1;
	v62 =	vmul.f32 $5.000000000e-01, v3  }
0x80: {  	v4 =	vsub.s32 $0x5F3759DF, v61  }
0x81: {  	v63 =	vmul.f32 v4, v62;
	_ =	sdelay $0x1  }
0x82: {  	v6 =	vmul.f32 v4, v63;
	_ =	sdelay $0x1  }
0x83: {  	v6 =	vsub.f32 $1.500000000e+00, v6;
	_ =	sdelay $0x1  }
0x84: {  	v4 =	vmul.f32 v4, v6;
	_ =	sdelay $0x1  }
0x85: {  	v6 =	vmul.f32 v4, v62;
	_ =	sdelay $0x1  }
0x86: {  	v6 =	vmul.f32 v6, v4;
	_ =	sdelay $0x1  }
0x87: {  	v6 =	vsub.f32 $1.500000000e+00, v6;
	_ =	sdelay $0x1  }
0x88: {  	v4 =	vmul.f32 v6, v4;
	_ =	sdelay $0x1  }
0x89: {  	v5 =	vmul.f32 v4, v62;
	_ =	sdelay $0x1  }
0x8a: {  	v5 =	vmul.f32 v5, v4;
	_ =	sdelay $0x1  }
0x8b: {  	v5 =	vsub.f32 $1.500000000e+00, v5;
	_ =	sdelay $0x1  }
0x8c: {  	v4 =	vmul.f32 v5, v4;
	_ =	sdelay $0x1  }
0x8d: {  	v3 =	vmul.f32 v4, v3;
	_ =	sdelay $0x1  }
0x8e: {  	v3 =	vadd.f32 $1.000000010e-10, v3;
	_ =	sdelay $0x1  }
0x8f: {  	s20 =	simm.s32 $0x40;
	(erf) = vrcp.f32 v3  }
.LBB2_2:
0x90: {  	_ =	sdelay $0x2  }
0x91: {  	p1 =	sne.s32 s20, $0x7C0;
	s21 =	smov.u32 s20;
	s20 =	sadd.s32 $0x40, s20  }
0x92: {  	_ =	sdelay $0x3  }
0x93: {  	v3 =	vpop (erf)  }
0x94: {  	v0 =	vmul.f32 v3, v0;
	v1 =	vmul.f32 v3, v1  }
0x95: {  	v2 =	vmul.f32 v3, v2  }
0x96: {  	[tilespmem:s18+$0x9000] =	vst v0  }
0x97: {  	[tilespmem:s18+$0x9400] =	vst v2  }
0x98: {  	[tilespmem:s18+$0x9200] =	vst v1;
	s18 =	sshra.s32 s21, $0x2  }
0x99: {  	v0 =	vld.idx.msk [tilespmem:v11+s18+$0x0 ss:$0x1], $0xffff  }
0x9a: {  	v1 =	vld.idx.msk [tilespmem:v9+s18+$0x0 ss:$0x1], $0xffff  }
0x9b: {  	v2 =	vld.idx.msk [tilespmem:v10+s18+$0x0 ss:$0x1], $0xffff;
	_ =	sdelay $0x5  }
0x9c: {  	v3 =	vld.idx.msk [tilespmem:v0+s4+$0x0], $0xffff  }
0x9d: {  	v4 =	vld.idx.msk [tilespmem:v0+s6+$0x0], $0xffff  }
0x9e: {  	v0 =	vld.idx.msk [tilespmem:v0+s8+$0x0], $0xffff  }
0x9f: {  	v5 =	vld.idx.msk [tilespmem:v1+s8+$0x0], $0xffff  }
0xa0: {  	v6 =	vld.idx.msk [tilespmem:v2+s8+$0x0], $0xffff  }
0xa1: {  	v7 =	vld.idx.msk [tilespmem:v1+s4+$0x0], $0xffff  }
0xa2: {  	v1 =	vld.idx.msk [tilespmem:v1+s6+$0x0], $0xffff  }
0xa3: {  	v8 =	vld.idx.msk [tilespmem:v2+s6+$0x0], $0xffff  }
0xa4: {  	v2 =	vld.idx.msk [tilespmem:v2+s4+$0x0], $0xffff  }
0xa5: {  	v0 =	vsub.f32 v0, v5;
	_ =	sdelay $0x1  }
0xa6: {  	v3 =	vsub.f32 v3, v7  }
0xa7: {  	v5 =	vsub.f32 v6, v5;
	v4 =	vsub.f32 v4, v1  }
0xa8: {  	v1 =	vsub.f32 v8, v1  }
0xa9: {  	v2 =	vsub.f32 v2, v7;
	v6 =	vmul.f32 v4, v5;
	v5 =	vmul.f32 v3, v5  }
0xaa: {  	v7 =	vmul.f32 v0, v1  }
0xab: {  	v3 =	vmul.f32 v3, v1;
	v8 =	vmul.f32 v0, v2  }
0xac: {  	v2 =	vmul.f32 v4, v2;
	v0 =	vsub.f32 v7, v6  }
0xad: {  	v1 =	vsub.f32 v5, v8  }
0xae: {  	v2 =	vsub.f32 v2, v3  }
0xaf: {  	v3 =	vmul.f32 v0, v0;
	v4 =	vmul.f32 v1, v1;
	_ =	sdelay $0x1  }
0xb0: {  	v3 =	vadd.f32 v4, v3;
	v4 =	vmul.f32 v2, v2;
	_ =	sdelay $0x1  }
0xb1: {  	v3 =	vadd.f32 v3, v4;
	_ =	sdelay $0x1  }
0xb2: {  	v3 =	vmax.f32 v3, $1.000000000e-30  }
0xb3: {  	v4 =	vshra.s32 v3, $0x1;
	v5 =	vmul.f32 $5.000000000e-01, v3  }
0xb4: {  	v4 =	vsub.s32 $0x5F3759DF, v4  }
0xb5: {  	v6 =	vmul.f32 v4, v5;
	_ =	sdelay $0x1  }
0xb6: {  	v6 =	vmul.f32 v4, v6;
	_ =	sdelay $0x1  }
0xb7: {  	v6 =	vsub.f32 $1.500000000e+00, v6;
	_ =	sdelay $0x1  }
0xb8: {  	v4 =	vmul.f32 v4, v6;
	_ =	sdelay $0x1  }
0xb9: {  	v6 =	vmul.f32 v4, v5;
	_ =	sdelay $0x1  }
0xba: {  	v6 =	vmul.f32 v6, v4;
	_ =	sdelay $0x1  }
0xbb: {  	v6 =	vsub.f32 $1.500000000e+00, v6;
	_ =	sdelay $0x1  }
0xbc: {  	v4 =	vmul.f32 v6, v4;
	_ =	sdelay $0x1  }
0xbd: {  	v5 =	vmul.f32 v4, v5;
	_ =	sdelay $0x1  }
0xbe: {  	v5 =	vmul.f32 v5, v4;
	_ =	sdelay $0x1  }
0xbf: {  	v5 =	vsub.f32 $1.500000000e+00, v5;
	_ =	sdelay $0x1  }
0xc0: {  	v4 =	vmul.f32 v5, v4;
	_ =	sdelay $0x1  }
.Ltmp0:
0xc1: {  	v3 =	vmul.f32 v4, v3;
	(pc) =	sbr.rel @p1 .LBB2_2-.Ltmp0, $3  }
0xc2: {  	_ = 	snop  }
0xc3: {  	v3 =	vadd.f32 $1.000000010e-10, v3;
	_ =	sdelay $0x1  }
0xc4: {  	(erf) = vrcp.f32 v3  }
0xc5: {  	_ =	sdelay $0x7  }
0xc6: {  	v3 =	vpop (erf)  }
0xc7: {  	v0 =	vmul.f32 v3, v0  }
0xc8: {  	v2 =	vmul.f32 v3, v2  }
0xc9: {  	v1 =	vmul.f32 v3, v1;
	[tilespmem:s18+$0x9000] =	vst v0  }
0xca: {  	[tilespmem:s18+$0x9400] =	vst v2  }
0xcb: {  	s20 =	simm.s32 $0x9000;
	[tilespmem:s18+$0x9200] =	vst v1  }
0xcc: {  	[spmem:s19] =	stream.linear.scatter [tilespmem:s20], [sflag:$0x1], $0x200, $0x38;
	[tilespmem:$0x13E10] =	vst v63  }
0xcd: {  	_ =	swait.ge [sflag:s2], $0x200  }
0xce: {  	[sflag:s2] =	ssyncset.done $0x0  }
0xcf: {  	s21 =	simm.s32 $0x9200;
	[sflag:s2] =	ssyncadd.s32 $0xFFFFFE00  }
0xd0: {  	[spmem:s29] =	stream.linear.scatter [tilespmem:s21], [sflag:$0x1], $0x200, $0x38;
	[tilespmem:$0x13E10] =	vst v63  }
0xd1: {  	_ =	swait.ge [sflag:s2], $0x200  }
0xd2: {  	[sflag:s2] =	ssyncset.done $0x0  }
0xd3: {  	s22 =	simm.s32 $0x9400;
	[sflag:s2] =	ssyncadd.s32 $0xFFFFFE00  }
0xd4: {  	[spmem:s30] =	stream.linear.scatter [tilespmem:s22], [sflag:$0x1], $0x200, $0x38;
	[tilespmem:$0x13E10] =	vst v63  }
0xd5: {  	_ =	swait.ge [sflag:s2], $0x200  }
0xd6: {  	[sflag:s2] =	ssyncset.done $0x0  }
0xd7: {  	[sflag:s2] =	ssyncadd.s32 $0xFFFFFE00  }
0xd8: {  	[bflag:$0x0] =	sbarrier.arrive $0xFFFF  }
0xd9: {  	s23 =	rddreg [dreg:$0x2]  }
0xda: {  	[tilespmem:s11], [sflag:$0x1] =	stream.linear.gather [spmem:s23], $0x2000, $0x38;
	[tilespmem:$0x13E10] =	vst v63  }
0xdb: {  	_ =	swait.ge [sflag:s2], $0x2000  }
0xdc: {  	[sflag:s2] =	ssyncset.done $0x0  }
0xdd: {  	[sflag:s2] =	ssyncadd.s32 $0xFFFFE000  }
0xde: {  	[tilespmem:s12], [sflag:$0x1] =	stream.linear.gather [spmem:s31], $0x2000, $0x38;
	[tilespmem:$0x13E10] =	vst v63  }
0xdf: {  	_ =	swait.ge [sflag:s2], $0x2000  }
0xe0: {  	[sflag:s2] =	ssyncset.done $0x0  }
0xe1: {  	[sflag:s2] =	ssyncadd.s32 $0xFFFFE000  }
0xe2: {  	[tilespmem:s13], [sflag:$0x1] =	stream.linear.gather [spmem:s0], $0x2000, $0x38;
	[tilespmem:$0x13E10] =	vst v63  }
0xe3: {  	_ =	swait.ge [sflag:s2], $0x2000  }
0xe4: {  	[sflag:s2] =	ssyncset.done $0x0  }
0xe5: {  	s18 =	simm.s32 $0xF700;
	[sflag:s2] =	ssyncadd.s32 $0xFFFFE000  }
0xe6: {  	v0 =	vld [tilespmem:s18+$0xFFFFFF00];
	_ =	sdelay $0x2  }
0xe7: {  	v1 =	vld [tilespmem:s18+$0x0];
	_ =	sdelay $0x1  }
0xe8: {  	vm0 =	vgt.s32 v0, $0x0  }
0xe9: {  	s20 =	simm.s32 $0x0;
	v2 =	vld [tilespmem:s18+$0x100];
	v3 =	vnsel vm0, $0x0, v0  }
0xea: {  	s20 =	sand.u32 $0xF0, s20  }
0xeb: {  	v5 =	vld [tilespmem:s20+$0xFB00];
	vm0 =	vgt.s32 v1, $0x0  }
0xec: {  	v7 =	vld [tilespmem:s20+$0xF900];
	v4 =	vnsel vm0, $0x0, v1  }
0xed: {  	v8 =	vld [tilespmem:s20+$0xFA00]  }
0xee: {  	vm0 =	vgt.s32 v2, $0x0;
	v9 =	vld.idx.msk [tilespmem:v3+s11+$0x0], $0xffff  }
0xef: {  	v6 =	vnsel vm0, $0x0, v2;
	v13 =	vld.idx.msk [tilespmem:v3+s13+$0x0], $0xffff  }
0xf0: {  	v3 =	vld.idx.msk [tilespmem:v3+s12+$0x0], $0xffff  }
0xf1: {  	vm0 =	vgt.s32 v7, $0x0;
	v10 =	vld.idx.msk [tilespmem:v4+s11+$0x0], $0xffff  }
0xf2: {  	v14 =	vnsel vm0, $0x0, v7;
	v15 =	vld.idx.msk [tilespmem:v4+s13+$0x0], $0xffff  }
0xf3: {  	v4 =	vld.idx.msk [tilespmem:v4+s12+$0x0], $0xffff  }
0xf4: {  	vm0 =	vgt.s32 v8, $0x0;
	v11 =	vld.idx.msk [tilespmem:v6+s12+$0x0], $0xffff  }
0xf5: {  	v16 =	vnsel vm0, $0x0, v8;
	vm0 =	vgt.s32 v5, $0x0;
	v12 =	vld.idx.msk [tilespmem:v6+s11+$0x0], $0xffff  }
0xf6: {  	vm1 =	vgt.s32 v1, $0xFFFFFFFF;
	v17 =	vnsel vm0, $0x0, v5;
	vm0 =	vgt.s32 v0, $0xFFFFFFFF;
	v0 =	vld.idx.msk [tilespmem:v6+s13+$0x0], $0xffff  }
0xf7: {  	vm2 =	vgt.s32 v2, $0xFFFFFFFF;
	v52 =	vld.idx.msk [tilespmem:v14+s13+$0x0], $0xffff;
	v9 =	vadd.f32 $0.0e+00, v9;
	v3 =	vadd.f32 $0.0e+00, v3  }
0xf8: {  	v53 =	vld.idx.msk [tilespmem:v14+s12+$0x0], $0xffff;
	v2 =	vadd.f32 $0.0e+00, v13;
	v51 =	vnsel vm1, $0x0, v10;
	v57 =	vnsel vm1, $0x0, v15  }
0xf9: {  	v56 =	vld.idx.msk [tilespmem:v14+s11+$0x0], $0xffff;
	v4 =	vnsel vm1, $0x0, v4;
	vm1 =	vgt.s32 v8, $0xFFFFFFFF;
	v3 =	vnsel vm0, $0x0, v3  }
0xfa: {  	v59 =	vld.idx.msk [tilespmem:v16+s12+$0x0], $0xffff;
	v1 =	vnsel vm0, $0x0, v9;
	v2 =	vnsel vm0, $0x0, v2;
	v3 =	vadd.f32 v4, v3  }
0xfb: {  	v54 =	vnsel vm2, $0x0, v12;
	v60 =	vnsel vm2, $0x0, v11;
	v2 =	vadd.f32 v57, v2;
	v4 =	vld.idx.msk [tilespmem:v16+s13+$0x0], $0xffff  }
0xfc: {  	v0 =	vnsel vm2, $0x0, v0;
	vm0 =	vgt.s32 v7, $0xFFFFFFFF;
	v3 =	vadd.f32 v60, v3  }
0xfd: {  	v55 =	vld.idx.msk [tilespmem:v16+s11+$0x0], $0xffff;
	v1 =	vadd.f32 v51, v1;
	v0 =	vadd.f32 v0, v2;
	v2 =	vnsel vm0, $0x0, v53  }
0xfe: {  	v58 =	vld.idx.msk [tilespmem:v17+s12+$0x0], $0xffff;
	v9 =	vnsel vm0, $0x0, v52;
	v62 =	vnsel vm0, $0x0, v56;
	v2 =	vadd.f32 v2, v3  }
0xff: {  	v61 =	vld.idx.msk [tilespmem:v17+s11+$0x0], $0xffff;
	v1 =	vadd.f32 v54, v1;
	v0 =	vadd.f32 v9, v0;
	v3 =	vnsel vm1, $0x0, v59  }
0x100: {  	vm0 =	vgt.s32 v5, $0xFFFFFFFF;
	v5 =	vadd.f32 v3, v2;
	v2 =	vnsel vm1, $0x0, v4  }
0x101: {  	v1 =	vadd.f32 v62, v1;
	v3 =	vadd.f32 v2, v0;
	v2 =	vld.idx.msk [tilespmem:v17+s13+$0x0], $0xffff  }
0x102: {  	v63 =	vnsel vm1, $0x0, v55  }
0x103: {  	v1 =	vadd.f32 v63, v1  }
0x104: {  	v4 =	vnsel vm0, $0x0, v58;
	v0 =	vnsel vm0, $0x0, v61  }
0x105: {  	s21 =	simm.s32 $0xFD00;
	s22 =	simm.s32 $0x10;
	s20 =	simm.s32 $0xFD00;
	v0 =	vadd.f32 v0, v1;
	v1 =	vadd.f32 v4, v5  }
.LBB2_4:
0x106: {  	p1 =	sne.s32 s22, $0xF0;
	v2 =	vnsel vm0, $0x0, v2;
	s18 =	sadd.s32 $0x10, s18;
	s21 =	sadd.s32 $0x10, s21  }
0x107: {  	s23 =	smov.u32 s22;
	s22 =	sadd.s32 $0x10, s22;
	v2 =	vadd.f32 v2, v3;
	v3 =	vmul.f32 v0, v0;
	v4 =	vmul.f32 v1, v1;
	_ =	sdelay $0x1  }
0x108: {  	v3 =	vadd.f32 v4, v3;
	v4 =	vmul.f32 v2, v2;
	_ =	sdelay $0x1  }
0x109: {  	s23 =	sand.u32 $0xF0, s23;
	v3 =	vadd.f32 v4, v3;
	_ =	sdelay $0x1  }
0x10a: {  	v3 =	vmax.f32 v3, $1.000000000e-30  }
0x10b: {  	v4 =	vshra.s32 v3, $0x1;
	v5 =	vmul.f32 $5.000000000e-01, v3  }
0x10c: {  	v4 =	vsub.s32 $0x5F3759DF, v4  }
0x10d: {  	v6 =	vmul.f32 v4, v5;
	_ =	sdelay $0x1  }
0x10e: {  	v6 =	vmul.f32 v4, v6;
	_ =	sdelay $0x1  }
0x10f: {  	v6 =	vsub.f32 $1.500000000e+00, v6;
	_ =	sdelay $0x1  }
0x110: {  	v4 =	vmul.f32 v4, v6;
	_ =	sdelay $0x1  }
0x111: {  	v6 =	vmul.f32 v4, v5;
	_ =	sdelay $0x1  }
0x112: {  	v6 =	vmul.f32 v6, v4;
	_ =	sdelay $0x1  }
0x113: {  	v6 =	vsub.f32 $1.500000000e+00, v6;
	_ =	sdelay $0x1  }
0x114: {  	v4 =	vmul.f32 v6, v4;
	_ =	sdelay $0x1  }
0x115: {  	v5 =	vmul.f32 v4, v5;
	_ =	sdelay $0x1  }
0x116: {  	v5 =	vmul.f32 v5, v4;
	_ =	sdelay $0x1  }
0x117: {  	v5 =	vsub.f32 $1.500000000e+00, v5;
	_ =	sdelay $0x1  }
0x118: {  	v4 =	vmul.f32 v5, v4;
	_ =	sdelay $0x1  }
0x119: {  	v3 =	vmul.f32 v4, v3;
	_ =	sdelay $0x1  }
0x11a: {  	v3 =	vadd.f32 $1.000000010e-10, v3;
	_ =	sdelay $0x1  }
0x11b: {  	(erf) = vrcp.f32 v3;
	_ =	sdelay $0x8  }
0x11c: {  	v3 =	vpop (erf)  }
0x11d: {  	v0 =	vmul.f32 v3, v0;
	v1 =	vmul.f32 v3, v1  }
0x11e: {  	v2 =	vmul.f32 v3, v2  }
0x11f: {  	[tilespmem:s20+$0x0] =	vst v1  }
0x120: {  	[tilespmem:s20+$0xFFFFFF00] =	vst v0  }
0x121: {  	[tilespmem:s20+$0x100] =	vst v2;
	s20 =	smov.u32 s21  }
0x122: {  	v0 =	vld [tilespmem:s18+$0xFFFFFF00]  }
0x123: {  	v1 =	vld [tilespmem:s18+$0x0]  }
0x124: {  	v2 =	vld [tilespmem:s18+$0x100];
	_ =	sdelay $0x2  }
0x125: {  	vm0 =	vgt.s32 v0, $0x0  }
0x126: {  	v3 =	vnsel vm0, $0x0, v0;
	vm0 =	vgt.s32 v1, $0x0  }
0x127: {  	v4 =	vnsel vm0, $0x0, v1;
	vm0 =	vgt.s32 v2, $0x0;
	v5 =	vld [tilespmem:s23+$0xFB00]  }
0x128: {  	v6 =	vnsel vm0, $0x0, v2;
	v7 =	vld [tilespmem:s23+$0xFA00]  }
0x129: {  	v8 =	vld [tilespmem:s23+$0xF900];
	_ =	sdelay $0x1  }
0x12a: {  	v9 =	vld.idx.msk [tilespmem:v3+s11+$0x0], $0xffff  }
0x12b: {  	v10 =	vld.idx.msk [tilespmem:v4+s11+$0x0], $0xffff;
	vm0 =	vgt.s32 v5, $0x0  }
0x12c: {  	v11 =	vld.idx.msk [tilespmem:v6+s12+$0x0], $0xffff;
	vm1 =	vgt.s32 v7, $0x0;
	v12 =	vnsel vm0, $0x0, v5  }
0x12d: {  	v13 =	vld.idx.msk [tilespmem:v6+s11+$0x0], $0xffff;
	vm0 =	vgt.s32 v8, $0x0;
	v14 =	vnsel vm1, $0x0, v7  }
0x12e: {  	v15 =	vld.idx.msk [tilespmem:v3+s13+$0x0], $0xffff;
	v16 =	vnsel vm0, $0x0, v8  }
0x12f: {  	v17 =	vld.idx.msk [tilespmem:v4+s13+$0x0], $0xffff  }
0x130: {  	v9 =	vadd.f32 $0.0e+00, v9;
	v3 =	vld.idx.msk [tilespmem:v3+s12+$0x0], $0xffff  }
0x131: {  	vm1 =	vgt.s32 v1, $0xFFFFFFFF;
	vm0 =	vgt.s32 v0, $0xFFFFFFFF;
	v0 =	vld.idx.msk [tilespmem:v4+s12+$0x0], $0xffff  }
0x132: {  	v1 =	vnsel vm0, $0x0, v9;
	v4 =	vnsel vm1, $0x0, v10;
	v6 =	vld.idx.msk [tilespmem:v6+s13+$0x0], $0xffff  }
0x133: {  	vm2 =	vgt.s32 v2, $0xFFFFFFFF;
	v1 =	vadd.f32 v4, v1;
	v2 =	vld.idx.msk [tilespmem:v16+s13+$0x0], $0xffff  }
0x134: {  	v9 =	vnsel vm2, $0x0, v13;
	v4 =	vadd.f32 $0.0e+00, v15;
	v10 =	vld.idx.msk [tilespmem:v16+s12+$0x0], $0xffff  }
0x135: {  	v1 =	vadd.f32 v9, v1;
	v9 =	vld.idx.msk [tilespmem:v14+s11+$0x0], $0xffff  }
0x136: {  	v13 =	vnsel vm1, $0x0, v17;
	v3 =	vadd.f32 $0.0e+00, v3;
	v4 =	vnsel vm0, $0x0, v4;
	v15 =	vld.idx.msk [tilespmem:v16+s11+$0x0], $0xffff  }
0x137: {  	v0 =	vnsel vm1, $0x0, v0;
	v4 =	vadd.f32 v13, v4;
	v13 =	vld.idx.msk [tilespmem:v12+s12+$0x0], $0xffff  }
0x138: {  	v3 =	vnsel vm0, $0x0, v3;
	v6 =	vnsel vm2, $0x0, v6;
	vm0 =	vgt.s32 v8, $0xFFFFFFFF;
	v8 =	vld.idx.msk [tilespmem:v14+s12+$0x0], $0xffff  }
0x139: {  	vm1 =	vgt.s32 v7, $0xFFFFFFFF;
	v0 =	vadd.f32 v0, v3;
	v2 =	vnsel vm0, $0x0, v2;
	v3 =	vld.idx.msk [tilespmem:v14+s13+$0x0], $0xffff  }
0x13a: {  	v7 =	vnsel vm2, $0x0, v11;
	v4 =	vadd.f32 v6, v4;
	v6 =	vnsel vm0, $0x0, v10;
	v10 =	vld.idx.msk [tilespmem:v12+s11+$0x0], $0xffff  }
0x13b: {  	v0 =	vadd.f32 v7, v0;
	v7 =	vnsel vm1, $0x0, v9  }
0x13c: {  	v4 =	vadd.f32 v2, v4;
	v9 =	vnsel vm0, $0x0, v15;
	v2 =	vld.idx.msk [tilespmem:v12+s13+$0x0], $0xffff  }
.Ltmp1:
0x13d: {  	v1 =	vadd.f32 v9, v1;
	v0 =	vadd.f32 v6, v0;
	(pc) =	sbr.rel @p1 .LBB2_4-.Ltmp1, $4  }
0x13e: {  	vm0 =	vgt.s32 v5, $0xFFFFFFFF;
	v6 =	vnsel vm1, $0x0, v8  }
0x13f: {  	v1 =	vadd.f32 v7, v1;
	v5 =	vadd.f32 v6, v0;
	v0 =	vnsel vm1, $0x0, v3  }
0x140: {  	v3 =	vadd.f32 v0, v4;
	v0 =	vnsel vm0, $0x0, v10;
	v4 =	vnsel vm0, $0x0, v13  }
0x141: {  	v0 =	vadd.f32 v0, v1;
	v1 =	vadd.f32 v4, v5  }
0x142: {  	v2 =	vnsel vm0, $0x0, v2  }
0x143: {  	v2 =	vadd.f32 v2, v3;
	v3 =	vmul.f32 v0, v0;
	v4 =	vmul.f32 v1, v1;
	_ =	sdelay $0x1  }
0x144: {  	v3 =	vadd.f32 v4, v3;
	v4 =	vmul.f32 v2, v2;
	_ =	sdelay $0x1  }
0x145: {  	v3 =	vadd.f32 v4, v3;
	_ =	sdelay $0x1  }
0x146: {  	v3 =	vmax.f32 v3, $1.000000000e-30  }
0x147: {  	v4 =	vshra.s32 v3, $0x1;
	v5 =	vmul.f32 $5.000000000e-01, v3  }
0x148: {  	v4 =	vsub.s32 $0x5F3759DF, v4  }
0x149: {  	v6 =	vmul.f32 v4, v5;
	_ =	sdelay $0x1  }
0x14a: {  	v6 =	vmul.f32 v4, v6;
	_ =	sdelay $0x1  }
0x14b: {  	v6 =	vsub.f32 $1.500000000e+00, v6;
	_ =	sdelay $0x1  }
0x14c: {  	v4 =	vmul.f32 v4, v6;
	_ =	sdelay $0x1  }
0x14d: {  	v6 =	vmul.f32 v4, v5;
	_ =	sdelay $0x1  }
0x14e: {  	v6 =	vmul.f32 v6, v4;
	_ =	sdelay $0x1  }
0x14f: {  	v6 =	vsub.f32 $1.500000000e+00, v6;
	_ =	sdelay $0x1  }
0x150: {  	v4 =	vmul.f32 v6, v4;
	_ =	sdelay $0x1  }
0x151: {  	v5 =	vmul.f32 v4, v5;
	_ =	sdelay $0x1  }
0x152: {  	v5 =	vmul.f32 v5, v4;
	_ =	sdelay $0x1  }
0x153: {  	v5 =	vsub.f32 $1.500000000e+00, v5;
	_ =	sdelay $0x1  }
0x154: {  	v4 =	vmul.f32 v5, v4;
	_ =	sdelay $0x1  }
0x155: {  	v3 =	vmul.f32 v4, v3;
	_ =	sdelay $0x1  }
0x156: {  	v3 =	vadd.f32 $1.000000010e-10, v3;
	_ =	sdelay $0x1  }
0x157: {  	(erf) = vrcp.f32 v3;
	_ =	sdelay $0x8  }
0x158: {  	v3 =	vpop (erf)  }
0x159: {  	v1 =	vmul.f32 v3, v1  }
0x15a: {  	v0 =	vmul.f32 v3, v0  }
0x15b: {  	v2 =	vmul.f32 v3, v2;
	[tilespmem:s20+$0x0] =	vst v1  }
0x15c: {  	[tilespmem:s20+$0xFFFFFF00] =	vst v0  }
0x15d: {  	s18 =	rddreg [dreg:$0x13];
	s21 =	simm.s32 $0xFC00;
	[tilespmem:s20+$0x100] =	vst v2  }
0x15e: {  	[spmem:s18] =	stream.linear.scatter [tilespmem:s21], [sflag:$0x1], $0x100, $0x38;
	[tilespmem:$0x13E10] =	vst v63  }
0x15f: {  	_ =	swait.ge [sflag:s2], $0x100  }
0x160: {  	[sflag:s2] =	ssyncset.done $0x0  }
0x161: {  	s23 =	simm.s32 $0xFD00;
	s22 =	rddreg [dreg:$0x14];
	[sflag:s2] =	ssyncadd.s32 $0xFFFFFF00  }
0x162: {  	[spmem:s22] =	stream.linear.scatter [tilespmem:s23], [sflag:$0x1], $0x100, $0x38;
	[tilespmem:$0x13E10] =	vst v63  }
0x163: {  	_ =	swait.ge [sflag:s2], $0x100  }
0x164: {  	[sflag:s2] =	ssyncset.done $0x0  }
0x165: {  	s22 =	simm.s32 $0xFE00;
	s21 =	rddreg [dreg:$0x15];
	[sflag:s2] =	ssyncadd.s32 $0xFFFFFF00  }
0x166: {  	[spmem:s21] =	stream.linear.scatter [tilespmem:s22], [sflag:$0x1], $0x100, $0x38;
	[tilespmem:$0x13E10] =	vst v63  }
0x167: {  	_ =	swait.ge [sflag:s2], $0x100  }
0x168: {  	[sflag:s2] =	ssyncset.done $0x0  }
0x169: {  	[sflag:s2] =	ssyncadd.s32 $0xFFFFFF00  }
0x16a: {  	[bflag:$0x0] =	sbarrier.arrive $0xFFFF  }
0x16b: {  	s23 =	rddreg [dreg:$0x3]  }
0x16c: {  	[tilespmem:s14], [sflag:$0x1] =	stream.linear.gather [spmem:s23], $0x1000, $0x38;
	[tilespmem:$0x13E10] =	vst v63  }
0x16d: {  	_ =	swait.ge [sflag:s2], $0x1000  }
0x16e: {  	[sflag:s2] =	ssyncset.done $0x0  }
0x16f: {  	[sflag:s2] =	ssyncadd.s32 $0xFFFFF000  }
0x170: {  	[tilespmem:s15], [sflag:$0x1] =	stream.linear.gather [spmem:s3], $0x1000, $0x38;
	[tilespmem:$0x13E10] =	vst v63  }
0x171: {  	_ =	swait.ge [sflag:s2], $0x1000  }
0x172: {  	[sflag:s2] =	ssyncset.done $0x0  }
0x173: {  	[sflag:s2] =	ssyncadd.s32 $0xFFFFF000  }
0x174: {  	[tilespmem:s16], [sflag:$0x1] =	stream.linear.gather [spmem:s1], $0x1000, $0x38;
	[tilespmem:$0x13E10] =	vst v63  }
0x175: {  	_ =	swait.ge [sflag:s2], $0x1000  }
0x176: {  	[sflag:s2] =	ssyncset.done $0x0  }
0x177: {  	s20 =	simm.s32 $0x13200;
	[sflag:s2] =	ssyncadd.s32 $0xFFFFF000  }
0x178: {  	v1 =	vld [tilespmem:s20+$0x0];
	_ =	sdelay $0x7  }
0x179: {  	v2 =	vld.idx.msk [tilespmem:v1+s5+$0x0], $0xffff  }
0x17a: {  	v4 =	vld.idx.msk [tilespmem:v1+s7+$0x0], $0xffff  }
0x17b: {  	v12 =	vld.idx.msk [tilespmem:v1+s9+$0x0], $0xffff;
	_ =	sdelay $0x1  }
0x17c: {  	s21 =	simm.s32 $0x0  }
0x17d: {  	s18 =	sand.u32 $0xF0, s21  }
0x17e: {  	s22 =	simm.s32 $0x12F00;
	v7 =	vld [tilespmem:s18+$0x13100]  }
0x17f: {  	v10 =	vld [tilespmem:s22+$0x0]  }
0x180: {  	v0 =	vld.idx.msk [tilespmem:v2+s8+$0x0], $0xffff  }
0x181: {  	v14 =	vld.idx.msk [tilespmem:v4+s8+$0x0], $0xffff  }
0x182: {  	v9 =	vld.idx.msk [tilespmem:v12+s8+$0x0], $0xffff  }
0x183: {  	v8 =	vld.idx.msk [tilespmem:v2+s4+$0x0], $0xffff  }
0x184: {  	v11 =	vld.idx.msk [tilespmem:v2+s6+$0x0], $0xffff  }
0x185: {  	v15 =	vld.idx.msk [tilespmem:v4+s4+$0x0], $0xffff  }
0x186: {  	v17 =	vld.idx.msk [tilespmem:v4+s6+$0x0], $0xffff  }
0x187: {  	v5 =	vld.idx.msk [tilespmem:v12+s4+$0x0], $0xffff  }
0x188: {  	v18 =	vld.idx.msk [tilespmem:v12+s6+$0x0], $0xffff  }
0x189: {  	v6 =	vld [tilespmem:s18+$0x13000];
	v19 =	vsub.f32 v14, v0  }
0x18a: {  	v20 =	vsub.f32 v9, v0;
	[tilespmem:$0x1FF20] =	vst v0;
	v0 =	vsub.f32 v7, v0  }
0x18b: {  	v3 =	vsub.f32 v7, v14;
	v16 =	vsub.f32 v15, v8  }
0x18c: {  	v13 =	vsub.f32 v17, v11;
	v37 =	vsub.f32 v5, v8  }
0x18d: {  	v21 =	vsub.f32 v18, v11;
	v22 =	vsub.f32 v10, v8  }
0x18e: {  	v23 =	vsub.f32 v6, v11;
	v24 =	vmul.f32 v0, v19;
	v0 =	vmul.f32 v0, v20  }
0x18f: {  	v25 =	vsub.f32 v10, v15;
	v26 =	vmul.f32 v3, v19;
	v27 =	vmul.f32 v22, v16  }
0x190: {  	v28 =	vsub.f32 v6, v17;
	v29 =	vmul.f32 v23, v13;
	v22 =	vmul.f32 v22, v37  }
0x191: {  	v30 =	vsub.f32 v10, v5;
	v23 =	vmul.f32 v23, v21;
	v31 =	vmul.f32 v25, v16  }
0x192: {  	v32 =	vsub.f32 v6, v18;
	v33 =	vmul.f32 v28, v13;
	v25 =	vmul.f32 v25, v37  }
0x193: {  	v34 =	vsub.f32 v7, v9;
	v28 =	vmul.f32 v28, v21;
	v35 =	vmul.f32 v30, v16  }
0x194: {  	v36 =	vmul.f32 v32, v13;
	v30 =	vmul.f32 v30, v37;
	v27 =	vadd.f32 v29, v27  }
0x195: {  	v29 =	vmul.f32 v32, v21;
	v22 =	vadd.f32 v23, v22;
	v23 =	vadd.f32 v33, v31  }
0x196: {  	[tilespmem:$0x1FF50] =	vst v6;
	v3 =	vmul.f32 v3, v20;
	v25 =	vadd.f32 v28, v25;
	v31 =	vadd.f32 v36, v35  }
0x197: {  	v6 =	vmovc v13;
	v56 =	vmul.f32 v34, v20;
	v29 =	vadd.f32 v29, v30;
	v13 =	vadd.f32 v24, v27  }
0x198: {  	[tilespmem:$0x1FF40] =	vst v10;
	v24 =	vmul.f32 v34, v19;
	v10 =	vadd.f32 v0, v22;
	v28 =	vadd.f32 v26, v23  }
0x199: {  	[tilespmem:$0x1FF70] =	vst v16;
	v16 =	vimm.s32 $0x0;
	v0 =	vadd.f32 v3, v25;
	v54 =	vadd.f32 v56, v29  }
0x19a: {  	v3 =	vadd.f32 v24, v31;
	vm3 =	vle.f32 v13, $0.0e+00;
	vm0 =	vle.f32 v10, $0.0e+00  }
0x19b: {  	vm2 =	vge.f32 v28, $0.0e+00;
	vm6 =	vle.f32 v0, v28;
	v22 =	vmul.f32 v0, v13  }
0x19c: {  	v24 =	vmul.f32 v10, v28;
	vm8 =	vge.f32 v13, $0.0e+00;
	vm4 =	vle.f32 v28, $0.0e+00  }
0x19d: {  	vm9 =	vge.f32 v10, $0.0e+00;
	v25 =	vmul.f32 v10, v3;
	v26 =	vmul.f32 v54, v13  }
0x19e: {  	v57 =	vld.idx.msk [tilespmem:v2+s16+$0x0], $0xffff;
	v45 =	vsub.f32 v0, v28;
	v27 =	vmul.f32 v54, v28;
	v29 =	vmul.f32 v0, v3  }
0x19f: {  	v58 =	vld.idx.msk [tilespmem:v2+s14+$0x0], $0xffff;
	vm7 =	vle.f32 v3, v54;
	v3 =	vsub.f32 v3, v54;
	v39 =	vsub.f32 v22, v24  }
0x1a0: {  	vm1 =	vge.f32 v54, $0.0e+00;
	v22 =	vld.idx.msk [tilespmem:v4+s14+$0x0], $0xffff;
	v38 =	vsub.f32 v25, v26;
	v0 =	vsub.f32 v27, v29  }
0x1a1: {  	vm5 =	vle.f32 v54, $0.0e+00;
	vm10 =	vge.f32 v45, $0.0e+00;
	v24 =	vld.idx.msk [tilespmem:v12+s14+$0x0], $0xffff;
	vm11 =	vge.f32 v3, $0.0e+00  }
0x1a2: {  	v26 =	vld.idx.msk [tilespmem:v4+s16+$0x0], $0xffff;
	vm10 =	vmand vm10, vm11;
	vm12 =	vle.f32 v38, $0.0e+00;
	vm13 =	vle.f32 v0, $0.0e+00  }
0x1a3: {  	v27 =	vld.idx.msk [tilespmem:v12+s16+$0x0], $0xffff;
	vm11 =	vle.f32 v39, $0.0e+00;
	vm12 =	vmand vm12, vm5;
	vm5 =	vmand vm10, vm13  }
0x1a4: {  	v4 =	vld.idx.msk [tilespmem:v4+s15+$0x0], $0xffff;
	vm15 =	vmand vm11, vm4;
	vm4 =	vmand vm12, vm9;
	v25 =	vsel vm5, $0x2, v16  }
0x1a5: {  	s18 =	simm.s32 $0x13210;
	v12 =	vld.idx.msk [tilespmem:v12+s15+$0x0], $0xffff;
	vm13 =	vmneg vm3;
	vm3 =	vmand vm15, vm8;
	v25 =	vsel vm4, $0x3, v25  }
0x1a6: {  	v23 =	vld [tilespmem:s18+$0x0];
	vm0 =	vmneg vm0;
	vm1 =	vmand vm1, vm7;
	v25 =	vsel vm3, $0x1, v25  }
0x1a7: {  	v31 =	vld.idx.msk [tilespmem:v1+s13+$0x0], $0xffff;
	vm2 =	vmand vm2, vm6;
	vm0 =	vmor vm13, vm0;
	v25 =	vsel vm1, $0x6, v25  }
0x1a8: {  	v29 =	vld.idx.msk [tilespmem:v1+s11+$0x0], $0xffff;
	vm7 =	vmand vm0, vm2;
	v25 =	vsel vm2, $0x5, v25  }
0x1a9: {  	v1 =	vld.idx.msk [tilespmem:v1+s12+$0x0], $0xffff;
	v59 =	vsel vm7, v22, v24;
	v60 =	vsel vm7, v26, v27;
	v25 =	vnsel vm0, $0x4, v25  }
0x1aa: {  	v2 =	vld.idx.msk [tilespmem:v2+s15+$0x0], $0xffff;
	v62 =	vsel vm7, v4, v12;
	vm6 =	vgt.u32 v25, $0x3;
	v61 =	vadd.s32 $0xFFFFFFFF, v25  }
0x1ab: {  	vm14 =	veq.s32 v25, $0x0;
	v41 =	vmax.u32 v25, $0x1;
	vm15 =	vlt.u32 v25, $0x5  }
0x1ac: {  	v25 =	vand.u32 $0xFF, v25;
	v42 =	vnsel vm14, $0x0, v31;
	v46 =	vsel vm15, v57, v60  }
0x1ad: {  	vm7 =	vlt.u32 v61, $0x3;
	v31 =	vmulhi.u32 $0x55555556, v25;
	v29 =	vnsel vm14, $0x0, v29  }
0x1ae: {  	v40 =	vld.idx.msk [tilespmem:v23+s7+$0x0], $0xffff;
	v63 =	vmin.u32 v41, $0x3;
	v1 =	vnsel vm14, $0x0, v1;
	v35 =	vsel vm15, v58, v59  }
0x1af: {  	[tilespmem:$0x1FF80] =	vst v37;
	v37 =	vsel vm15, v2, v62;
	v36 =	vadd.s32 $0xFFFFFFFF, v63;
	v31 =	vmul.u32 $0x3, v31  }
0x1b0: {  	v29 =	vsel vm6, v35, v29;
	vm12 =	veq.s32 v36, $0x0;
	vm13 =	veq.s32 v36, $0x1  }
0x1b1: {  	v33 =	vld.idx.msk [tilespmem:v23+s5+$0x0], $0xffff;
	v44 =	vsel vm13, v26, v27;
	v25 =	vsub.s32 v25, v31;
	v31 =	vsel vm13, v22, v24  }
0x1b2: {  	v36 =	vsel vm13, v4, v12;
	v31 =	vsel vm12, v58, v31;
	vm14 =	veq.s32 v25, $0x1  }
0x1b3: {  	s20 =	simm.s32 $0x12F10;
	vm15 =	veq.s32 v25, $0x0;
	v22 =	vsel vm14, v22, v24;
	v4 =	vsel vm14, v4, v12  }
0x1b4: {  	[tilespmem:$0x1FF60] =	vst v7;
	v34 =	vld [tilespmem:s20+$0x0];
	v12 =	vsel vm15, v58, v22;
	v22 =	vsel vm12, v2, v36;
	v2 =	vsel vm15, v2, v4  }
0x1b5: {  	v41 =	vld.idx.msk [tilespmem:v23+s9+$0x0], $0xffff;
	v4 =	vadd.f32 v31, v12;
	v2 =	vadd.f32 v22, v2;
	v12 =	vsel vm14, v26, v27  }
0x1b6: {  	v7 =	vld.idx.msk [tilespmem:v40+s8+$0x0], $0xffff;
	v1 =	vsel vm6, v37, v1;
	v22 =	vsel vm12, v57, v44;
	v12 =	vsel vm15, v57, v12  }
0x1b7: {  	v32 =	vld.idx.msk [tilespmem:v40+s6+$0x0], $0xffff;
	v12 =	vadd.f32 v22, v12;
	v43 =	vsel vm7, v4, v29;
	v44 =	vsel vm7, v2, v1  }
0x1b8: {  	s23 =	simm.s32 $0x10;
	v37 =	vld.idx.msk [tilespmem:v40+s4+$0x0], $0xffff;
	v1 =	vsel vm6, v46, v42;
	v2 =	vmul.f32 v43, v43;
	v4 =	vmul.f32 v44, v44  }
0x1b9: {  	s21 =	sand.u32 $0xF0, s23;
	v28 =	vsub.f32 v13, v28;
	v25 =	vld.idx.msk [tilespmem:v33+s8+$0x0], $0xffff;
	v46 =	vsel vm7, v12, v1  }
0x1ba: {  	v54 =	vsub.f32 v10, v54;
	v24 =	vld [tilespmem:s21+$0x13100];
	v1 =	vadd.f32 v4, v2;
	v2 =	vmul.f32 v46, v46  }
0x1bb: {  	v28 =	vmax.f32 v28, $9.999999960e-13;
	v3 =	vadd.f32 v3, v45;
	v0 =	vadd.f32 v38, v0;
	v36 =	vld [tilespmem:s21+$0x13000]  }
0x1bc: {  	v54 =	vmax.f32 v54, $9.999999960e-13;
	(erf) = vrcp.f32 v28;
	v27 =	vld.idx.msk [tilespmem:v33+s4+$0x0], $0xffff;
	v1 =	vadd.f32 v1, v2  }
0x1bd: {  	(erf) = vrcp.f32 v54;
	v3 =	vmax.f32 v3, $9.999999960e-13;
	v0 =	vadd.f32 v0, v39;
	v35 =	vld.idx.msk [tilespmem:v41+s6+$0x0], $0xffff  }
0x1be: {  	(erf) = vrcp.f32 v3;
	v29 =	vld.idx.msk [tilespmem:v33+s6+$0x0], $0xffff;
	v55 =	vmax.f32 v1, $1.000000000e-30  }
0x1bf: {  	v0 =	vmax.f32 v0, $9.999999960e-13;
	v42 =	vld.idx.msk [tilespmem:v41+s4+$0x0], $0xffff;
	v1 =	vshra.s32 v55, $0x1;
	v59 =	vmul.f32 $5.000000000e-01, v55  }
0x1c0: {  	(erf) = vrcp.f32 v0;
	v58 =	vsub.f32 v34, v37;
	v1 =	vsub.s32 $0x5F3759DF, v1  }
0x1c1: {  	v49 =	vsub.f32 v7, v25;
	v30 =	vsub.f32 v24, v25;
	v2 =	vmul.f32 v1, v59  }
0x1c2: {  	v60 =	vsub.f32 v36, v32;
	v52 =	vsub.f32 v37, v27;
	v4 =	vimm.f32 $0.0e+00  }
0x1c3: {  	v50 =	vsub.f32 v32, v29;
	v57 =	vsub.f32 v36, v29;
	v2 =	vmul.f32 v1, v2  }
0x1c4: {  	[tilespmem:$0x1FF30] =	vst v8;
	v8 =	vmul.f32 v30, v49;
	v53 =	vsub.f32 v42, v27;
	v51 =	vsub.f32 v35, v29  }
0x1c5: {  	v31 =	vld.idx.msk [tilespmem:v41+s8+$0x0], $0xffff;
	v0 =	vmul.f32 v58, v52;
	v47 =	vmul.f32 v57, v50;
	v2 =	vsub.f32 $1.500000000e+00, v2  }
0x1c6: {  	v61 =	vsub.f32 v34, v42;
	v57 =	vmul.f32 v57, v51;
	v62 =	vmul.f32 v60, v50  }
0x1c7: {  	v3 =	vsub.f32 v36, v35;
	v58 =	vmul.f32 v58, v53;
	v1 =	vmul.f32 v1, v2  }
0x1c8: {  	v56 =	vsub.f32 v34, v27;
	[tilespmem:$0x1FFA0] =	vst v4;
	v60 =	vmul.f32 v60, v51;
	v4 =	vmul.f32 v61, v52  }
0x1c9: {  	v63 =	vadd.f32 v62, v0;
	v0 =	vmul.f32 v3, v50;
	v28 =	vmul.f32 v1, v59  }
0x1ca: {  	v48 =	vsub.f32 v31, v25;
	v2 =	vmul.f32 v56, v52;
	v56 =	vmul.f32 v56, v53  }
0x1cb: {  	v60 =	vadd.f32 v60, v58;
	v0 =	vadd.f32 v0, v4;
	v28 =	vmul.f32 v28, v1  }
0x1cc: {  	v30 =	vmul.f32 v30, v48;
	v57 =	vadd.f32 v57, v56;
	v56 =	vsub.f32 v24, v7  }
0x1cd: {  	v26 =	vmovc v18;
	v3 =	vmul.f32 v3, v51;
	v54 =	vadd.f32 v47, v2;
	v28 =	vsub.f32 $1.500000000e+00, v28  }
0x1ce: {  	v22 =	vmovc v5;
	v47 =	vmul.f32 v56, v49;
	v12 =	vmul.f32 v56, v48;
	v30 =	vadd.f32 v30, v57  }
0x1cf: {  	[tilespmem:$0x1FFC0] =	vst v9;
	v2 =	vmul.f32 v28, v1;
	v28 =	vmul.f32 v61, v53;
	v1 =	vsub.f32 v24, v31;
	v61 =	vpop (erf)  }
0x1d0: {  	[tilespmem:$0x1FF90] =	vst v21;
	v47 =	vadd.f32 v47, v63;
	v57 =	vadd.f32 v12, v60;
	v56 =	vmul.f32 v61, v13;
	v62 =	vpop (erf)  }
0x1d1: {  	v13 =	vmovc v15;
	v3 =	vadd.f32 v3, v28;
	v28 =	vadd.f32 v8, v54;
	v61 =	vmul.f32 v1, v49  }
0x1d2: {  	v8 =	vmovc v14;
	v54 =	vsub.f32 v9, v14;
	v4 =	vmul.f32 v2, v59;
	v58 =	vmul.f32 v62, v10  }
0x1d3: {  	v62 =	vsub.f32 v5, v15;
	v10 =	vmovc v17;
	v1 =	vmul.f32 v1, v48;
	v60 =	vmul.f32 v56, v19  }
0x1d4: {  	[tilespmem:$0x1FFB0] =	vst v7;
	s21 =	simm.s32 $0x20;
	v59 =	vsub.f32 v18, v17;
	v12 =	vpop (erf);
	v4 =	vmul.f32 v4, v2;
	v63 =	vmul.f32 v58, v20  }
.LBB2_6:
0x1d5: {  	v5 =	vld [tilespmem:$0x1FF70]  }
0x1d6: {  	v12 =	vmul.f32 v12, v45;
	v17 =	vld [tilespmem:$0x1FF80]  }
0x1d7: {  	v15 =	vld [tilespmem:$0x1FF90]  }
0x1d8: {  	v9 =	vsub.f32 $1.500000000e+00, v4;
	v54 =	vmul.f32 v12, v54  }
0x1d9: {  	v62 =	vmul.f32 v12, v62;
	v12 =	vmul.f32 v12, v59  }
0x1da: {  	v2 =	vmul.f32 v9, v2;
	v4 =	vpop (erf);
	v45 =	vmul.f32 v56, v5  }
0x1db: {  	v9 =	vld [tilespmem:$0x1FF30];
	v14 =	vmul.f32 v58, v17;
	v38 =	vmul.f32 v4, v38  }
0x1dc: {  	v7 =	vld [tilespmem:$0x1FF20];
	v58 =	vmul.f32 v58, v15;
	v2 =	vmul.f32 v2, v55  }
0x1dd: {  	v4 =	vmul.f32 v4, v39;
	v39 =	vmul.f32 v38, v5  }
0x1de: {  	v55 =	vadd.f32 v58, v11;
	v5 =	vmovc v52;
	v52 =	vmul.f32 v38, v6;
	v58 =	vadd.f32 v62, v13  }
0x1df: {  	v18 =	vadd.f32 $1.000000010e-10, v2;
	v59 =	vmul.f32 v4, v17;
	v38 =	vmul.f32 v38, v19  }
0x1e0: {  	v62 =	vmul.f32 v4, v15;
	v4 =	vmul.f32 v4, v20;
	v39 =	vadd.f32 v39, v9  }
0x1e1: {  	[tilespmem:$0x1FF70] =	vst v5;
	v2 =	vmovc v51;
	v38 =	vadd.f32 v38, v7;
	v5 =	vmov v49;
	v49 =	vadd.f32 v52, v11  }
0x1e2: {  	v51 =	vadd.f32 v54, v8;
	[tilespmem:$0x1FF90] =	vst v2;
	v2 =	vadd.f32 v39, v59  }
0x1e3: {  	v4 =	vadd.f32 v38, v4;
	v59 =	vadd.f32 v49, v62;
	v62 =	vmul.f32 v56, v6;
	v6 =	vld [tilespmem:$0x1FFC0]  }
0x1e4: {  	v63 =	vadd.f32 v63, v7  }
0x1e5: {  	v60 =	vadd.f32 v60, v7;
	v4 =	vsel vm5, v51, v4  }
0x1e6: {  	v4 =	vsel vm4, v63, v4  }
0x1e7: {  	v45 =	vadd.f32 v45, v9;
	v14 =	vadd.f32 v14, v9;
	v4 =	vsel vm3, v60, v4  }
0x1e8: {  	(erf) = vrcp.f32 v18;
	v2 =	vsel vm5, v58, v2;
	v4 =	vsel vm1, v6, v4  }
0x1e9: {  	v2 =	vsel vm4, v14, v2;
	v4 =	vsel vm2, v8, v4;
	v8 =	vld [tilespmem:$0x1FF40]  }
0x1ea: {  	v0 =	vadd.f32 v61, v0;
	v12 =	vadd.f32 v12, v10;
	v2 =	vsel vm3, v45, v2  }
0x1eb: {  	vm6 =	vle.f32 v57, v47;
	v56 =	vadd.f32 v1, v3;
	v2 =	vsel vm1, v22, v2  }
0x1ec: {  	vm9 =	vge.f32 v30, $0.0e+00;
	v12 =	vsel vm5, v12, v59;
	v2 =	vsel vm2, v13, v2  }
0x1ed: {  	v14 =	vadd.f32 v62, v11;
	vm7 =	vge.f32 v56, $0.0e+00;
	v2 =	vsel vm0, v2, v9  }
0x1ee: {  	vm8 =	vle.f32 v0, v56;
	v12 =	vsel vm4, v55, v12;
	v2 =	vsub.f32 v8, v2;
	v8 =	vld [tilespmem:$0x1FF50]  }
0x1ef: {  	v58 =	vsub.f32 v0, v56;
	v12 =	vsel vm3, v14, v12;
	v4 =	vsel vm0, v4, v7;
	v7 =	vld [tilespmem:$0x1FF60]  }
0x1f0: {  	v1 =	vmovc v29;
	vm5 =	vle.f32 v56, $0.0e+00;
	vm4 =	vle.f32 v47, $0.0e+00;
	v12 =	vsel vm1, v26, v12  }
0x1f1: {  	v45 =	vsub.f32 v57, v47;
	vm3 =	vge.f32 v28, $0.0e+00;
	v12 =	vsel vm2, v10, v12;
	v10 =	vpop (erf)  }
0x1f2: {  	v3 =	vmovc v36;
	v29 =	vld.idx.msk [tilespmem:v23+s12+$0x0], $0xffff;
	vm11 =	vge.f32 v58, $0.0e+00;
	v6 =	vsel vm0, v12, v11;
	v11 =	vmul.f32 v10, v43  }
0x1f3: {  	s18 =	sadd.s32 $0x10, s18;
	[tilespmem:$0x1FEF0] =	vst v1;
	v26 =	vmul.f32 v56, v47;
	v12 =	vmul.f32 v10, v44;
	v13 =	vsub.f32 v8, v6  }
0x1f4: {  	vm1 =	vle.f32 v28, $0.0e+00;
	v14 =	vmul.f32 v10, v46;
	[tilespmem:$0x1FF50] =	vst v3;
	v3 =	vld [tilespmem:s18+$0x0];
	v8 =	vsub.f32 v7, v4;
	v4 =	vmovc v24  }
0x1f5: {  	vm10 =	vge.f32 v45, $0.0e+00;
	v2 =	vmul.f32 v11, v2;
	v6 =	vld [tilespmem:$0x1FFB0];
	v7 =	vmovc v27;
	[tilespmem:$0x1FF60] =	vst v4;
	v12 =	vmul.f32 v12, v13  }
0x1f6: {  	vm2 =	vge.f32 v47, $0.0e+00;
	vm10 =	vmand vm10, vm11;
	v11 =	vmovc v32;
	v32 =	vld.idx.msk [tilespmem:v41+s15+$0x0], $0xffff;
	v24 =	vmul.f32 v56, v28;
	[tilespmem:$0x1FF30] =	vst v7  }
0x1f7: {  	v4 =	vmovc v34;
	v1 =	vadd.f32 v12, v2;
	v2 =	vmul.f32 v14, v8;
	v14 =	vmul.f32 v30, v0  }
0x1f8: {  	vm0 =	vle.f32 v30, $0.0e+00;
	v27 =	vmul.f32 v57, v0;
	v7 =	vld [tilespmem:$0x1FFA0];
	[tilespmem:$0x1FF40] =	vst v4;
	v4 =	vmul.f32 v30, v47  }
0x1f9: {  	v12 =	vld.idx.msk [tilespmem:v23+s13+$0x0], $0xffff;
	v1 =	vadd.f32 v1, v2;
	v2 =	vmul.f32 v57, v28;
	v38 =	vsub.f32 v14, v24  }
0x1fa: {  	vm2 =	vmand vm2, vm6;
	vm0 =	vmneg vm0;
	v0 =	vld.idx.msk [tilespmem:v40+s16+$0x0], $0xffff;
	v15 =	vmovc v6;
	v57 =	vsub.f32 v26, v27  }
0x1fb: {  	v6 =	vmovc v25;
	v25 =	vld.idx.msk [tilespmem:v23+s11+$0x0], $0xffff;
	v23 =	vmovc v3;
	v1 =	vsub.f32 $0.0e+00, v1;
	v39 =	vsub.f32 v2, v4;
	vm12 =	vle.f32 v38, $0.0e+00  }
0x1fc: {  	v47 =	vsub.f32 v28, v47;
	v3 =	vld.idx.msk [tilespmem:v41+s14+$0x0], $0xffff;
	vm13 =	vle.f32 v57, $0.0e+00;
	vm12 =	vmand vm12, vm5  }
0x1fd: {  	v14 =	vld.idx.msk [tilespmem:v41+s16+$0x0], $0xffff;
	vm5 =	vmand vm10, vm13;
	v1 =	vmax.f32 v1, $0.0e+00;
	vm11 =	vle.f32 v39, $0.0e+00  }
0x1fe: {  	v2 =	vld.idx.msk [tilespmem:v40+s15+$0x0], $0xffff;
	v4 =	vsel vm5, $0x2, v16;
	vm15 =	vmand vm11, vm4;
	vm4 =	vmand vm12, vm9  }
0x1ff: {  	v7 =	vadd.f32 v1, v7;
	v1 =	vld.idx.msk [tilespmem:v40+s14+$0x0], $0xffff;
	vm3 =	vmand vm15, vm3;
	v4 =	vsel vm4, $0x3, v4  }
0x200: {  	vm13 =	vmneg vm1;
	vm1 =	vmand vm7, vm8;
	v24 =	vld.idx.msk [tilespmem:v23+s5+$0x0], $0xffff;
	v4 =	vsel vm3, $0x1, v4  }
0x201: {  	[tilespmem:$0x1FF00] =	vst v5;
	v56 =	vsub.f32 v30, v56;
	v34 =	vld.idx.msk [tilespmem:v33+s16+$0x0], $0xffff;
	vm0 =	vmor vm13, vm0;
	v4 =	vsel vm1, $0x6, v4  }
0x202: {  	v5 =	vmovc v53;
	[tilespmem:$0x1FF20] =	vst v6;
	v47 =	vmax.f32 v47, $9.999999960e-13;
	vm7 =	vmand vm0, vm2;
	v4 =	vsel vm2, $0x5, v4  }
0x203: {  	v6 =	vmovc v35;
	v35 =	vld.idx.msk [tilespmem:v33+s14+$0x0], $0xffff;
	v27 =	vsel vm7, v0, v14;
	v53 =	vsel vm7, v2, v32;
	v4 =	vnsel vm0, $0x4, v4  }
0x204: {  	v52 =	vld.idx.msk [tilespmem:v33+s15+$0x0], $0xffff;
	v9 =	vmovc v31;
	v26 =	vsel vm7, v1, v3;
	vm6 =	vgt.u32 v4, $0x3;
	v31 =	vadd.s32 $0xFFFFFFFF, v4  }
0x205: {  	v41 =	vld.idx.msk [tilespmem:v23+s9+$0x0], $0xffff;
	v33 =	vmovc v24;
	vm14 =	veq.s32 v4, $0x0;
	v24 =	vmax.u32 v4, $0x1;
	vm15 =	vlt.u32 v4, $0x5  }
0x206: {  	[tilespmem:$0x1FF80] =	vst v5;
	v5 =	vmovc v48;
	v40 =	vld.idx.msk [tilespmem:v23+s7+$0x0], $0xffff;
	v4 =	vand.u32 $0xFF, v4;
	v12 =	vnsel vm14, $0x0, v12;
	v54 =	vsel vm15, v34, v27  }
0x207: {  	vm7 =	vlt.u32 v31, $0x3;
	v27 =	vmulhi.u32 $0x55555556, v4;
	v31 =	vnsel vm14, $0x0, v25  }
0x208: {  	v25 =	vmin.u32 v24, $0x3;
	v55 =	vnsel vm14, $0x0, v29;
	v26 =	vsel vm15, v35, v26  }
0x209: {  	[tilespmem:$0x1FF10] =	vst v5;
	v5 =	vmovc v50;
	v59 =	vsel vm15, v52, v53;
	v29 =	vadd.s32 $0xFFFFFFFF, v25;
	v27 =	vmul.u32 $0x3, v27  }
0x20a: {  	v60 =	vsel vm6, v26, v31;
	vm12 =	veq.s32 v29, $0x0;
	vm13 =	veq.s32 v29, $0x1  }
0x20b: {  	v21 =	vmovc v37;
	s22 =	sand.u32 $0xF0, s21;
	v61 =	vsel vm13, v0, v14;
	v4 =	vsub.s32 v4, v27;
	v27 =	vsel vm13, v1, v3  }
0x20c: {  	v36 =	vld [tilespmem:s22+$0x13000];
	[tilespmem:$0x1FEE0] =	vst v5;
	v5 =	vmovc v42;
	v63 =	vsel vm13, v2, v32;
	v62 =	vsel vm12, v35, v27;
	vm14 =	veq.s32 v4, $0x1  }
0x20d: {  	[tilespmem:$0x1FFA0] =	vst v7;
	v42 =	vld.idx.msk [tilespmem:v41+s4+$0x0], $0xffff;
	vm15 =	veq.s32 v4, $0x0;
	v1 =	vsel vm14, v1, v3;
	v2 =	vsel vm14, v2, v32  }
0x20e: {  	v7 =	vld.idx.msk [tilespmem:v40+s8+$0x0], $0xffff;
	v3 =	vsel vm12, v52, v63;
	v1 =	vsel vm15, v35, v1;
	v2 =	vsel vm15, v52, v2  }
0x20f: {  	v31 =	vld.idx.msk [tilespmem:v41+s8+$0x0], $0xffff;
	v0 =	vsel vm14, v0, v14;
	v1 =	vadd.f32 v62, v1;
	v2 =	vadd.f32 v3, v2  }
0x210: {  	v37 =	vld.idx.msk [tilespmem:v40+s4+$0x0], $0xffff;
	v4 =	vsel vm12, v34, v61;
	v0 =	vsel vm15, v34, v0;
	v3 =	vsel vm6, v59, v55  }
0x211: {  	v25 =	vld.idx.msk [tilespmem:v33+s8+$0x0], $0xffff;
	v0 =	vadd.f32 v4, v0;
	v43 =	vsel vm7, v1, v60;
	v44 =	vsel vm7, v2, v3  }
0x212: {  	v29 =	vld.idx.msk [tilespmem:v33+s6+$0x0], $0xffff;
	v1 =	vsel vm6, v54, v12;
	v2 =	vmul.f32 v43, v43;
	v3 =	vmul.f32 v44, v44  }
0x213: {  	v56 =	vmax.f32 v56, $9.999999960e-13;
	(erf) = vrcp.f32 v47;
	v27 =	vld.idx.msk [tilespmem:v33+s4+$0x0], $0xffff;
	v46 =	vsel vm7, v0, v1  }
0x214: {  	v47 =	vadd.f32 v58, v45;
	v32 =	vld.idx.msk [tilespmem:v40+s6+$0x0], $0xffff;
	v1 =	vmul.f32 v46, v46;
	v0 =	vadd.f32 v3, v2  }
0x215: {  	s20 =	sadd.s32 $0x10, s20;
	(erf) = vrcp.f32 v56;
	v35 =	vld.idx.msk [tilespmem:v41+s6+$0x0], $0xffff  }
0x216: {  	v57 =	vadd.f32 v38, v57;
	v47 =	vmax.f32 v47, $9.999999960e-13;
	v34 =	vld [tilespmem:s20+$0x0];
	v0 =	vadd.f32 v0, v1  }
0x217: {  	(erf) = vrcp.f32 v47;
	v24 =	vld [tilespmem:s22+$0x13100];
	v49 =	vsub.f32 v7, v25;
	v48 =	vsub.f32 v31, v25  }
0x218: {  	v14 =	vsub.f32 v36, v29;
	v54 =	vsub.f32 v9, v15;
	v55 =	vmax.f32 v0, $1.000000000e-30  }
0x219: {  	v53 =	vsub.f32 v42, v27;
	v1 =	vshra.s32 v55, $0x1;
	v12 =	vmul.f32 $5.000000000e-01, v55  }
0x21a: {  	v50 =	vsub.f32 v32, v29;
	v62 =	vsub.f32 v36, v32;
	v1 =	vsub.s32 $0x5F3759DF, v1  }
0x21b: {  	v51 =	vsub.f32 v35, v29;
	v59 =	vsub.f32 v34, v37;
	v61 =	vmul.f32 v1, v12  }
0x21c: {  	v2 =	vsub.f32 v24, v25;
	v17 =	vmul.f32 v14, v50;
	v56 =	vmul.f32 v62, v50  }
0x21d: {  	v8 =	vmovc v15;
	v3 =	vsub.f32 v24, v7;
	v14 =	vmul.f32 v14, v51;
	v15 =	vmul.f32 v1, v61  }
0x21e: {  	v52 =	vsub.f32 v37, v27;
	v18 =	vmul.f32 v59, v53;
	v60 =	vmul.f32 v2, v49  }
0x21f: {  	[tilespmem:$0x1FFB0] =	vst v7;
	v63 =	vmul.f32 v2, v48;
	v7 =	vmul.f32 v3, v49;
	v15 =	vsub.f32 $1.500000000e+00, v15  }
0x220: {  	[tilespmem:$0x1FFC0] =	vst v9;
	v2 =	vsub.f32 v34, v42;
	v9 =	vmul.f32 v3, v48;
	v3 =	vsub.f32 v36, v35  }
0x221: {  	v57 =	vadd.f32 v57, v39;
	v19 =	vmul.f32 v62, v51;
	v1 =	vmul.f32 v1, v15  }
0x222: {  	v0 =	vsub.f32 v34, v27;
	v47 =	vmul.f32 v2, v52;
	v20 =	vmul.f32 v3, v50  }
0x223: {  	v13 =	vmovc v21;
	v62 =	vsub.f32 v5, v21;
	v21 =	vmul.f32 v2, v53;
	v58 =	vmul.f32 v1, v12  }
0x224: {  	v4 =	vsub.f32 v24, v31;
	v16 =	vmul.f32 v0, v52;
	v0 =	vmul.f32 v0, v53  }
0x225: {  	v2 =	vmax.f32 v57, $9.999999960e-13;
	v3 =	vmul.f32 v3, v51;
	v58 =	vmul.f32 v58, v1  }
0x226: {  	v16 =	vadd.f32 v17, v16;
	v14 =	vadd.f32 v14, v0;
	v15 =	vmul.f32 v59, v52  }
0x227: {  	(erf) = vrcp.f32 v2;
	v17 =	vadd.f32 v19, v18;
	v19 =	vld [tilespmem:$0x1FF00];
	v57 =	vsub.f32 $1.500000000e+00, v58  }
0x228: {  	p1 =	sne.s32 s21, $0xF0;
	v0 =	vadd.f32 v20, v47;
	v20 =	vld [tilespmem:$0x1FF10];
	v61 =	vmul.f32 v4, v49;
	v15 =	vadd.f32 v56, v15  }
.Ltmp2:
0x229: {  	v3 =	vadd.f32 v3, v21;
	v2 =	vmul.f32 v57, v1;
	v1 =	vmul.f32 v4, v48;
	v4 =	vpop (erf);
	(pc) =	sbr.rel @p1 .LBB2_6-.Ltmp2, $4  }
0x22a: {  	v59 =	vsub.f32 v6, v11;
	v47 =	vadd.f32 v7, v15;
	v18 =	vpop (erf);
	v56 =	vmul.f32 v4, v28  }
0x22b: {  	v22 =	vmovc v5;
	v57 =	vadd.f32 v9, v17;
	v5 =	vmul.f32 v2, v12;
	v58 =	vmul.f32 v18, v30  }
0x22c: {  	v10 =	vmovc v11;
	v26 =	vmovc v6;
	v6 =	vld [tilespmem:$0x1FEE0];
	v28 =	vadd.f32 v60, v16;
	v16 =	vimm.s32 $0x0;
	v60 =	vmul.f32 v56, v19  }
0x22d: {  	s21 =	sadd.s32 $0x10, s21;
	v11 =	vld [tilespmem:$0x1FEF0];
	v30 =	vadd.f32 v63, v14;
	v12 =	vpop (erf);
	v4 =	vmul.f32 v5, v2;
	v63 =	vmul.f32 v58, v20  }
0x22e: {  	v0 =	vadd.f32 v61, v0  }
0x22f: {  	v61 =	vadd.f32 v1, v3;
	v18 =	vmul.f32 v57, v28;
	vm6 =	vle.f32 v57, v47  }
0x230: {  	v17 =	vsub.f32 v57, v47;
	vm10 =	vle.f32 v28, $0.0e+00;
	vm13 =	vge.f32 v47, $0.0e+00  }
0x231: {  	vm7 =	vle.f32 v47, $0.0e+00;
	v21 =	vmul.f32 v30, v47;
	v7 =	vmul.f32 v30, v0  }
0x232: {  	vm12 =	vle.f32 v30, $0.0e+00;
	v9 =	vmul.f32 v61, v28;
	v14 =	vmul.f32 v61, v47  }
0x233: {  	v15 =	vmul.f32 v57, v0;
	vm9 =	vle.f32 v0, v61;
	v0 =	vsub.f32 v0, v61  }
0x234: {  	v4 =	vsub.f32 $1.500000000e+00, v4;
	vm8 =	vge.f32 v17, $0.0e+00;
	v5 =	vsub.f32 v7, v9  }
0x235: {  	v1 =	vsub.f32 v18, v21;
	v15 =	vsub.f32 v14, v15;
	vm11 =	vge.f32 v0, $0.0e+00  }
0x236: {  	vm14 =	vle.f32 v61, $0.0e+00;
	vm8 =	vmand vm8, vm11;
	vm15 =	vle.f32 v5, $0.0e+00  }
0x237: {  	vm11 =	vle.f32 v15, $0.0e+00;
	vm14 =	vmand vm15, vm14;
	vm15 =	vle.f32 v1, $0.0e+00  }
0x238: {  	vm11 =	vmand vm8, vm11;
	vm8 =	vge.f32 v30, $0.0e+00;
	vm15 =	vmand vm15, vm7  }
0x239: {  	vm7 =	vge.f32 v28, $0.0e+00;
	vm14 =	vmand vm14, vm8;
	v18 =	vsel vm11, $0x2, v16  }
0x23a: {  	[tilespmem:$0x1FEA0] =	vst v0;
	vm8 =	vge.f32 v61, $0.0e+00;
	vm7 =	vmand vm15, vm7;
	v0 =	vsel vm14, $0x3, v18  }
0x23b: {  	v3 =	vld.idx.msk [tilespmem:v40+s14+$0x0], $0xffff;
	vm12 =	vmneg vm12;
	vm9 =	vmand vm8, vm9;
	v0 =	vsel vm7, $0x1, v0  }
0x23c: {  	[tilespmem:$0x1FE90] =	vst v17;
	v17 =	vld.idx.msk [tilespmem:v23+s11+$0x0], $0xffff;
	vm15 =	vmneg vm10;
	vm10 =	vmand vm13, vm6;
	v0 =	vsel vm9, $0x6, v0  }
0x23d: {  	v2 =	vmul.f32 v4, v2;
	v4 =	vld.idx.msk [tilespmem:v41+s15+$0x0], $0xffff;
	vm6 =	vmor vm15, vm12;
	v0 =	vsel vm10, $0x5, v0  }
0x23e: {  	[tilespmem:$0x1FEC0] =	vst v15;
	v15 =	vld.idx.msk [tilespmem:v41+s14+$0x0], $0xffff;
	v0 =	vnsel vm6, $0x4, v0  }
0x23f: {  	v7 =	vld.idx.msk [tilespmem:v40+s15+$0x0], $0xffff;
	v21 =	vand.u32 $0xFF, v0  }
0x240: {  	[tilespmem:$0x1FED0] =	vst v1;
	v1 =	vld.idx.msk [tilespmem:v40+s16+$0x0], $0xffff;
	v40 =	vmulhi.u32 $0x55555556, v21  }
0x241: {  	v12 =	vmul.f32 v12, v45;
	v9 =	vld.idx.msk [tilespmem:v41+s16+$0x0], $0xffff  }
0x242: {  	v57 =	vmul.f32 v2, v55;
	v18 =	vld.idx.msk [tilespmem:v33+s14+$0x0], $0xffff;
	vm8 =	vmand vm6, vm10;
	v16 =	vmul.u32 $0x3, v40  }
0x243: {  	v55 =	vsel vm8, v3, v15;
	v45 =	vmax.u32 v0, $0x1;
	vm12 =	vgt.u32 v0, $0x3  }
0x244: {  	vm13 =	veq.s32 v0, $0x0;
	v14 =	vsub.s32 v21, v16;
	v16 =	vmin.u32 v45, $0x3  }
0x245: {  	[tilespmem:$0x1FEB0] =	vst v5;
	v5 =	vmovc v19;
	v19 =	vld.idx.msk [tilespmem:v33+s16+$0x0], $0xffff;
	vm15 =	vlt.u32 v0, $0x5;
	v0 =	vadd.s32 $0xFFFFFFFF, v0;
	v16 =	vadd.s32 $0xFFFFFFFF, v16  }
0x246: {  	v40 =	vsel vm8, v7, v4;
	v21 =	vld.idx.msk [tilespmem:v33+s15+$0x0], $0xffff;
	v33 =	vsel vm8, v1, v9;
	vm8 =	veq.s32 v16, $0x1  }
0x247: {  	v2 =	vmovc v20;
	v17 =	vnsel vm13, $0x0, v17;
	v20 =	vsel vm15, v18, v55;
	v41 =	vsel vm8, v3, v15  }
0x248: {  	v45 =	vsel vm8, v1, v9;
	v55 =	vsel vm8, v7, v4;
	vm8 =	veq.s32 v14, $0x1  }
0x249: {  	v17 =	vsel vm12, v20, v17;
	v3 =	vsel vm8, v3, v15;
	v4 =	vsel vm8, v7, v4  }
0x24a: {  	v7 =	vld.idx.msk [tilespmem:v23+s12+$0x0], $0xffff;
	v1 =	vsel vm8, v1, v9;
	vm8 =	veq.s32 v16, $0x0;
	v9 =	vsel vm15, v19, v33  }
0x24b: {  	v33 =	vsel vm15, v21, v40;
	vm15 =	veq.s32 v14, $0x0;
	v40 =	vld.idx.msk [tilespmem:v23+s13+$0x0], $0xffff;
	v16 =	vsel vm8, v18, v41  }
0x24c: {  	v41 =	vsel vm8, v21, v55;
	v55 =	vsel vm8, v19, v45;
	v3 =	vsel vm15, v18, v3  }
0x24d: {  	v4 =	vsel vm15, v21, v4;
	v1 =	vsel vm15, v19, v1;
	v3 =	vadd.f32 v16, v3  }
0x24e: {  	vm15 =	vlt.u32 v0, $0x3;
	v4 =	vadd.f32 v41, v4;
	v1 =	vadd.f32 v55, v1;
	v41 =	vld [tilespmem:$0x1FF80]  }
0x24f: {  	v20 =	vpop (erf);
	v55 =	vld [tilespmem:$0x1FF90];
	v16 =	vmul.f32 v12, v62;
	v7 =	vnsel vm13, $0x0, v7;
	v23 =	vsel vm15, v3, v17  }
0x250: {  	v3 =	vmul.f32 v20, v39;
	v7 =	vsel vm12, v33, v7;
	v19 =	vnsel vm13, $0x0, v40  }
0x251: {  	v62 =	vld [tilespmem:$0x1FF70];
	v21 =	vmul.f32 v23, v23;
	v0 =	vsel vm12, v9, v19;
	v9 =	vmul.f32 v20, v38  }
0x252: {  	v33 =	vsel vm15, v4, v7;
	v4 =	vmul.f32 v12, v54;
	v12 =	vmul.f32 v12, v59  }
0x253: {  	v7 =	vmul.f32 v33, v33;
	v38 =	vsel vm15, v1, v0;
	v1 =	vmul.f32 v58, v41  }
0x254: {  	v39 =	vld [tilespmem:$0x1FF30];
	v16 =	vadd.f32 v16, v13;
	v14 =	vmul.f32 v3, v41;
	v15 =	vmul.f32 v3, v55  }
0x255: {  	v3 =	vmul.f32 v3, v2;
	v45 =	vmul.f32 v38, v38;
	v40 =	vadd.f32 v7, v21  }
0x256: {  	v54 =	vadd.f32 $1.000000010e-10, v57;
	v59 =	vmul.f32 v56, v62;
	v7 =	vmul.f32 v58, v55  }
0x257: {  	v58 =	vmul.f32 v9, v5;
	v5 =	vmul.f32 v9, v62;
	v0 =	vadd.f32 v40, v45  }
0x258: {  	(erf) = vrcp.f32 v54;
	v12 =	vadd.f32 v12, v10;
	v9 =	vmul.f32 v9, v6  }
0x259: {  	v62 =	vmul.f32 v56, v6;
	v18 =	vadd.f32 v5, v39;
	v5 =	vld [tilespmem:$0x1FF20];
	v0 =	vmax.f32 v0, $1.000000000e-30  }
0x25a: {  	v6 =	vsub.f32 v28, v47;
	v45 =	vshra.s32 v0, $0x1;
	v20 =	vmul.f32 $5.000000000e-01, v0  }
0x25b: {  	v4 =	vadd.f32 v4, v8;
	v21 =	vsub.f32 v30, v61;
	v19 =	vsub.s32 $0x5F3759DF, v45  }
0x25c: {  	v1 =	vadd.f32 v1, v39;
	v40 =	vmax.f32 v6, $9.999999960e-13;
	v55 =	vmul.f32 v19, v20  }
0x25d: {  	v9 =	vadd.f32 v9, v11;
	v41 =	vmax.f32 v21, $9.999999960e-13;
	(erf) = vrcp.f32 v40  }
0x25e: {  	v54 =	vld [tilespmem:$0x1FE90];
	v57 =	vadd.f32 v18, v14;
	v17 =	vadd.f32 v58, v5;
	v58 =	vmul.f32 v19, v55  }
0x25f: {  	v7 =	vadd.f32 v7, v11;
	v9 =	vadd.f32 v9, v15;
	(erf) = vrcp.f32 v41;
	v55 =	vld [tilespmem:$0x1FEA0]  }
0x260: {  	v15 =	vadd.f32 v59, v39;
	v2 =	vsel vm5, v16, v57;
	v57 =	vld [tilespmem:$0x1FEB0];
	v14 =	vsub.f32 $1.500000000e+00, v58  }
0x261: {  	v9 =	vsel vm5, v12, v9;
	v3 =	vadd.f32 v17, v3;
	v17 =	vadd.f32 v62, v11;
	v58 =	vld [tilespmem:$0x1FEC0]  }
0x262: {  	v1 =	vsel vm4, v1, v2;
	v7 =	vsel vm4, v7, v9;
	v12 =	vmul.f32 v19, v14  }
0x263: {  	v61 =	vld [tilespmem:$0x1FED0];
	v47 =	vadd.f32 v63, v5;
	v2 =	vsel vm5, v4, v3;
	v63 =	vsel vm3, v17, v7  }
0x264: {  	v4 =	vsel vm1, v26, v63;
	v56 =	vadd.f32 v55, v54;
	v45 =	vmul.f32 v12, v20  }
0x265: {  	v1 =	vsel vm3, v15, v1;
	v4 =	vsel vm2, v10, v4  }
0x266: {  	v15 =	vld [tilespmem:$0x1FF40];
	v59 =	vadd.f32 v57, v58;
	v14 =	vmax.f32 v56, $9.999999960e-13;
	v3 =	vmul.f32 v45, v12  }
0x267: {  	v1 =	vsel vm1, v22, v1;
	v4 =	vsel vm0, v4, v11;
	v11 =	vld [tilespmem:$0x1FF50];
	(erf) = vrcp.f32 v14  }
0x268: {  	v16 =	vpop (erf);
	v1 =	vsel vm2, v13, v1;
	v62 =	vadd.f32 v59, v61;
	v3 =	vsub.f32 $1.500000000e+00, v3  }
0x269: {  	v9 =	vmul.f32 v16, v43;
	v1 =	vsel vm0, v1, v39;
	v17 =	vld [tilespmem:$0x1FFC0];
	v7 =	vmul.f32 v16, v46  }
0x26a: {  	v2 =	vsel vm4, v47, v2;
	v3 =	vmul.f32 v3, v12;
	v12 =	vmax.f32 v62, $9.999999960e-13  }
0x26b: {  	v18 =	vmovc v8;
	v1 =	vsub.f32 v15, v1;
	v14 =	vadd.f32 v60, v5;
	(erf) = vrcp.f32 v12  }
0x26c: {  	v43 =	vld [tilespmem:$0x1FF60];
	v10 =	vmul.f32 v16, v44;
	v4 =	vsub.f32 v11, v4;
	v11 =	vpop (erf);
	v8 =	vmul.f32 v3, v20  }
0x26d: {  	v26 =	vld [tilespmem:$0x1FFB0];
	v1 =	vmul.f32 v9, v1;
	v2 =	vsel vm3, v14, v2;
	v9 =	vmul.f32 v11, v28;
	v20 =	vpop (erf)  }
0x26e: {  	v2 =	vsel vm1, v17, v2;
	v11 =	vmul.f32 v20, v30;
	v8 =	vmul.f32 v8, v3  }
0x26f: {  	v2 =	vsel vm2, v18, v2;
	v4 =	vmul.f32 v10, v4;
	v10 =	vsub.f32 v42, v37  }
0x270: {  	v2 =	vsel vm0, v2, v5;
	v22 =	vpop (erf);
	v41 =	vmul.f32 v11, v53;
	v8 =	vsub.f32 $1.500000000e+00, v8  }
0x271: {  	v2 =	vsub.f32 v43, v2;
	v46 =	vmul.f32 v11, v51;
	v6 =	vmul.f32 v22, v54  }
0x272: {  	v11 =	vmul.f32 v11, v48;
	v3 =	vmul.f32 v8, v3;
	v8 =	vsub.f32 v31, v26  }
0x273: {  	v30 =	vsub.f32 v35, v32;
	v54 =	vmul.f32 v9, v52;
	v10 =	vmul.f32 v6, v10  }
0x274: {  	v1 =	vadd.f32 v4, v1;
	v8 =	vmul.f32 v6, v8;
	v0 =	vmul.f32 v3, v0;
	v39 =	vpop (erf)  }
0x275: {  	v55 =	vadd.f32 v41, v27;
	v6 =	vmul.f32 v6, v30;
	v40 =	vmul.f32 v39, v57  }
0x276: {  	v10 =	vadd.f32 v10, v37;
	v3 =	vmul.f32 v39, v61;
	v57 =	vadd.f32 v11, v25  }
0x277: {  	v0 =	vadd.f32 $1.000000010e-10, v0;
	v6 =	vadd.f32 v6, v32;
	v44 =	vmul.f32 v40, v52  }
0x278: {  	v56 =	vadd.f32 v8, v26;
	v45 =	vmul.f32 v40, v50;
	v47 =	vmul.f32 v3, v53  }
0x279: {  	v8 =	vadd.f32 v54, v27;
	v5 =	vmul.f32 v40, v49;
	v51 =	vmul.f32 v3, v51  }
0x27a: {  	v3 =	vmul.f32 v3, v48;
	(erf) = vrcp.f32 v0;
	v13 =	vadd.f32 v44, v27  }
0x27b: {  	v53 =	vmul.f32 v9, v49;
	v4 =	vadd.f32 v45, v29;
	v5 =	vadd.f32 v5, v25  }
0x27c: {  	v9 =	vmul.f32 v9, v50;
	v0 =	vadd.f32 v46, v29;
	v13 =	vadd.f32 v13, v47  }
0x27d: {  	v4 =	vadd.f32 v4, v51;
	v3 =	vadd.f32 v5, v3  }
0x27e: {  	v9 =	vadd.f32 v9, v29;
	v59 =	vadd.f32 v53, v25  }
0x27f: {  	v10 =	vsel vm11, v10, v13;
	v4 =	vsel vm11, v6, v4;
	v3 =	vsel vm11, v56, v3  }
0x280: {  	v5 =	vsel vm14, v55, v10;
	v0 =	vsel vm14, v0, v4;
	v3 =	vsel vm14, v57, v3  }
0x281: {  	v58 =	vsel vm7, v8, v5;
	v0 =	vsel vm7, v9, v0;
	v3 =	vsel vm7, v59, v3  }
0x282: {  	v4 =	vsel vm9, v42, v58;
	v0 =	vsel vm9, v35, v0;
	v3 =	vsel vm9, v31, v3  }
0x283: {  	v4 =	vsel vm10, v37, v4;
	v0 =	vsel vm10, v32, v0;
	v3 =	vsel vm10, v26, v3;
	v60 =	vpop (erf)  }
0x284: {  	v4 =	vsel vm6, v4, v27;
	v0 =	vsel vm6, v0, v29;
	v61 =	vmul.f32 v60, v23  }
0x285: {  	v8 =	vmul.f32 v60, v33;
	v4 =	vsub.f32 v34, v4;
	v0 =	vsub.f32 v36, v0  }
0x286: {  	v2 =	vmul.f32 v7, v2;
	v3 =	vsel vm6, v3, v25;
	v5 =	vmul.f32 v60, v38  }
0x287: {  	v3 =	vsub.f32 v24, v3;
	v4 =	vmul.f32 v61, v4;
	v0 =	vmul.f32 v8, v0;
	_ =	sdelay $0x1  }
0x288: {  	v63 =	vld [tilespmem:$0x1FFA0];
	v1 =	vadd.f32 v1, v2;
	v62 =	vmul.f32 v5, v3;
	v0 =	vadd.f32 v0, v4;
	_ =	sdelay $0x1  }
0x289: {  	v1 =	vsub.f32 $0.0e+00, v1;
	v0 =	vadd.f32 v0, v62;
	_ =	sdelay $0x1  }
0x28a: {  	v1 =	vmax.f32 v1, $0.0e+00;
	v0 =	vsub.f32 $0.0e+00, v0  }
0x28b: {  	v1 =	vadd.f32 v1, v63  }
0x28c: {  	v0 =	vmax.f32 v0, $0.0e+00  }
0x28d: {  	v0 =	vadd.f32 v0, v1;
	_ =	sdelay $0x1  }
0x28e: {  	s18 =	rddreg [dreg:$0x16];
	s20 =	simm.s32 $0x13300;
	[tilespmem:$0x13300] =	vst v0  }
0x28f: {  	[spmem:s18] =	stream.linear.scatter [tilespmem:s20], [sflag:$0x1], $0x10, $0x38;
	[tilespmem:$0x13E10] =	vst v63  }
0x290: {  	_ =	swait.ge [sflag:s2], $0x10  }
0x291: {  	[sflag:s2] =	ssyncset.done $0x0  }
0x292: {  	[sflag:s2] =	ssyncadd.s32 $0xFFFFFFF0  }
0x293: {  	[bflag:$0x0] =	sbarrier.arrive $0xFFFF  }
0x294: {  	s18 =	simm.s32 @!p0 $0x13380;
	s20 =	rddreg [dreg:$0x4]  }
0x295: {  	[tilespmem:s18], [sflag:$0x1] =	stream.linear.gather @!p0 [spmem:s20], $0x100, $0x38;
	[tilespmem:$0x13E10] =	vst v63  }
0x296: {  	s18 =	simm.s32 @!p0 $0x1  }
0x297: {  	_ =	swait.ge @!p0 [sflag:s18], $0x100  }
0x298: {  	[sflag:s18] =	ssyncset.done @!p0 $0x0  }
0x299: {  	[sflag:s18] =	ssyncadd.s32 @!p0 $0xFFFFFF00  }
0x29a: {  	v0 =	vld @!p0 [tilespmem:$0x13380];
	_ =	sdelay $0x1  }
0x29b: {  	v1 =	vld @!p0 [tilespmem:$0x13390];
	_ =	sdelay $0x1  }
0x29c: {  	v2 =	vld @!p0 [tilespmem:$0x133A0]  }
0x29d: {  	v0 =	vadd.f32 @!p0 $0.0e+00, v0  }
0x29e: {  	v3 =	vld @!p0 [tilespmem:$0x133B0]  }
0x29f: {  	v0 =	vadd.f32 @!p0 v1, v0  }
0x2a0: {  	v1 =	vld @!p0 [tilespmem:$0x133C0]  }
0x2a1: {  	v0 =	vadd.f32 @!p0 v2, v0  }
0x2a2: {  	v2 =	vld @!p0 [tilespmem:$0x133D0]  }
0x2a3: {  	v0 =	vadd.f32 @!p0 v3, v0  }
0x2a4: {  	v3 =	vld @!p0 [tilespmem:$0x133E0]  }
0x2a5: {  	v0 =	vadd.f32 @!p0 v1, v0  }
0x2a6: {  	v1 =	vld @!p0 [tilespmem:$0x133F0]  }
0x2a7: {  	v0 =	vadd.f32 @!p0 v2, v0  }
0x2a8: {  	v2 =	vld @!p0 [tilespmem:$0x13400]  }
0x2a9: {  	v0 =	vadd.f32 @!p0 v3, v0  }
0x2aa: {  	v3 =	vld @!p0 [tilespmem:$0x13410]  }
0x2ab: {  	v0 =	vadd.f32 @!p0 v1, v0  }
0x2ac: {  	v1 =	vld @!p0 [tilespmem:$0x13420]  }
0x2ad: {  	v0 =	vadd.f32 @!p0 v2, v0  }
0x2ae: {  	v2 =	vld @!p0 [tilespmem:$0x13430]  }
0x2af: {  	v0 =	vadd.f32 @!p0 v3, v0  }
0x2b0: {  	v3 =	vld @!p0 [tilespmem:$0x13440]  }
0x2b1: {  	v0 =	vadd.f32 @!p0 v1, v0  }
0x2b2: {  	v1 =	vld @!p0 [tilespmem:$0x13450]  }
0x2b3: {  	v0 =	vadd.f32 @!p0 v2, v0  }
0x2b4: {  	v2 =	vld @!p0 [tilespmem:$0x13460]  }
0x2b5: {  	v0 =	vadd.f32 @!p0 v3, v0  }
0x2b6: {  	v3 =	vld @!p0 [tilespmem:$0x13470]  }
0x2b7: {  	v0 =	vadd.f32 @!p0 v1, v0;
	_ =	sdelay $0x1  }
0x2b8: {  	v0 =	vadd.f32 @!p0 v2, v0;
	_ =	sdelay $0x1  }
0x2b9: {  	v0 =	vadd.f32 @!p0 v3, v0;
	_ =	sdelay $0x1  }
0x2ba: {  	(xrf2) =	vadd.scan.msk.f32 @!p0 $0xffff, v0;
	_ =	sdelay $0x9  }
0x2bb: {  	v0, _, _ =	vpop @!p0 (xrf2)  }
0x2bc: {  	v0 =	vadd.f32 @!p0 $0.0e+00, v0;
	_ =	sdelay $0x1  }
0x2bd: {  	v0 =	vbroadcast @!p0 v0, $0xF  }
0x2be: {  	s21 =	simm.s32 @!p0 $0x13480;
	s17 =	sadd.s32 $0x1, s17  }
0x2bf: {  	p1 =	sne.s32 s17, s24;
	s20 =	simm.s32 @!p0 $0x0;
	s22 =	rddreg [dreg:$0x12];
	[tilespmem:$0x13480] =	vst @!p0 v0  }
0x2c0: {  	[hbm4b:s22+s20] =	stream.linear.scatter @!p0 [tilespmem:s21], [sflag:$0x1], $0x10, $0x38;
	[tilespmem:$0x13E10] =	vst v63  }
.Ltmp3:
0x2c1: {  	_ = 	snop;
	(pc) =	sbr.rel @p1 .LBB2_1-.Ltmp3, $4  }
0x2c2: {  	_ =	swait.ge @!p0 [sflag:s18], $0x10  }
0x2c3: {  	v9 =	vld [tilespmem:$0x1FFD0]  }
0x2c4: {  	[sflag:s18] =	ssyncset.done @!p0 $0x0;
	v10 =	vld [tilespmem:$0x1FFE0]  }
0x2c5: {  	v11 =	vld [tilespmem:$0x1FFF0];
	[sflag:s18] =	ssyncadd.s32 @!p0 $0xFFFFFFF0  }
0x2c6: {  	_ =	sfence.sel $0x180000  }
0x2c7: {  	[bflag:$0x0] =	sbarrier.arrive $0xFFFF  }
0x2c8: {  	_ =	strace $0x90000047  }
0x2c9: {  	[bflag:$0x2] =	sbarrier.arrive $0xFFFF  }
0x2ca: {  	s0 =	rddreg [dreg:$0x5]  }
0x2cb: {  	s0 =	sadd.s32 @!p0 $0x100000, s0  }
0x2cc: {  	[sflag:s0] =	ssyncadd.tile.s32 @!p0 $0x1;
	_ =	shalt  }
.Lfunc_end2:
_tile_overlayer_lowered:
.L_overlay_start_2:
0x2cd: {  	(tag) =	ssettag $0x2  }
0x2ce: {  	s0 =	rddreg [dreg:$0x0];
	s2 =	stileid.u32  }
0x2cf: {  	s1 =	rddreg [dreg:$0x1];
	p0 =	sne.s32 s2, $0x0  }
0x2d0: {  	s3 =	rddreg [dreg:$0x2];
	[bflag:$0x3] =	sbarrier.arrive $0xFFFF;
	s2 =	simm.s32 @!p0 $0x1C01  }
0x2d1: {  	[timem:s3], [sflag:s2] =	dma.local @!p0 [hbm:s0], s1  }
0x2d2: {  	s0 =	simm.s32 @!p0 $0x1  }
0x2d3: {  	_ =	swait.ge @!p0 [sflag:s0], s1  }
0x2d4: {  	s1 =	ssub.s32 @!p0 $0x0, s1;
	[sflag:s0] =	ssyncset.done @!p0 $0x0  }
0x2d5: {  	[sflag:s0] =	ssyncadd.s32 @!p0 s1  }
0x2d6: {  	[bflag:$0x3] =	sbarrier.arrive $0xFFFF  }
0x2d7: {  	_ =	shalt  }

</sc_bundles>
